<compile_context>
chip_gen: v7x
topology: tpu7x:2x2x1
jax: 0.10.2.dev20260603
libtpu: 0.0.44.dev20260713+nightly
codegen_flags: <defaults>
</compile_context>

<pallas_src>
import functools

import jax
import jax.numpy as jnp
from jax import lax
from jax.experimental import pallas as pl
from jax.experimental.pallas import tpu as pltpu
from jax.experimental.pallas import tpu_sc as plsc

N = 10000
D = 128
HID = 256
E = 320000
NC = 2
NS = 16
NW = NC * NS
EW = E // NW
CH = 128
NCHK = 80
HCH = NCHK // 2
EWP = NCHK * CH
NPAD = 10240
TR = NPAD // NS
BN = 400

_mesh = plsc.VectorSubcoreMesh(core_axis_name="c", subcore_axis_name="s")


@functools.partial(
    pl.kernel,
    mesh=_mesh,
    out_type=jax.ShapeDtypeStruct((NC, NPAD), jnp.float32),
    scratch_types=[
        pltpu.VMEM((HCH, CH), jnp.int32),
        pltpu.VMEM((CH,), jnp.float32),
        pltpu.VMEM((CH,), jnp.float32),
        pltpu.VMEM_SHARED((NPAD,), jnp.float32),
    ],
)
def _deg_sc(dst_hbm, out_hbm, dst_v, ones_v, zeros_v, acc):
    c = lax.axis_index("c")
    s = lax.axis_index("s")
    w = c * NS + s
    for j in range(CH // 16):
        ones_v[pl.ds(j * 16, 16)] = jnp.ones((16,), jnp.float32)
        zeros_v[pl.ds(j * 16, 16)] = jnp.zeros((16,), jnp.float32)
    for k in range(TR // CH):
        pltpu.sync_copy(zeros_v, acc.at[pl.ds(s * TR + k * CH, CH)])
    plsc.subcore_barrier()

    def body(j, carry):
        pltpu.sync_copy(ones_v, acc.at[dst_v.at[j]], add=True)
        return carry

    for p in range(2):
        pltpu.sync_copy(dst_hbm.at[w, p], dst_v)
        lax.fori_loop(0, HCH, body, 0)
    plsc.subcore_barrier()
    pltpu.sync_copy(acc.at[pl.ds(s * TR, TR)], out_hbm.at[c, pl.ds(s * TR, TR)])


@functools.partial(
    pl.kernel,
    mesh=_mesh,
    out_type=jax.ShapeDtypeStruct((NC, NPAD, D), jnp.float32),
    scratch_types=[
        pltpu.VMEM((HCH, CH), jnp.int32),
        pltpu.VMEM((HCH, CH), jnp.int32),
        pltpu.VMEM((CH, D), jnp.float32),
        pltpu.VMEM((CH, D), jnp.float32),
        pltpu.VMEM_SHARED((NPAD, D), jnp.float32),
        pltpu.SemaphoreType.DMA,
        pltpu.SemaphoreType.DMA,
    ],
)
def _agg_sc(table_hbm, src_hbm, dst_hbm, out_hbm, src_v, dst_v,
            rows0, rows1, acc, gsem, gsem1):
    c = lax.axis_index("c")
    s = lax.axis_index("s")
    w = c * NS + s

    def zrow(r, carry):
        for j in range(D // 16):
            rows0[r, pl.ds(j * 16, 16)] = jnp.zeros((16,), jnp.float32)
        return carry

    lax.fori_loop(0, CH, zrow, 0)
    for k in range(TR // CH):
        pltpu.sync_copy(rows0, acc.at[pl.ds(s * TR + k * CH, CH), :])
    plsc.subcore_barrier()

    def body(i, carry):
        j0 = i * 2
        j1 = j0 + 1
        h0 = pltpu.async_copy(table_hbm.at[src_v.at[j0]], rows0, gsem)
        h1 = pltpu.async_copy(table_hbm.at[src_v.at[j1]], rows1, gsem1)
        h0.wait()
        pltpu.sync_copy(rows0, acc.at[dst_v.at[j0]], add=True)
        h1.wait()
        pltpu.sync_copy(rows1, acc.at[dst_v.at[j1]], add=True)
        return carry

    for p in range(2):
        pltpu.sync_copy(src_hbm.at[w, p], src_v)
        pltpu.sync_copy(dst_hbm.at[w, p], dst_v)
        lax.fori_loop(0, HCH // 2, body, 0)
    plsc.subcore_barrier()
    pltpu.sync_copy(acc.at[pl.ds(s * TR, TR), :],
                    out_hbm.at[c, pl.ds(s * TR, TR), :])


def _tc1_body(deg_ref, x_ref, xd_ref, d_ref):
    degs = deg_ref[0] + deg_ref[1] + 1.0
    dv = lax.rsqrt(degs)
    d_ref[...] = dv
    xd_ref[...] = x_ref[...] * dv


def _tc1(deg2, x):
    return pl.pallas_call(
        _tc1_body,
        grid=(N // BN,),
        in_specs=[
            pl.BlockSpec((NC, BN, 1), lambda i: (0, i, 0)),
            pl.BlockSpec((BN, D), lambda i: (i, 0)),
        ],
        out_specs=[
            pl.BlockSpec((BN, D), lambda i: (i, 0)),
            pl.BlockSpec((BN, 1), lambda i: (i, 0)),
        ],
        out_shape=[
            jax.ShapeDtypeStruct((N, D), jnp.float32),
            jax.ShapeDtypeStruct((N, 1), jnp.float32),
        ],
    )(deg2, x)


def _tc2_body(acc_ref, xd_ref, d_ref, w1_ref, b1_ref, w2_ref, q2d_ref):
    dv = d_ref[...]
    m1 = dv * (acc_ref[0] + acc_ref[1] + xd_ref[...])
    h1 = jnp.maximum(
        jnp.dot(m1, w1_ref[...], preferred_element_type=jnp.float32)
        + b1_ref[...], 0.0)
    q2d_ref[...] = dv * jnp.dot(h1, w2_ref[...],
                                preferred_element_type=jnp.float32)


def _tc2(acc1, xd, d, W1, b1, W2):
    return pl.pallas_call(
        _tc2_body,
        grid=(N // BN,),
        in_specs=[
            pl.BlockSpec((NC, BN, D), lambda i: (0, i, 0)),
            pl.BlockSpec((BN, D), lambda i: (i, 0)),
            pl.BlockSpec((BN, 1), lambda i: (i, 0)),
            pl.BlockSpec((D, HID), lambda i: (0, 0)),
            pl.BlockSpec((1, HID), lambda i: (0, 0)),
            pl.BlockSpec((HID, D), lambda i: (0, 0)),
        ],
        out_specs=pl.BlockSpec((BN, D), lambda i: (i, 0)),
        out_shape=jax.ShapeDtypeStruct((N, D), jnp.float32),
    )(acc1, xd, d, W1, b1, W2)


def _tc3_body(acc_ref, q2d_ref, d_ref, b2_ref, wfc_ref, bfc_ref, out_ref):
    dv = d_ref[...]
    h2 = jnp.maximum(
        dv * (acc_ref[0] + acc_ref[1] + q2d_ref[...]) + b2_ref[...], 0.0)
    out_ref[...] = (
        jnp.dot(h2, wfc_ref[...], preferred_element_type=jnp.float32)
        + bfc_ref[...])


def _tc3(acc2, q2d, d, b2, Wfc, bfc):
    return pl.pallas_call(
        _tc3_body,
        grid=(N // BN,),
        in_specs=[
            pl.BlockSpec((NC, BN, D), lambda i: (0, i, 0)),
            pl.BlockSpec((BN, D), lambda i: (i, 0)),
            pl.BlockSpec((BN, 1), lambda i: (i, 0)),
            pl.BlockSpec((1, D), lambda i: (0, 0)),
            pl.BlockSpec((D, D), lambda i: (0, 0)),
            pl.BlockSpec((1, D), lambda i: (0, 0)),
        ],
        out_specs=pl.BlockSpec((BN, D), lambda i: (i, 0)),
        out_shape=jax.ShapeDtypeStruct((N, D), jnp.float32),
    )(acc2, q2d, d, b2, Wfc, bfc)


def kernel(x, edge_index, W1, b1, W2, b2, Wfc, bfc):
    src = edge_index[0].reshape(NW, EW)
    dst = edge_index[1].reshape(NW, EW)
    pad = EWP - EW
    junk_s = (jnp.arange(NW, dtype=jnp.int32)[:, None] * pad
              + jnp.arange(pad, dtype=jnp.int32)[None, :] * 79) % N
    src_p = jnp.concatenate([src, junk_s], axis=1).reshape(NW, 2, HCH, CH)
    junk = (jnp.arange(NW, dtype=jnp.int32)[:, None] * pad
            + jnp.arange(pad, dtype=jnp.int32)[None, :]) % (NPAD - N) + N
    dst_p = jnp.concatenate([dst, junk], axis=1).reshape(NW, 2, HCH, CH)

    deg2 = _deg_sc(dst_p)
    xd, d = _tc1(deg2.reshape(NC, NPAD, 1), x)
    acc1 = _agg_sc(xd, src_p, dst_p)
    q2d = _tc2(acc1, xd, d, W1, b1.reshape(1, HID), W2)
    acc2 = _agg_sc(q2d, src_p, dst_p)
    return _tc3(acc2, q2d, d, b2.reshape(1, D), Wfc, bfc.reshape(1, D))

# --- scband reference (transcript-rebuilt; emitter-appended) ---
"""Pipeline reference for scband-gcnnet-14164802142446 (READ-ONLY COPY).

The authoritative reference and input builder live on the scoring server;
editing this copy changes nothing except your own understanding.
"""

import jax, jax.numpy as jnp
import numpy as np

N = 10000
E = 320000
D_IN = 128
HID = 256
D_OUT = 128

def setup_inputs(seed: int = 0):
    key = jax.random.key(seed)
    ks = jax.random.split(key, 8)
    x = jax.random.normal(ks[0], (N, D_IN), dtype=jnp.float32)
    edge_index = jax.random.randint(ks[1], (2, E), 0, N, dtype=jnp.int32)
    s1 = 1.0 / np.sqrt(D_IN)
    W1 = jax.random.uniform(ks[2], (D_IN, HID), jnp.float32, -s1, s1)
    b1 = jax.random.uniform(ks[3], (HID,), jnp.float32, -s1, s1)
    s2 = 1.0 / np.sqrt(HID)
    W2 = jax.random.uniform(ks[4], (HID, HID // 2), jnp.float32, -s2, s2)
    b2 = jax.random.uniform(ks[5], (HID // 2,), jnp.float32, -s2, s2)
    s3 = 1.0 / np.sqrt(HID // 2)
    Wfc = jax.random.uniform(ks[6], (HID // 2, D_OUT), jnp.float32, -s3, s3)
    bfc = jax.random.uniform(ks[7], (D_OUT,), jnp.float32, -s3, s3)
    return {"x": x, "edge_index": edge_index, "W1": W1, "b1": b1, "W2": W2, "b2": b2, "Wfc": Wfc, "bfc": bfc}

def _gcn_conv(x, edge_index, W, b):
    # PyG-style GCNConv: add self-loops, symmetric degree normalization,
    # linear transform, scatter-add aggregation at destination nodes.
    n = x.shape[0]
    src = edge_index[0]
    dst = edge_index[1]
    loop = jnp.arange(n, dtype=src.dtype)
    src = jnp.concatenate([src, loop])
    dst = jnp.concatenate([dst, loop])
    deg = jnp.zeros((n,), x.dtype).at[dst].add(1.0)
    deg_inv_sqrt = jnp.where(deg > 0, jax.lax.rsqrt(jnp.maximum(deg, 1e-12)), 0.0)
    norm = deg_inv_sqrt[src] * deg_inv_sqrt[dst]
    h = x @ W
    msg = h[src] * norm[:, None]
    out = jnp.zeros((n, W.shape[1]), x.dtype).at[dst].add(msg)
    return out + b

def reference(x, edge_index, W1, b1, W2, b2, Wfc, bfc):
    h = _gcn_conv(x, edge_index, W1, b1)
    h = jax.nn.relu(h)
    # dropout is identity in eval mode
    h = _gcn_conv(h, edge_index, W2, b2)
    h = jax.nn.relu(h)
    return h @ Wfc + bfc

if __name__ == "__main__":
    import jax
    _d = setup_inputs()
    print(jax.jit(kernel)(*tuple(_d.values())))

</pallas_src>

<mosaic_0001>
#map = affine_map<(d0, d1) -> (0, 0, 0, 0)>
#map1 = affine_map<(d0, d1) -> (0, 0)>
module attributes {stable_mosaic.version = 14 : i64} {
  func.func @_deg_sc(%arg0: i32, %arg1: i32, %arg2: memref<32x2x40x128xi32, #tpu.memory_space<hbm>>, %arg3: memref<2x10240xf32, #tpu.memory_space<hbm>>, %arg4: memref<40x128xi32, #tpu.memory_space<vmem>>, %arg5: memref<128xf32, #tpu.memory_space<vmem>>, %arg6: memref<128xf32, #tpu.memory_space<vmem>>, %arg7: memref<10240xf32, #tpu.memory_space<vmem_shared>>) attributes {dimension_semantics = [#tpu.dimension_semantics<core_parallel>, #tpu.dimension_semantics<subcore_parallel>], iteration_bounds = array<i64: 2, 16>, scalar_prefetch = 0 : i64, scratch_operands = 4 : i64, tpu.core_type = #tpu.core_type<sc_vector_subcore>, window_params = [{transform_indices = #map}, {transform_indices = #map1}]} {
    %mul3A = arith.constant 16 : i32
    %mul3A_0 = arith.muli %arg0, %mul3A : i32
    %add3A = arith.addi %mul3A_0, %arg1 : i32
    %broadcast_in_dim3A = arith.constant 1.000000e+00 : f32
    %broadcast_in_dim3A_1 = vector.broadcast %broadcast_in_dim3A : f32 to vector<16xf32>
    %swap3A = arith.constant 0 : index
    %swap3A_2 = tpu.vector_load %arg5[%swap3A] {strides = array<i32>} : memref<128xf32, #tpu.memory_space<vmem>>, vector<16xf32>,
    %swap3A_3 = vector.shape_cast %swap3A_2 : vector<16xf32> to vector<16xf32>
    %swap3A_4 = vector.shape_cast %broadcast_in_dim3A_1 : vector<16xf32> to vector<16xf32>
    tpu.vector_store %arg5[%swap3A], %swap3A_4 {strides = array<i32>} : memref<128xf32, #tpu.memory_space<vmem>>, vector<16xf32>,
    %broadcast_in_dim3A_5 = arith.constant 0.000000e+00 : f32
    %broadcast_in_dim3A_6 = vector.broadcast %broadcast_in_dim3A_5 : f32 to vector<16xf32>
    %swap3A_7 = arith.constant 0 : index
    %swap3A_8 = tpu.vector_load %arg6[%swap3A_7] {strides = array<i32>} : memref<128xf32, #tpu.memory_space<vmem>>, vector<16xf32>,
    %swap3A_9 = vector.shape_cast %swap3A_8 : vector<16xf32> to vector<16xf32>
    %swap3A_10 = vector.shape_cast %broadcast_in_dim3A_6 : vector<16xf32> to vector<16xf32>
    tpu.vector_store %arg6[%swap3A_7], %swap3A_10 {strides = array<i32>} : memref<128xf32, #tpu.memory_space<vmem>>, vector<16xf32>,
    %broadcast_in_dim3A_11 = arith.constant 1.000000e+00 : f32
    %broadcast_in_dim3A_12 = vector.broadcast %broadcast_in_dim3A_11 : f32 to vector<16xf32>
    %swap3A_13 = arith.constant 16 : index
    %swap3A_14 = tpu.vector_load %arg5[%swap3A_13] {strides = array<i32>} : memref<128xf32, #tpu.memory_space<vmem>>, vector<16xf32>,
    %swap3A_15 = vector.shape_cast %swap3A_14 : vector<16xf32> to vector<16xf32>
    %swap3A_16 = vector.shape_cast %broadcast_in_dim3A_12 : vector<16xf32> to vector<16xf32>
    tpu.vector_store %arg5[%swap3A_13], %swap3A_16 {strides = array<i32>} : memref<128xf32, #tpu.memory_space<vmem>>, vector<16xf32>,
    %broadcast_in_dim3A_17 = arith.constant 0.000000e+00 : f32
    %broadcast_in_dim3A_18 = vector.broadcast %broadcast_in_dim3A_17 : f32 to vector<16xf32>
    %swap3A_19 = arith.constant 16 : index
    %swap3A_20 = tpu.vector_load %arg6[%swap3A_19] {strides = array<i32>} : memref<128xf32, #tpu.memory_space<vmem>>, vector<16xf32>,
    %swap3A_21 = vector.shape_cast %swap3A_20 : vector<16xf32> to vector<16xf32>
    %swap3A_22 = vector.shape_cast %broadcast_in_dim3A_18 : vector<16xf32> to vector<16xf32>
    tpu.vector_store %arg6[%swap3A_19], %swap3A_22 {strides = array<i32>} : memref<128xf32, #tpu.memory_space<vmem>>, vector<16xf32>,
    %broadcast_in_dim3A_23 = arith.constant 1.000000e+00 : f32
    %broadcast_in_dim3A_24 = vector.broadcast %broadcast_in_dim3A_23 : f32 to vector<16xf32>
    %swap3A_25 = arith.constant 32 : index
    %swap3A_26 = tpu.vector_load %arg5[%swap3A_25] {strides = array<i32>} : memref<128xf32, #tpu.memory_space<vmem>>, vector<16xf32>,
    %swap3A_27 = vector.shape_cast %swap3A_26 : vector<16xf32> to vector<16xf32>
    %swap3A_28 = vector.shape_cast %broadcast_in_dim3A_24 : vector<16xf32> to vector<16xf32>
    tpu.vector_store %arg5[%swap3A_25], %swap3A_28 {strides = array<i32>} : memref<128xf32, #tpu.memory_space<vmem>>, vector<16xf32>,
    %broadcast_in_dim3A_29 = arith.constant 0.000000e+00 : f32
    %broadcast_in_dim3A_30 = vector.broadcast %broadcast_in_dim3A_29 : f32 to vector<16xf32>
    %swap3A_31 = arith.constant 32 : index
    %swap3A_32 = tpu.vector_load %arg6[%swap3A_31] {strides = array<i32>} : memref<128xf32, #tpu.memory_space<vmem>>, vector<16xf32>,
    %swap3A_33 = vector.shape_cast %swap3A_32 : vector<16xf32> to vector<16xf32>
    %swap3A_34 = vector.shape_cast %broadcast_in_dim3A_30 : vector<16xf32> to vector<16xf32>
    tpu.vector_store %arg6[%swap3A_31], %swap3A_34 {strides = array<i32>} : memref<128xf32, #tpu.memory_space<vmem>>, vector<16xf32>,
    %broadcast_in_dim3A_35 = arith.constant 1.000000e+00 : f32
    %broadcast_in_dim3A_36 = vector.broadcast %broadcast_in_dim3A_35 : f32 to vector<16xf32>
    %swap3A_37 = arith.constant 48 : index
    %swap3A_38 = tpu.vector_load %arg5[%swap3A_37] {strides = array<i32>} : memref<128xf32, #tpu.memory_space<vmem>>, vector<16xf32>,
    %swap3A_39 = vector.shape_cast %swap3A_38 : vector<16xf32> to vector<16xf32>
    %swap3A_40 = vector.shape_cast %broadcast_in_dim3A_36 : vector<16xf32> to vector<16xf32>
    tpu.vector_store %arg5[%swap3A_37], %swap3A_40 {strides = array<i32>} : memref<128xf32, #tpu.memory_space<vmem>>, vector<16xf32>,
    %broadcast_in_dim3A_41 = arith.constant 0.000000e+00 : f32
    %broadcast_in_dim3A_42 = vector.broadcast %broadcast_in_dim3A_41 : f32 to vector<16xf32>
    %swap3A_43 = arith.constant 48 : index
    %swap3A_44 = tpu.vector_load %arg6[%swap3A_43] {strides = array<i32>} : memref<128xf32, #tpu.memory_space<vmem>>, vector<16xf32>,
    %swap3A_45 = vector.shape_cast %swap3A_44 : vector<16xf32> to vector<16xf32>
    %swap3A_46 = vector.shape_cast %broadcast_in_dim3A_42 : vector<16xf32> to vector<16xf32>
    tpu.vector_store %arg6[%swap3A_43], %swap3A_46 {strides = array<i32>} : memref<128xf32, #tpu.memory_space<vmem>>, vector<16xf32>,
    %broadcast_in_dim3A_47 = arith.constant 1.000000e+00 : f32
    %broadcast_in_dim3A_48 = vector.broadcast %broadcast_in_dim3A_47 : f32 to vector<16xf32>
    %swap3A_49 = arith.constant 64 : index
    %swap3A_50 = tpu.vector_load %arg5[%swap3A_49] {strides = array<i32>} : memref<128xf32, #tpu.memory_space<vmem>>, vector<16xf32>,
    %swap3A_51 = vector.shape_cast %swap3A_50 : vector<16xf32> to vector<16xf32>
    %swap3A_52 = vector.shape_cast %broadcast_in_dim3A_48 : vector<16xf32> to vector<16xf32>
    tpu.vector_store %arg5[%swap3A_49], %swap3A_52 {strides = array<i32>} : memref<128xf32, #tpu.memory_space<vmem>>, vector<16xf32>,
    %broadcast_in_dim3A_53 = arith.constant 0.000000e+00 : f32
    %broadcast_in_dim3A_54 = vector.broadcast %broadcast_in_dim3A_53 : f32 to vector<16xf32>
    %swap3A_55 = arith.constant 64 : index
    %swap3A_56 = tpu.vector_load %arg6[%swap3A_55] {strides = array<i32>} : memref<128xf32, #tpu.memory_space<vmem>>, vector<16xf32>,
    %swap3A_57 = vector.shape_cast %swap3A_56 : vector<16xf32> to vector<16xf32>
    %swap3A_58 = vector.shape_cast %broadcast_in_dim3A_54 : vector<16xf32> to vector<16xf32>
    tpu.vector_store %arg6[%swap3A_55], %swap3A_58 {strides = array<i32>} : memref<128xf32, #tpu.memory_space<vmem>>, vector<16xf32>,
    %broadcast_in_dim3A_59 = arith.constant 1.000000e+00 : f32
    %broadcast_in_dim3A_60 = vector.broadcast %broadcast_in_dim3A_59 : f32 to vector<16xf32>
    %swap3A_61 = arith.constant 80 : index
    %swap3A_62 = tpu.vector_load %arg5[%swap3A_61] {strides = array<i32>} : memref<128xf32, #tpu.memory_space<vmem>>, vector<16xf32>,
    %swap3A_63 = vector.shape_cast %swap3A_62 : vector<16xf32> to vector<16xf32>
    %swap3A_64 = vector.shape_cast %broadcast_in_dim3A_60 : vector<16xf32> to vector<16xf32>
    tpu.vector_store %arg5[%swap3A_61], %swap3A_64 {strides = array<i32>} : memref<128xf32, #tpu.memory_space<vmem>>, vector<16xf32>,
    %broadcast_in_dim3A_65 = arith.constant 0.000000e+00 : f32
    %broadcast_in_dim3A_66 = vector.broadcast %broadcast_in_dim3A_65 : f32 to vector<16xf32>
    %swap3A_67 = arith.constant 80 : index
    %swap3A_68 = tpu.vector_load %arg6[%swap3A_67] {strides = array<i32>} : memref<128xf32, #tpu.memory_space<vmem>>, vector<16xf32>,
    %swap3A_69 = vector.shape_cast %swap3A_68 : vector<16xf32> to vector<16xf32>
    %swap3A_70 = vector.shape_cast %broadcast_in_dim3A_66 : vector<16xf32> to vector<16xf32>
    tpu.vector_store %arg6[%swap3A_67], %swap3A_70 {strides = array<i32>} : memref<128xf32, #tpu.memory_space<vmem>>, vector<16xf32>,
    %broadcast_in_dim3A_71 = arith.constant 1.000000e+00 : f32
    %broadcast_in_dim3A_72 = vector.broadcast %broadcast_in_dim3A_71 : f32 to vector<16xf32>
    %swap3A_73 = arith.constant 96 : index
    %swap3A_74 = tpu.vector_load %arg5[%swap3A_73] {strides = array<i32>} : memref<128xf32, #tpu.memory_space<vmem>>, vector<16xf32>,
    %swap3A_75 = vector.shape_cast %swap3A_74 : vector<16xf32> to vector<16xf32>
    %swap3A_76 = vector.shape_cast %broadcast_in_dim3A_72 : vector<16xf32> to vector<16xf32>
    tpu.vector_store %arg5[%swap3A_73], %swap3A_76 {strides = array<i32>} : memref<128xf32, #tpu.memory_space<vmem>>, vector<16xf32>,
    %broadcast_in_dim3A_77 = arith.constant 0.000000e+00 : f32
    %broadcast_in_dim3A_78 = vector.broadcast %broadcast_in_dim3A_77 : f32 to vector<16xf32>
    %swap3A_79 = arith.constant 96 : index
    %swap3A_80 = tpu.vector_load %arg6[%swap3A_79] {strides = array<i32>} : memref<128xf32, #tpu.memory_space<vmem>>, vector<16xf32>,
    %swap3A_81 = vector.shape_cast %swap3A_80 : vector<16xf32> to vector<16xf32>
    %swap3A_82 = vector.shape_cast %broadcast_in_dim3A_78 : vector<16xf32> to vector<16xf32>
    tpu.vector_store %arg6[%swap3A_79], %swap3A_82 {strides = array<i32>} : memref<128xf32, #tpu.memory_space<vmem>>, vector<16xf32>,
    %broadcast_in_dim3A_83 = arith.constant 1.000000e+00 : f32
    %broadcast_in_dim3A_84 = vector.broadcast %broadcast_in_dim3A_83 : f32 to vector<16xf32>
    %swap3A_85 = arith.constant 112 : index
    %swap3A_86 = tpu.vector_load %arg5[%swap3A_85] {strides = array<i32>} : memref<128xf32, #tpu.memory_space<vmem>>, vector<16xf32>,
    %swap3A_87 = vector.shape_cast %swap3A_86 : vector<16xf32> to vector<16xf32>
    %swap3A_88 = vector.shape_cast %broadcast_in_dim3A_84 : vector<16xf32> to vector<16xf32>
    tpu.vector_store %arg5[%swap3A_85], %swap3A_88 {strides = array<i32>} : memref<128xf32, #tpu.memory_space<vmem>>, vector<16xf32>,
    %broadcast_in_dim3A_89 = arith.constant 0.000000e+00 : f32
    %broadcast_in_dim3A_90 = vector.broadcast %broadcast_in_dim3A_89 : f32 to vector<16xf32>
    %swap3A_91 = arith.constant 112 : index
    %swap3A_92 = tpu.vector_load %arg6[%swap3A_91] {strides = array<i32>} : memref<128xf32, #tpu.memory_space<vmem>>, vector<16xf32>,
    %swap3A_93 = vector.shape_cast %swap3A_92 : vector<16xf32> to vector<16xf32>
    %swap3A_94 = vector.shape_cast %broadcast_in_dim3A_90 : vector<16xf32> to vector<16xf32>
    tpu.vector_store %arg6[%swap3A_91], %swap3A_94 {strides = array<i32>} : memref<128xf32, #tpu.memory_space<vmem>>, vector<16xf32>,
    %mul3A_95 = arith.constant 640 : i32
    %mul3A_96 = arith.muli %arg1, %mul3A_95 : i32
    %add3A_97 = arith.constant 0 : i32
    %add3A_98 = arith.addi %mul3A_96, %add3A_97 : i32
    "tpu.region"() ({
      %run_scoped3A_132 = tpu.sem_alloc : memref<!tpu.dma_semaphore, #tpu.memory_space<semaphore_mem>>
      %dma_start3A = tpu.memref_slice %arg7[%add3A_98] : memref<10240xf32, #tpu.memory_space<vmem_shared>> -> memref<128xf32, #tpu.memory_space<vmem_shared>>
      %dma_start3A_133 = tpu.memref_slice %arg7[%add3A_98] : memref<10240xf32, #tpu.memory_space<vmem_shared>> -> memref<128xf32, #tpu.memory_space<vmem_shared>>
      tpu.enqueue_dma source(%arg6 : memref<128xf32, #tpu.memory_space<vmem>>) target(%dma_start3A_133 : memref<128xf32, #tpu.memory_space<vmem_shared>>) target_semaphore(%run_scoped3A_132 : memref<!tpu.dma_semaphore, #tpu.memory_space<semaphore_mem>>)
      %dma_wait3A = tpu.memref_slice %arg7[%add3A_98] : memref<10240xf32, #tpu.memory_space<vmem_shared>> -> memref<128xf32, #tpu.memory_space<vmem_shared>>
      %dma_wait3A_134 = tpu.memref_slice %arg7[%add3A_98] : memref<10240xf32, #tpu.memory_space<vmem_shared>> -> memref<128xf32, #tpu.memory_space<vmem_shared>>
      tpu.wait_dma2 semaphore(%run_scoped3A_132 : memref<!tpu.dma_semaphore, #tpu.memory_space<semaphore_mem>>) src(%arg6 : memref<128xf32, #tpu.memory_space<vmem>>) dst(%dma_wait3A_134 : memref<128xf32, #tpu.memory_space<vmem_shared>>)
      tpu.yield
    }) : () -> ()
    %mul3A_99 = arith.constant 640 : i32
    %mul3A_100 = arith.muli %arg1, %mul3A_99 : i32
    %add3A_101 = arith.constant 128 : i32
    %add3A_102 = arith.addi %mul3A_100, %add3A_101 : i32
    "tpu.region"() ({
      %run_scoped3A_132 = tpu.sem_alloc : memref<!tpu.dma_semaphore, #tpu.memory_space<semaphore_mem>>
      %dma_start3A = tpu.memref_slice %arg7[%add3A_102] : memref<10240xf32, #tpu.memory_space<vmem_shared>> -> memref<128xf32, #tpu.memory_space<vmem_shared>>
      %dma_start3A_133 = tpu.memref_slice %arg7[%add3A_102] : memref<10240xf32, #tpu.memory_space<vmem_shared>> -> memref<128xf32, #tpu.memory_space<vmem_shared>>
      tpu.enqueue_dma source(%arg6 : memref<128xf32, #tpu.memory_space<vmem>>) target(%dma_start3A_133 : memref<128xf32, #tpu.memory_space<vmem_shared>>) target_semaphore(%run_scoped3A_132 : memref<!tpu.dma_semaphore, #tpu.memory_space<semaphore_mem>>)
      %dma_wait3A = tpu.memref_slice %arg7[%add3A_102] : memref<10240xf32, #tpu.memory_space<vmem_shared>> -> memref<128xf32, #tpu.memory_space<vmem_shared>>
      %dma_wait3A_134 = tpu.memref_slice %arg7[%add3A_102] : memref<10240xf32, #tpu.memory_space<vmem_shared>> -> memref<128xf32, #tpu.memory_space<vmem_shared>>
      tpu.wait_dma2 semaphore(%run_scoped3A_132 : memref<!tpu.dma_semaphore, #tpu.memory_space<semaphore_mem>>) src(%arg6 : memref<128xf32, #tpu.memory_space<vmem>>) dst(%dma_wait3A_134 : memref<128xf32, #tpu.memory_space<vmem_shared>>)
      tpu.yield
    }) : () -> ()
    %mul3A_103 = arith.constant 640 : i32
    %mul3A_104 = arith.muli %arg1, %mul3A_103 : i32
    %add3A_105 = arith.constant 256 : i32
    %add3A_106 = arith.addi %mul3A_104, %add3A_105 : i32
    "tpu.region"() ({
      %run_scoped3A_132 = tpu.sem_alloc : memref<!tpu.dma_semaphore, #tpu.memory_space<semaphore_mem>>
      %dma_start3A = tpu.memref_slice %arg7[%add3A_106] : memref<10240xf32, #tpu.memory_space<vmem_shared>> -> memref<128xf32, #tpu.memory_space<vmem_shared>>
      %dma_start3A_133 = tpu.memref_slice %arg7[%add3A_106] : memref<10240xf32, #tpu.memory_space<vmem_shared>> -> memref<128xf32, #tpu.memory_space<vmem_shared>>
      tpu.enqueue_dma source(%arg6 : memref<128xf32, #tpu.memory_space<vmem>>) target(%dma_start3A_133 : memref<128xf32, #tpu.memory_space<vmem_shared>>) target_semaphore(%run_scoped3A_132 : memref<!tpu.dma_semaphore, #tpu.memory_space<semaphore_mem>>)
      %dma_wait3A = tpu.memref_slice %arg7[%add3A_106] : memref<10240xf32, #tpu.memory_space<vmem_shared>> -> memref<128xf32, #tpu.memory_space<vmem_shared>>
      %dma_wait3A_134 = tpu.memref_slice %arg7[%add3A_106] : memref<10240xf32, #tpu.memory_space<vmem_shared>> -> memref<128xf32, #tpu.memory_space<vmem_shared>>
      tpu.wait_dma2 semaphore(%run_scoped3A_132 : memref<!tpu.dma_semaphore, #tpu.memory_space<semaphore_mem>>) src(%arg6 : memref<128xf32, #tpu.memory_space<vmem>>) dst(%dma_wait3A_134 : memref<128xf32, #tpu.memory_space<vmem_shared>>)
      tpu.yield
    }) : () -> ()
    %mul3A_107 = arith.constant 640 : i32
    %mul3A_108 = arith.muli %arg1, %mul3A_107 : i32
    %add3A_109 = arith.constant 384 : i32
    %add3A_110 = arith.addi %mul3A_108, %add3A_109 : i32
    "tpu.region"() ({
      %run_scoped3A_132 = tpu.sem_alloc : memref<!tpu.dma_semaphore, #tpu.memory_space<semaphore_mem>>
      %dma_start3A = tpu.memref_slice %arg7[%add3A_110] : memref<10240xf32, #tpu.memory_space<vmem_shared>> -> memref<128xf32, #tpu.memory_space<vmem_shared>>
      %dma_start3A_133 = tpu.memref_slice %arg7[%add3A_110] : memref<10240xf32, #tpu.memory_space<vmem_shared>> -> memref<128xf32, #tpu.memory_space<vmem_shared>>
      tpu.enqueue_dma source(%arg6 : memref<128xf32, #tpu.memory_space<vmem>>) target(%dma_start3A_133 : memref<128xf32, #tpu.memory_space<vmem_shared>>) target_semaphore(%run_scoped3A_132 : memref<!tpu.dma_semaphore, #tpu.memory_space<semaphore_mem>>)
      %dma_wait3A = tpu.memref_slice %arg7[%add3A_110] : memref<10240xf32, #tpu.memory_space<vmem_shared>> -> memref<128xf32, #tpu.memory_space<vmem_shared>>
      %dma_wait3A_134 = tpu.memref_slice %arg7[%add3A_110] : memref<10240xf32, #tpu.memory_space<vmem_shared>> -> memref<128xf32, #tpu.memory_space<vmem_shared>>
      tpu.wait_dma2 semaphore(%run_scoped3A_132 : memref<!tpu.dma_semaphore, #tpu.memory_space<semaphore_mem>>) src(%arg6 : memref<128xf32, #tpu.memory_space<vmem>>) dst(%dma_wait3A_134 : memref<128xf32, #tpu.memory_space<vmem_shared>>)
      tpu.yield
    }) : () -> ()
    %mul3A_111 = arith.constant 640 : i32
    %mul3A_112 = arith.muli %arg1, %mul3A_111 : i32
    %add3A_113 = arith.constant 512 : i32
    %add3A_114 = arith.addi %mul3A_112, %add3A_113 : i32
    "tpu.region"() ({
      %run_scoped3A_132 = tpu.sem_alloc : memref<!tpu.dma_semaphore, #tpu.memory_space<semaphore_mem>>
      %dma_start3A = tpu.memref_slice %arg7[%add3A_114] : memref<10240xf32, #tpu.memory_space<vmem_shared>> -> memref<128xf32, #tpu.memory_space<vmem_shared>>
      %dma_start3A_133 = tpu.memref_slice %arg7[%add3A_114] : memref<10240xf32, #tpu.memory_space<vmem_shared>> -> memref<128xf32, #tpu.memory_space<vmem_shared>>
      tpu.enqueue_dma source(%arg6 : memref<128xf32, #tpu.memory_space<vmem>>) target(%dma_start3A_133 : memref<128xf32, #tpu.memory_space<vmem_shared>>) target_semaphore(%run_scoped3A_132 : memref<!tpu.dma_semaphore, #tpu.memory_space<semaphore_mem>>)
      %dma_wait3A = tpu.memref_slice %arg7[%add3A_114] : memref<10240xf32, #tpu.memory_space<vmem_shared>> -> memref<128xf32, #tpu.memory_space<vmem_shared>>
      %dma_wait3A_134 = tpu.memref_slice %arg7[%add3A_114] : memref<10240xf32, #tpu.memory_space<vmem_shared>> -> memref<128xf32, #tpu.memory_space<vmem_shared>>
      tpu.wait_dma2 semaphore(%run_scoped3A_132 : memref<!tpu.dma_semaphore, #tpu.memory_space<semaphore_mem>>) src(%arg6 : memref<128xf32, #tpu.memory_space<vmem>>) dst(%dma_wait3A_134 : memref<128xf32, #tpu.memory_space<vmem_shared>>)
      tpu.yield
    }) : () -> ()
    %barrier3A = arith.constant 0 : index
    tpu.barrier barrier_id(%barrier3A)
    %run_scoped3A = arith.constant 0 : i32
    "tpu.region"() ({
      %run_scoped3A_132 = tpu.sem_alloc : memref<!tpu.dma_semaphore, #tpu.memory_space<semaphore_mem>>
      %dma_start3A = arith.constant 0 : i32
      %dma_start3A_133 = arith.constant 0 : i32
      %dma_start3A_134 = tpu.memref_slice %arg2[%add3A, %run_scoped3A, %dma_start3A, %dma_start3A_133] : memref<32x2x40x128xi32, #tpu.memory_space<hbm>> -> memref<1x1x40x128xi32, #tpu.memory_space<hbm>>
      %dma_start3A_135 = tpu.memref_squeeze %dma_start3A_134 : memref<1x1x40x128xi32, #tpu.memory_space<hbm>> -> memref<40x128xi32, #tpu.memory_space<hbm>>
      %dma_start3A_136 = arith.constant 0 : i32
      %dma_start3A_137 = arith.constant 0 : i32
      %dma_start3A_138 = tpu.memref_slice %arg2[%add3A, %run_scoped3A, %dma_start3A_136, %dma_start3A_137] : memref<32x2x40x128xi32, #tpu.memory_space<hbm>> -> memref<1x1x40x128xi32, #tpu.memory_space<hbm>>
      %dma_start3A_139 = tpu.memref_squeeze %dma_start3A_138 : memref<1x1x40x128xi32, #tpu.memory_space<hbm>> -> memref<40x128xi32, #tpu.memory_space<hbm>>
      tpu.enqueue_dma source(%dma_start3A_139 : memref<40x128xi32, #tpu.memory_space<hbm>>) target(%arg4 : memref<40x128xi32, #tpu.memory_space<vmem>>) target_semaphore(%run_scoped3A_132 : memref<!tpu.dma_semaphore, #tpu.memory_space<semaphore_mem>>)
      %dma_wait3A = arith.constant 0 : i32
      %dma_wait3A_140 = arith.constant 0 : i32
      %dma_wait3A_141 = tpu.memref_slice %arg2[%add3A, %run_scoped3A, %dma_wait3A, %dma_wait3A_140] : memref<32x2x40x128xi32, #tpu.memory_space<hbm>> -> memref<1x1x40x128xi32, #tpu.memory_space<hbm>>
      %dma_wait3A_142 = tpu.memref_squeeze %dma_wait3A_141 : memref<1x1x40x128xi32, #tpu.memory_space<hbm>> -> memref<40x128xi32, #tpu.memory_space<hbm>>
      %dma_wait3A_143 = arith.constant 0 : i32
      %dma_wait3A_144 = arith.constant 0 : i32
      %dma_wait3A_145 = tpu.memref_slice %arg2[%add3A, %run_scoped3A, %dma_wait3A_143, %dma_wait3A_144] : memref<32x2x40x128xi32, #tpu.memory_space<hbm>> -> memref<1x1x40x128xi32, #tpu.memory_space<hbm>>
      %dma_wait3A_146 = tpu.memref_squeeze %dma_wait3A_145 : memref<1x1x40x128xi32, #tpu.memory_space<hbm>> -> memref<40x128xi32, #tpu.memory_space<hbm>>
      tpu.wait_dma2 semaphore(%run_scoped3A_132 : memref<!tpu.dma_semaphore, #tpu.memory_space<semaphore_mem>>) src(%dma_wait3A_146 : memref<40x128xi32, #tpu.memory_space<hbm>>) dst(%arg4 : memref<40x128xi32, #tpu.memory_space<vmem>>)
      tpu.yield
    }) : () -> ()
    %scan3A = arith.constant 0 : i32
    %scan3A_115 = arith.constant 0 : i32
    %scan3A_116 = arith.constant 40 : i32
    %scan3A_117 = arith.addi %scan3A_115, %scan3A_116 : i32
    %scan3A_118 = arith.constant 1 : i32
    scf.for %scan3A_132 = %scan3A_115 to %scan3A_117 step %scan3A_118  : i32 {
      "tpu.region"() ({
        %run_scoped3A_133 = tpu.sem_alloc : memref<!tpu.dma_semaphore, #tpu.memory_space<semaphore_mem>>
        %dma_start3A = arith.constant 0 : i32
        %dma_start3A_134 = tpu.memref_slice %arg4[%scan3A_132, %dma_start3A] : memref<40x128xi32, #tpu.memory_space<vmem>> -> memref<1x128xi32, #tpu.memory_space<vmem>>
        %dma_start3A_135 = tpu.memref_squeeze %dma_start3A_134 : memref<1x128xi32, #tpu.memory_space<vmem>> -> memref<128xi32, #tpu.memory_space<vmem>>
        %dma_start3A_136 = arith.constant 0 : i32
        %dma_start3A_137 = tpu.memref_slice %arg7[%dma_start3A_136] : memref<10240xf32, #tpu.memory_space<vmem_shared>> -> memref<10240xf32, #tpu.memory_space<vmem_shared>>
        tpu.enqueue_indirect_dma source(%arg5 : memref<128xf32, #tpu.memory_space<vmem>>) target(%dma_start3A_137 : memref<10240xf32, #tpu.memory_space<vmem_shared>>) offsets(%dma_start3A_135 : memref<128xi32, #tpu.memory_space<vmem>>) semaphore(%run_scoped3A_133 : memref<!tpu.dma_semaphore, #tpu.memory_space<semaphore_mem>>) {add = true}
        %dma_wait3A = arith.constant 0 : i32
        %dma_wait3A_138 = tpu.memref_slice %arg4[%scan3A_132, %dma_wait3A] : memref<40x128xi32, #tpu.memory_space<vmem>> -> memref<1x128xi32, #tpu.memory_space<vmem>>
        %dma_wait3A_139 = tpu.memref_squeeze %dma_wait3A_138 : memref<1x128xi32, #tpu.memory_space<vmem>> -> memref<128xi32, #tpu.memory_space<vmem>>
        %dma_wait3A_140 = arith.constant 0 : i32
        %dma_wait3A_141 = tpu.memref_slice %arg7[%dma_wait3A_140] : memref<10240xf32, #tpu.memory_space<vmem_shared>> -> memref<10240xf32, #tpu.memory_space<vmem_shared>>
        tpu.wait_indirect_dma semaphore(%run_scoped3A_133 : memref<!tpu.dma_semaphore, #tpu.memory_space<semaphore_mem>>) src(%arg5 : memref<128xf32, #tpu.memory_space<vmem>>) dst(%dma_wait3A_141 : memref<10240xf32, #tpu.memory_space<vmem_shared>>)
        tpu.yield
      }) : () -> ()
    }
    %scan3A_119 = arith.constant 40 : i32
    %run_scoped3A_120 = arith.constant 1 : i32
    "tpu.region"() ({
      %run_scoped3A_132 = tpu.sem_alloc : memref<!tpu.dma_semaphore, #tpu.memory_space<semaphore_mem>>
      %dma_start3A = arith.constant 0 : i32
      %dma_start3A_133 = arith.constant 0 : i32
      %dma_start3A_134 = tpu.memref_slice %arg2[%add3A, %run_scoped3A_120, %dma_start3A, %dma_start3A_133] : memref<32x2x40x128xi32, #tpu.memory_space<hbm>> -> memref<1x1x40x128xi32, #tpu.memory_space<hbm>>
      %dma_start3A_135 = tpu.memref_squeeze %dma_start3A_134 : memref<1x1x40x128xi32, #tpu.memory_space<hbm>> -> memref<40x128xi32, #tpu.memory_space<hbm>>
      %dma_start3A_136 = arith.constant 0 : i32
      %dma_start3A_137 = arith.constant 0 : i32
      %dma_start3A_138 = tpu.memref_slice %arg2[%add3A, %run_scoped3A_120, %dma_start3A_136, %dma_start3A_137] : memref<32x2x40x128xi32, #tpu.memory_space<hbm>> -> memref<1x1x40x128xi32, #tpu.memory_space<hbm>>
      %dma_start3A_139 = tpu.memref_squeeze %dma_start3A_138 : memref<1x1x40x128xi32, #tpu.memory_space<hbm>> -> memref<40x128xi32, #tpu.memory_space<hbm>>
      tpu.enqueue_dma source(%dma_start3A_139 : memref<40x128xi32, #tpu.memory_space<hbm>>) target(%arg4 : memref<40x128xi32, #tpu.memory_space<vmem>>) target_semaphore(%run_scoped3A_132 : memref<!tpu.dma_semaphore, #tpu.memory_space<semaphore_mem>>)
      %dma_wait3A = arith.constant 0 : i32
      %dma_wait3A_140 = arith.constant 0 : i32
      %dma_wait3A_141 = tpu.memref_slice %arg2[%add3A, %run_scoped3A_120, %dma_wait3A, %dma_wait3A_140] : memref<32x2x40x128xi32, #tpu.memory_space<hbm>> -> memref<1x1x40x128xi32, #tpu.memory_space<hbm>>
      %dma_wait3A_142 = tpu.memref_squeeze %dma_wait3A_141 : memref<1x1x40x128xi32, #tpu.memory_space<hbm>> -> memref<40x128xi32, #tpu.memory_space<hbm>>
      %dma_wait3A_143 = arith.constant 0 : i32
      %dma_wait3A_144 = arith.constant 0 : i32
      %dma_wait3A_145 = tpu.memref_slice %arg2[%add3A, %run_scoped3A_120, %dma_wait3A_143, %dma_wait3A_144] : memref<32x2x40x128xi32, #tpu.memory_space<hbm>> -> memref<1x1x40x128xi32, #tpu.memory_space<hbm>>
      %dma_wait3A_146 = tpu.memref_squeeze %dma_wait3A_145 : memref<1x1x40x128xi32, #tpu.memory_space<hbm>> -> memref<40x128xi32, #tpu.memory_space<hbm>>
      tpu.wait_dma2 semaphore(%run_scoped3A_132 : memref<!tpu.dma_semaphore, #tpu.memory_space<semaphore_mem>>) src(%dma_wait3A_146 : memref<40x128xi32, #tpu.memory_space<hbm>>) dst(%arg4 : memref<40x128xi32, #tpu.memory_space<vmem>>)
      tpu.yield
    }) : () -> ()
    %scan3A_121 = arith.constant 0 : i32
    %scan3A_122 = arith.constant 0 : i32
    %scan3A_123 = arith.constant 40 : i32
    %scan3A_124 = arith.addi %scan3A_122, %scan3A_123 : i32
    %scan3A_125 = arith.constant 1 : i32
    scf.for %scan3A_132 = %scan3A_122 to %scan3A_124 step %scan3A_125  : i32 {
      "tpu.region"() ({
        %run_scoped3A_133 = tpu.sem_alloc : memref<!tpu.dma_semaphore, #tpu.memory_space<semaphore_mem>>
        %dma_start3A = arith.constant 0 : i32
        %dma_start3A_134 = tpu.memref_slice %arg4[%scan3A_132, %dma_start3A] : memref<40x128xi32, #tpu.memory_space<vmem>> -> memref<1x128xi32, #tpu.memory_space<vmem>>
        %dma_start3A_135 = tpu.memref_squeeze %dma_start3A_134 : memref<1x128xi32, #tpu.memory_space<vmem>> -> memref<128xi32, #tpu.memory_space<vmem>>
        %dma_start3A_136 = arith.constant 0 : i32
        %dma_start3A_137 = tpu.memref_slice %arg7[%dma_start3A_136] : memref<10240xf32, #tpu.memory_space<vmem_shared>> -> memref<10240xf32, #tpu.memory_space<vmem_shared>>
        tpu.enqueue_indirect_dma source(%arg5 : memref<128xf32, #tpu.memory_space<vmem>>) target(%dma_start3A_137 : memref<10240xf32, #tpu.memory_space<vmem_shared>>) offsets(%dma_start3A_135 : memref<128xi32, #tpu.memory_space<vmem>>) semaphore(%run_scoped3A_133 : memref<!tpu.dma_semaphore, #tpu.memory_space<semaphore_mem>>) {add = true}
        %dma_wait3A = arith.constant 0 : i32
        %dma_wait3A_138 = tpu.memref_slice %arg4[%scan3A_132, %dma_wait3A] : memref<40x128xi32, #tpu.memory_space<vmem>> -> memref<1x128xi32, #tpu.memory_space<vmem>>
        %dma_wait3A_139 = tpu.memref_squeeze %dma_wait3A_138 : memref<1x128xi32, #tpu.memory_space<vmem>> -> memref<128xi32, #tpu.memory_space<vmem>>
        %dma_wait3A_140 = arith.constant 0 : i32
        %dma_wait3A_141 = tpu.memref_slice %arg7[%dma_wait3A_140] : memref<10240xf32, #tpu.memory_space<vmem_shared>> -> memref<10240xf32, #tpu.memory_space<vmem_shared>>
        tpu.wait_indirect_dma semaphore(%run_scoped3A_133 : memref<!tpu.dma_semaphore, #tpu.memory_space<semaphore_mem>>) src(%arg5 : memref<128xf32, #tpu.memory_space<vmem>>) dst(%dma_wait3A_141 : memref<10240xf32, #tpu.memory_space<vmem_shared>>)
        tpu.yield
      }) : () -> ()
    }
    %scan3A_126 = arith.constant 40 : i32
    %barrier3A_127 = arith.constant 0 : index
    tpu.barrier barrier_id(%barrier3A_127)
    %mul3A_128 = arith.constant 640 : i32
    %mul3A_129 = arith.muli %arg1, %mul3A_128 : i32
    %mul3A_130 = arith.constant 640 : i32
    %mul3A_131 = arith.muli %arg1, %mul3A_130 : i32
    "tpu.region"() ({
      %run_scoped3A_132 = tpu.sem_alloc : memref<!tpu.dma_semaphore, #tpu.memory_space<semaphore_mem>>
      %dma_start3A = tpu.memref_slice %arg3[%arg0, %mul3A_131] : memref<2x10240xf32, #tpu.memory_space<hbm>> -> memref<1x640xf32, #tpu.memory_space<hbm>>
      %dma_start3A_133 = tpu.memref_squeeze %dma_start3A : memref<1x640xf32, #tpu.memory_space<hbm>> -> memref<640xf32, #tpu.memory_space<hbm>>
      %dma_start3A_134 = tpu.memref_slice %arg7[%mul3A_129] : memref<10240xf32, #tpu.memory_space<vmem_shared>> -> memref<640xf32, #tpu.memory_space<vmem_shared>>
      tpu.enqueue_dma source(%dma_start3A_134 : memref<640xf32, #tpu.memory_space<vmem_shared>>) target(%dma_start3A_133 : memref<640xf32, #tpu.memory_space<hbm>>) target_semaphore(%run_scoped3A_132 : memref<!tpu.dma_semaphore, #tpu.memory_space<semaphore_mem>>)
      %dma_wait3A = tpu.memref_slice %arg3[%arg0, %mul3A_131] : memref<2x10240xf32, #tpu.memory_space<hbm>> -> memref<1x640xf32, #tpu.memory_space<hbm>>
      %dma_wait3A_135 = tpu.memref_squeeze %dma_wait3A : memref<1x640xf32, #tpu.memory_space<hbm>> -> memref<640xf32, #tpu.memory_space<hbm>>
      %dma_wait3A_136 = tpu.memref_slice %arg7[%mul3A_129] : memref<10240xf32, #tpu.memory_space<vmem_shared>> -> memref<640xf32, #tpu.memory_space<vmem_shared>>
      tpu.wait_dma2 semaphore(%run_scoped3A_132 : memref<!tpu.dma_semaphore, #tpu.memory_space<semaphore_mem>>) src(%dma_wait3A_136 : memref<640xf32, #tpu.memory_space<vmem_shared>>) dst(%dma_wait3A_135 : memref<640xf32, #tpu.memory_space<hbm>>)
      tpu.yield
    }) : () -> ()
    return
  }
}

#map = affine_map<(d0, d1) -> (0, 0)>
#map1 = affine_map<(d0, d1) -> (0, 0, 0, 0)>
#map2 = affine_map<(d0, d1) -> (0, 0, 0)>
module attributes {stable_mosaic.version = 14 : i64} {
  func.func @_agg_sc(%arg0: i32, %arg1: i32, %arg2: memref<10000x128xf32, #tpu.memory_space<hbm>>, %arg3: memref<32x2x40x128xi32, #tpu.memory_space<hbm>>, %arg4: memref<32x2x40x128xi32, #tpu.memory_space<hbm>>, %arg5: memref<2x10240x128xf32, #tpu.memory_space<hbm>>, %arg6: memref<40x128xi32, #tpu.memory_space<vmem>>, %arg7: memref<40x128xi32, #tpu.memory_space<vmem>>, %arg8: memref<128x128xf32, #tpu.memory_space<vmem>>, %arg9: memref<128x128xf32, #tpu.memory_space<vmem>>, %arg10: memref<10240x128xf32, #tpu.memory_space<vmem_shared>>, %arg11: memref<!tpu.dma_semaphore, #tpu.memory_space<semaphore_mem>>, %arg12: memref<!tpu.dma_semaphore, #tpu.memory_space<semaphore_mem>>) attributes {dimension_semantics = [#tpu.dimension_semantics<core_parallel>, #tpu.dimension_semantics<subcore_parallel>], iteration_bounds = array<i64: 2, 16>, scalar_prefetch = 0 : i64, scratch_operands = 7 : i64, tpu.core_type = #tpu.core_type<sc_vector_subcore>, window_params = [{transform_indices = #map}, {transform_indices = #map1}, {transform_indices = #map1}, {transform_indices = #map2}]} {
    %mul3A = arith.constant 16 : i32
    %mul3A_0 = arith.muli %arg0, %mul3A : i32
    %add3A = arith.addi %mul3A_0, %arg1 : i32
    %scan3A = arith.constant 0 : i32
    %scan3A_1 = arith.constant 0 : i32
    %scan3A_2 = arith.constant 128 : i32
    %scan3A_3 = arith.addi %scan3A_1, %scan3A_2 : i32
    %scan3A_4 = arith.constant 1 : i32
    scf.for %scan3A_46 = %scan3A_1 to %scan3A_3 step %scan3A_4  : i32 {
      %broadcast_in_dim3A = arith.constant 0.000000e+00 : f32
      %broadcast_in_dim3A_47 = vector.broadcast %broadcast_in_dim3A : f32 to vector<16xf32>
      %swap3A = arith.index_cast %scan3A_46 : i32 to index
      %swap3A_48 = arith.constant 0 : index
      %swap3A_49 = tpu.vector_load %arg8[%swap3A, %swap3A_48] {strides = array<i32>} : memref<128x128xf32, #tpu.memory_space<vmem>>, vector<1x16xf32>,
      %swap3A_50 = vector.shape_cast %swap3A_49 : vector<1x16xf32> to vector<16xf32>
      %swap3A_51 = vector.shape_cast %broadcast_in_dim3A_47 : vector<16xf32> to vector<1x16xf32>
      tpu.vector_store %arg8[%swap3A, %swap3A_48], %swap3A_51 {strides = array<i32>} : memref<128x128xf32, #tpu.memory_space<vmem>>, vector<1x16xf32>,
      %broadcast_in_dim3A_52 = arith.constant 0.000000e+00 : f32
      %broadcast_in_dim3A_53 = vector.broadcast %broadcast_in_dim3A_52 : f32 to vector<16xf32>
      %swap3A_54 = arith.index_cast %scan3A_46 : i32 to index
      %swap3A_55 = arith.constant 16 : index
      %swap3A_56 = tpu.vector_load %arg8[%swap3A_54, %swap3A_55] {strides = array<i32>} : memref<128x128xf32, #tpu.memory_space<vmem>>, vector<1x16xf32>,
      %swap3A_57 = vector.shape_cast %swap3A_56 : vector<1x16xf32> to vector<16xf32>
      %swap3A_58 = vector.shape_cast %broadcast_in_dim3A_53 : vector<16xf32> to vector<1x16xf32>
      tpu.vector_store %arg8[%swap3A_54, %swap3A_55], %swap3A_58 {strides = array<i32>} : memref<128x128xf32, #tpu.memory_space<vmem>>, vector<1x16xf32>,
      %broadcast_in_dim3A_59 = arith.constant 0.000000e+00 : f32
      %broadcast_in_dim3A_60 = vector.broadcast %broadcast_in_dim3A_59 : f32 to vector<16xf32>
      %swap3A_61 = arith.index_cast %scan3A_46 : i32 to index
      %swap3A_62 = arith.constant 32 : index
      %swap3A_63 = tpu.vector_load %arg8[%swap3A_61, %swap3A_62] {strides = array<i32>} : memref<128x128xf32, #tpu.memory_space<vmem>>, vector<1x16xf32>,
      %swap3A_64 = vector.shape_cast %swap3A_63 : vector<1x16xf32> to vector<16xf32>
      %swap3A_65 = vector.shape_cast %broadcast_in_dim3A_60 : vector<16xf32> to vector<1x16xf32>
      tpu.vector_store %arg8[%swap3A_61, %swap3A_62], %swap3A_65 {strides = array<i32>} : memref<128x128xf32, #tpu.memory_space<vmem>>, vector<1x16xf32>,
      %broadcast_in_dim3A_66 = arith.constant 0.000000e+00 : f32
      %broadcast_in_dim3A_67 = vector.broadcast %broadcast_in_dim3A_66 : f32 to vector<16xf32>
      %swap3A_68 = arith.index_cast %scan3A_46 : i32 to index
      %swap3A_69 = arith.constant 48 : index
      %swap3A_70 = tpu.vector_load %arg8[%swap3A_68, %swap3A_69] {strides = array<i32>} : memref<128x128xf32, #tpu.memory_space<vmem>>, vector<1x16xf32>,
      %swap3A_71 = vector.shape_cast %swap3A_70 : vector<1x16xf32> to vector<16xf32>
      %swap3A_72 = vector.shape_cast %broadcast_in_dim3A_67 : vector<16xf32> to vector<1x16xf32>
      tpu.vector_store %arg8[%swap3A_68, %swap3A_69], %swap3A_72 {strides = array<i32>} : memref<128x128xf32, #tpu.memory_space<vmem>>, vector<1x16xf32>,
      %broadcast_in_dim3A_73 = arith.constant 0.000000e+00 : f32
      %broadcast_in_dim3A_74 = vector.broadcast %broadcast_in_dim3A_73 : f32 to vector<16xf32>
      %swap3A_75 = arith.index_cast %scan3A_46 : i32 to index
      %swap3A_76 = arith.constant 64 : index
      %swap3A_77 = tpu.vector_load %arg8[%swap3A_75, %swap3A_76] {strides = array<i32>} : memref<128x128xf32, #tpu.memory_space<vmem>>, vector<1x16xf32>,
      %swap3A_78 = vector.shape_cast %swap3A_77 : vector<1x16xf32> to vector<16xf32>
      %swap3A_79 = vector.shape_cast %broadcast_in_dim3A_74 : vector<16xf32> to vector<1x16xf32>
      tpu.vector_store %arg8[%swap3A_75, %swap3A_76], %swap3A_79 {strides = array<i32>} : memref<128x128xf32, #tpu.memory_space<vmem>>, vector<1x16xf32>,
      %broadcast_in_dim3A_80 = arith.constant 0.000000e+00 : f32
      %broadcast_in_dim3A_81 = vector.broadcast %broadcast_in_dim3A_80 : f32 to vector<16xf32>
      %swap3A_82 = arith.index_cast %scan3A_46 : i32 to index
      %swap3A_83 = arith.constant 80 : index
      %swap3A_84 = tpu.vector_load %arg8[%swap3A_82, %swap3A_83] {strides = array<i32>} : memref<128x128xf32, #tpu.memory_space<vmem>>, vector<1x16xf32>,
      %swap3A_85 = vector.shape_cast %swap3A_84 : vector<1x16xf32> to vector<16xf32>
      %swap3A_86 = vector.shape_cast %broadcast_in_dim3A_81 : vector<16xf32> to vector<1x16xf32>
      tpu.vector_store %arg8[%swap3A_82, %swap3A_83], %swap3A_86 {strides = array<i32>} : memref<128x128xf32, #tpu.memory_space<vmem>>, vector<1x16xf32>,
      %broadcast_in_dim3A_87 = arith.constant 0.000000e+00 : f32
      %broadcast_in_dim3A_88 = vector.broadcast %broadcast_in_dim3A_87 : f32 to vector<16xf32>
      %swap3A_89 = arith.index_cast %scan3A_46 : i32 to index
      %swap3A_90 = arith.constant 96 : index
      %swap3A_91 = tpu.vector_load %arg8[%swap3A_89, %swap3A_90] {strides = array<i32>} : memref<128x128xf32, #tpu.memory_space<vmem>>, vector<1x16xf32>,
      %swap3A_92 = vector.shape_cast %swap3A_91 : vector<1x16xf32> to vector<16xf32>
      %swap3A_93 = vector.shape_cast %broadcast_in_dim3A_88 : vector<16xf32> to vector<1x16xf32>
      tpu.vector_store %arg8[%swap3A_89, %swap3A_90], %swap3A_93 {strides = array<i32>} : memref<128x128xf32, #tpu.memory_space<vmem>>, vector<1x16xf32>,
      %broadcast_in_dim3A_94 = arith.constant 0.000000e+00 : f32
      %broadcast_in_dim3A_95 = vector.broadcast %broadcast_in_dim3A_94 : f32 to vector<16xf32>
      %swap3A_96 = arith.index_cast %scan3A_46 : i32 to index
      %swap3A_97 = arith.constant 112 : index
      %swap3A_98 = tpu.vector_load %arg8[%swap3A_96, %swap3A_97] {strides = array<i32>} : memref<128x128xf32, #tpu.memory_space<vmem>>, vector<1x16xf32>,
      %swap3A_99 = vector.shape_cast %swap3A_98 : vector<1x16xf32> to vector<16xf32>
      %swap3A_100 = vector.shape_cast %broadcast_in_dim3A_95 : vector<16xf32> to vector<1x16xf32>
      tpu.vector_store %arg8[%swap3A_96, %swap3A_97], %swap3A_100 {strides = array<i32>} : memref<128x128xf32, #tpu.memory_space<vmem>>, vector<1x16xf32>,
    }
    %scan3A_5 = arith.constant 128 : i32
    %mul3A_6 = arith.constant 640 : i32
    %mul3A_7 = arith.muli %arg1, %mul3A_6 : i32
    %add3A_8 = arith.constant 0 : i32
    %add3A_9 = arith.addi %mul3A_7, %add3A_8 : i32
    "tpu.region"() ({
      %run_scoped3A_46 = tpu.sem_alloc : memref<!tpu.dma_semaphore, #tpu.memory_space<semaphore_mem>>
      %dma_start3A = arith.constant 0 : i32
      %dma_start3A_47 = tpu.memref_slice %arg10[%add3A_9, %dma_start3A] : memref<10240x128xf32, #tpu.memory_space<vmem_shared>> -> memref<128x128xf32, #tpu.memory_space<vmem_shared>>
      %dma_start3A_48 = arith.constant 0 : i32
      %dma_start3A_49 = tpu.memref_slice %arg10[%add3A_9, %dma_start3A_48] : memref<10240x128xf32, #tpu.memory_space<vmem_shared>> -> memref<128x128xf32, #tpu.memory_space<vmem_shared>>
      tpu.enqueue_dma source(%arg8 : memref<128x128xf32, #tpu.memory_space<vmem>>) target(%dma_start3A_49 : memref<128x128xf32, #tpu.memory_space<vmem_shared>>) target_semaphore(%run_scoped3A_46 : memref<!tpu.dma_semaphore, #tpu.memory_space<semaphore_mem>>)
      %dma_wait3A = arith.constant 0 : i32
      %dma_wait3A_50 = tpu.memref_slice %arg10[%add3A_9, %dma_wait3A] : memref<10240x128xf32, #tpu.memory_space<vmem_shared>> -> memref<128x128xf32, #tpu.memory_space<vmem_shared>>
      %dma_wait3A_51 = arith.constant 0 : i32
      %dma_wait3A_52 = tpu.memref_slice %arg10[%add3A_9, %dma_wait3A_51] : memref<10240x128xf32, #tpu.memory_space<vmem_shared>> -> memref<128x128xf32, #tpu.memory_space<vmem_shared>>
      tpu.wait_dma2 semaphore(%run_scoped3A_46 : memref<!tpu.dma_semaphore, #tpu.memory_space<semaphore_mem>>) src(%arg8 : memref<128x128xf32, #tpu.memory_space<vmem>>) dst(%dma_wait3A_52 : memref<128x128xf32, #tpu.memory_space<vmem_shared>>)
      tpu.yield
    }) : () -> ()
    %mul3A_10 = arith.constant 640 : i32
    %mul3A_11 = arith.muli %arg1, %mul3A_10 : i32
    %add3A_12 = arith.constant 128 : i32
    %add3A_13 = arith.addi %mul3A_11, %add3A_12 : i32
    "tpu.region"() ({
      %run_scoped3A_46 = tpu.sem_alloc : memref<!tpu.dma_semaphore, #tpu.memory_space<semaphore_mem>>
      %dma_start3A = arith.constant 0 : i32
      %dma_start3A_47 = tpu.memref_slice %arg10[%add3A_13, %dma_start3A] : memref<10240x128xf32, #tpu.memory_space<vmem_shared>> -> memref<128x128xf32, #tpu.memory_space<vmem_shared>>
      %dma_start3A_48 = arith.constant 0 : i32
      %dma_start3A_49 = tpu.memref_slice %arg10[%add3A_13, %dma_start3A_48] : memref<10240x128xf32, #tpu.memory_space<vmem_shared>> -> memref<128x128xf32, #tpu.memory_space<vmem_shared>>
      tpu.enqueue_dma source(%arg8 : memref<128x128xf32, #tpu.memory_space<vmem>>) target(%dma_start3A_49 : memref<128x128xf32, #tpu.memory_space<vmem_shared>>) target_semaphore(%run_scoped3A_46 : memref<!tpu.dma_semaphore, #tpu.memory_space<semaphore_mem>>)
      %dma_wait3A = arith.constant 0 : i32
      %dma_wait3A_50 = tpu.memref_slice %arg10[%add3A_13, %dma_wait3A] : memref<10240x128xf32, #tpu.memory_space<vmem_shared>> -> memref<128x128xf32, #tpu.memory_space<vmem_shared>>
      %dma_wait3A_51 = arith.constant 0 : i32
      %dma_wait3A_52 = tpu.memref_slice %arg10[%add3A_13, %dma_wait3A_51] : memref<10240x128xf32, #tpu.memory_space<vmem_shared>> -> memref<128x128xf32, #tpu.memory_space<vmem_shared>>
      tpu.wait_dma2 semaphore(%run_scoped3A_46 : memref<!tpu.dma_semaphore, #tpu.memory_space<semaphore_mem>>) src(%arg8 : memref<128x128xf32, #tpu.memory_space<vmem>>) dst(%dma_wait3A_52 : memref<128x128xf32, #tpu.memory_space<vmem_shared>>)
      tpu.yield
    }) : () -> ()
    %mul3A_14 = arith.constant 640 : i32
    %mul3A_15 = arith.muli %arg1, %mul3A_14 : i32
    %add3A_16 = arith.constant 256 : i32
    %add3A_17 = arith.addi %mul3A_15, %add3A_16 : i32
    "tpu.region"() ({
      %run_scoped3A_46 = tpu.sem_alloc : memref<!tpu.dma_semaphore, #tpu.memory_space<semaphore_mem>>
      %dma_start3A = arith.constant 0 : i32
      %dma_start3A_47 = tpu.memref_slice %arg10[%add3A_17, %dma_start3A] : memref<10240x128xf32, #tpu.memory_space<vmem_shared>> -> memref<128x128xf32, #tpu.memory_space<vmem_shared>>
      %dma_start3A_48 = arith.constant 0 : i32
      %dma_start3A_49 = tpu.memref_slice %arg10[%add3A_17, %dma_start3A_48] : memref<10240x128xf32, #tpu.memory_space<vmem_shared>> -> memref<128x128xf32, #tpu.memory_space<vmem_shared>>
      tpu.enqueue_dma source(%arg8 : memref<128x128xf32, #tpu.memory_space<vmem>>) target(%dma_start3A_49 : memref<128x128xf32, #tpu.memory_space<vmem_shared>>) target_semaphore(%run_scoped3A_46 : memref<!tpu.dma_semaphore, #tpu.memory_space<semaphore_mem>>)
      %dma_wait3A = arith.constant 0 : i32
      %dma_wait3A_50 = tpu.memref_slice %arg10[%add3A_17, %dma_wait3A] : memref<10240x128xf32, #tpu.memory_space<vmem_shared>> -> memref<128x128xf32, #tpu.memory_space<vmem_shared>>
      %dma_wait3A_51 = arith.constant 0 : i32
      %dma_wait3A_52 = tpu.memref_slice %arg10[%add3A_17, %dma_wait3A_51] : memref<10240x128xf32, #tpu.memory_space<vmem_shared>> -> memref<128x128xf32, #tpu.memory_space<vmem_shared>>
      tpu.wait_dma2 semaphore(%run_scoped3A_46 : memref<!tpu.dma_semaphore, #tpu.memory_space<semaphore_mem>>) src(%arg8 : memref<128x128xf32, #tpu.memory_space<vmem>>) dst(%dma_wait3A_52 : memref<128x128xf32, #tpu.memory_space<vmem_shared>>)
      tpu.yield
    }) : () -> ()
    %mul3A_18 = arith.constant 640 : i32
    %mul3A_19 = arith.muli %arg1, %mul3A_18 : i32
    %add3A_20 = arith.constant 384 : i32
    %add3A_21 = arith.addi %mul3A_19, %add3A_20 : i32
    "tpu.region"() ({
      %run_scoped3A_46 = tpu.sem_alloc : memref<!tpu.dma_semaphore, #tpu.memory_space<semaphore_mem>>
      %dma_start3A = arith.constant 0 : i32
      %dma_start3A_47 = tpu.memref_slice %arg10[%add3A_21, %dma_start3A] : memref<10240x128xf32, #tpu.memory_space<vmem_shared>> -> memref<128x128xf32, #tpu.memory_space<vmem_shared>>
      %dma_start3A_48 = arith.constant 0 : i32
      %dma_start3A_49 = tpu.memref_slice %arg10[%add3A_21, %dma_start3A_48] : memref<10240x128xf32, #tpu.memory_space<vmem_shared>> -> memref<128x128xf32, #tpu.memory_space<vmem_shared>>
      tpu.enqueue_dma source(%arg8 : memref<128x128xf32, #tpu.memory_space<vmem>>) target(%dma_start3A_49 : memref<128x128xf32, #tpu.memory_space<vmem_shared>>) target_semaphore(%run_scoped3A_46 : memref<!tpu.dma_semaphore, #tpu.memory_space<semaphore_mem>>)
      %dma_wait3A = arith.constant 0 : i32
      %dma_wait3A_50 = tpu.memref_slice %arg10[%add3A_21, %dma_wait3A] : memref<10240x128xf32, #tpu.memory_space<vmem_shared>> -> memref<128x128xf32, #tpu.memory_space<vmem_shared>>
      %dma_wait3A_51 = arith.constant 0 : i32
      %dma_wait3A_52 = tpu.memref_slice %arg10[%add3A_21, %dma_wait3A_51] : memref<10240x128xf32, #tpu.memory_space<vmem_shared>> -> memref<128x128xf32, #tpu.memory_space<vmem_shared>>
      tpu.wait_dma2 semaphore(%run_scoped3A_46 : memref<!tpu.dma_semaphore, #tpu.memory_space<semaphore_mem>>) src(%arg8 : memref<128x128xf32, #tpu.memory_space<vmem>>) dst(%dma_wait3A_52 : memref<128x128xf32, #tpu.memory_space<vmem_shared>>)
      tpu.yield
    }) : () -> ()
    %mul3A_22 = arith.constant 640 : i32
    %mul3A_23 = arith.muli %arg1, %mul3A_22 : i32
    %add3A_24 = arith.constant 512 : i32
    %add3A_25 = arith.addi %mul3A_23, %add3A_24 : i32
    "tpu.region"() ({
      %run_scoped3A_46 = tpu.sem_alloc : memref<!tpu.dma_semaphore, #tpu.memory_space<semaphore_mem>>
      %dma_start3A = arith.constant 0 : i32
      %dma_start3A_47 = tpu.memref_slice %arg10[%add3A_25, %dma_start3A] : memref<10240x128xf32, #tpu.memory_space<vmem_shared>> -> memref<128x128xf32, #tpu.memory_space<vmem_shared>>
      %dma_start3A_48 = arith.constant 0 : i32
      %dma_start3A_49 = tpu.memref_slice %arg10[%add3A_25, %dma_start3A_48] : memref<10240x128xf32, #tpu.memory_space<vmem_shared>> -> memref<128x128xf32, #tpu.memory_space<vmem_shared>>
      tpu.enqueue_dma source(%arg8 : memref<128x128xf32, #tpu.memory_space<vmem>>) target(%dma_start3A_49 : memref<128x128xf32, #tpu.memory_space<vmem_shared>>) target_semaphore(%run_scoped3A_46 : memref<!tpu.dma_semaphore, #tpu.memory_space<semaphore_mem>>)
      %dma_wait3A = arith.constant 0 : i32
      %dma_wait3A_50 = tpu.memref_slice %arg10[%add3A_25, %dma_wait3A] : memref<10240x128xf32, #tpu.memory_space<vmem_shared>> -> memref<128x128xf32, #tpu.memory_space<vmem_shared>>
      %dma_wait3A_51 = arith.constant 0 : i32
      %dma_wait3A_52 = tpu.memref_slice %arg10[%add3A_25, %dma_wait3A_51] : memref<10240x128xf32, #tpu.memory_space<vmem_shared>> -> memref<128x128xf32, #tpu.memory_space<vmem_shared>>
      tpu.wait_dma2 semaphore(%run_scoped3A_46 : memref<!tpu.dma_semaphore, #tpu.memory_space<semaphore_mem>>) src(%arg8 : memref<128x128xf32, #tpu.memory_space<vmem>>) dst(%dma_wait3A_52 : memref<128x128xf32, #tpu.memory_space<vmem_shared>>)
      tpu.yield
    }) : () -> ()
    %barrier3A = arith.constant 0 : index
    tpu.barrier barrier_id(%barrier3A)
    %run_scoped3A = arith.constant 0 : i32
    "tpu.region"() ({
      %run_scoped3A_46 = tpu.sem_alloc : memref<!tpu.dma_semaphore, #tpu.memory_space<semaphore_mem>>
      %dma_start3A = arith.constant 0 : i32
      %dma_start3A_47 = arith.constant 0 : i32
      %dma_start3A_48 = tpu.memref_slice %arg3[%add3A, %run_scoped3A, %dma_start3A, %dma_start3A_47] : memref<32x2x40x128xi32, #tpu.memory_space<hbm>> -> memref<1x1x40x128xi32, #tpu.memory_space<hbm>>
      %dma_start3A_49 = tpu.memref_squeeze %dma_start3A_48 : memref<1x1x40x128xi32, #tpu.memory_space<hbm>> -> memref<40x128xi32, #tpu.memory_space<hbm>>
      %dma_start3A_50 = arith.constant 0 : i32
      %dma_start3A_51 = arith.constant 0 : i32
      %dma_start3A_52 = tpu.memref_slice %arg3[%add3A, %run_scoped3A, %dma_start3A_50, %dma_start3A_51] : memref<32x2x40x128xi32, #tpu.memory_space<hbm>> -> memref<1x1x40x128xi32, #tpu.memory_space<hbm>>
      %dma_start3A_53 = tpu.memref_squeeze %dma_start3A_52 : memref<1x1x40x128xi32, #tpu.memory_space<hbm>> -> memref<40x128xi32, #tpu.memory_space<hbm>>
      tpu.enqueue_dma source(%dma_start3A_53 : memref<40x128xi32, #tpu.memory_space<hbm>>) target(%arg6 : memref<40x128xi32, #tpu.memory_space<vmem>>) target_semaphore(%run_scoped3A_46 : memref<!tpu.dma_semaphore, #tpu.memory_space<semaphore_mem>>)
      %dma_wait3A = arith.constant 0 : i32
      %dma_wait3A_54 = arith.constant 0 : i32
      %dma_wait3A_55 = tpu.memref_slice %arg3[%add3A, %run_scoped3A, %dma_wait3A, %dma_wait3A_54] : memref<32x2x40x128xi32, #tpu.memory_space<hbm>> -> memref<1x1x40x128xi32, #tpu.memory_space<hbm>>
      %dma_wait3A_56 = tpu.memref_squeeze %dma_wait3A_55 : memref<1x1x40x128xi32, #tpu.memory_space<hbm>> -> memref<40x128xi32, #tpu.memory_space<hbm>>
      %dma_wait3A_57 = arith.constant 0 : i32
      %dma_wait3A_58 = arith.constant 0 : i32
      %dma_wait3A_59 = tpu.memref_slice %arg3[%add3A, %run_scoped3A, %dma_wait3A_57, %dma_wait3A_58] : memref<32x2x40x128xi32, #tpu.memory_space<hbm>> -> memref<1x1x40x128xi32, #tpu.memory_space<hbm>>
      %dma_wait3A_60 = tpu.memref_squeeze %dma_wait3A_59 : memref<1x1x40x128xi32, #tpu.memory_space<hbm>> -> memref<40x128xi32, #tpu.memory_space<hbm>>
      tpu.wait_dma2 semaphore(%run_scoped3A_46 : memref<!tpu.dma_semaphore, #tpu.memory_space<semaphore_mem>>) src(%dma_wait3A_60 : memref<40x128xi32, #tpu.memory_space<hbm>>) dst(%arg6 : memref<40x128xi32, #tpu.memory_space<vmem>>)
      tpu.yield
    }) : () -> ()
    %run_scoped3A_26 = arith.constant 0 : i32
    "tpu.region"() ({
      %run_scoped3A_46 = tpu.sem_alloc : memref<!tpu.dma_semaphore, #tpu.memory_space<semaphore_mem>>
      %dma_start3A = arith.constant 0 : i32
      %dma_start3A_47 = arith.constant 0 : i32
      %dma_start3A_48 = tpu.memref_slice %arg4[%add3A, %run_scoped3A_26, %dma_start3A, %dma_start3A_47] : memref<32x2x40x128xi32, #tpu.memory_space<hbm>> -> memref<1x1x40x128xi32, #tpu.memory_space<hbm>>
      %dma_start3A_49 = tpu.memref_squeeze %dma_start3A_48 : memref<1x1x40x128xi32, #tpu.memory_space<hbm>> -> memref<40x128xi32, #tpu.memory_space<hbm>>
      %dma_start3A_50 = arith.constant 0 : i32
      %dma_start3A_51 = arith.constant 0 : i32
      %dma_start3A_52 = tpu.memref_slice %arg4[%add3A, %run_scoped3A_26, %dma_start3A_50, %dma_start3A_51] : memref<32x2x40x128xi32, #tpu.memory_space<hbm>> -> memref<1x1x40x128xi32, #tpu.memory_space<hbm>>
      %dma_start3A_53 = tpu.memref_squeeze %dma_start3A_52 : memref<1x1x40x128xi32, #tpu.memory_space<hbm>> -> memref<40x128xi32, #tpu.memory_space<hbm>>
      tpu.enqueue_dma source(%dma_start3A_53 : memref<40x128xi32, #tpu.memory_space<hbm>>) target(%arg7 : memref<40x128xi32, #tpu.memory_space<vmem>>) target_semaphore(%run_scoped3A_46 : memref<!tpu.dma_semaphore, #tpu.memory_space<semaphore_mem>>)
      %dma_wait3A = arith.constant 0 : i32
      %dma_wait3A_54 = arith.constant 0 : i32
      %dma_wait3A_55 = tpu.memref_slice %arg4[%add3A, %run_scoped3A_26, %dma_wait3A, %dma_wait3A_54] : memref<32x2x40x128xi32, #tpu.memory_space<hbm>> -> memref<1x1x40x128xi32, #tpu.memory_space<hbm>>
      %dma_wait3A_56 = tpu.memref_squeeze %dma_wait3A_55 : memref<1x1x40x128xi32, #tpu.memory_space<hbm>> -> memref<40x128xi32, #tpu.memory_space<hbm>>
      %dma_wait3A_57 = arith.constant 0 : i32
      %dma_wait3A_58 = arith.constant 0 : i32
      %dma_wait3A_59 = tpu.memref_slice %arg4[%add3A, %run_scoped3A_26, %dma_wait3A_57, %dma_wait3A_58] : memref<32x2x40x128xi32, #tpu.memory_space<hbm>> -> memref<1x1x40x128xi32, #tpu.memory_space<hbm>>
      %dma_wait3A_60 = tpu.memref_squeeze %dma_wait3A_59 : memref<1x1x40x128xi32, #tpu.memory_space<hbm>> -> memref<40x128xi32, #tpu.memory_space<hbm>>
      tpu.wait_dma2 semaphore(%run_scoped3A_46 : memref<!tpu.dma_semaphore, #tpu.memory_space<semaphore_mem>>) src(%dma_wait3A_60 : memref<40x128xi32, #tpu.memory_space<hbm>>) dst(%arg7 : memref<40x128xi32, #tpu.memory_space<vmem>>)
      tpu.yield
    }) : () -> ()
    %scan3A_27 = arith.constant 0 : i32
    %scan3A_28 = arith.constant 0 : i32
    %scan3A_29 = arith.constant 20 : i32
    %scan3A_30 = arith.addi %scan3A_28, %scan3A_29 : i32
    %scan3A_31 = arith.constant 1 : i32
    scf.for %scan3A_46 = %scan3A_28 to %scan3A_30 step %scan3A_31  : i32 {
      %mul3A_47 = arith.constant 2 : i32
      %mul3A_48 = arith.muli %scan3A_46, %mul3A_47 : i32
      %add3A_49 = arith.constant 1 : i32
      %add3A_50 = arith.addi %mul3A_48, %add3A_49 : i32
      %dma_start3A = arith.constant 0 : i32
      %dma_start3A_51 = tpu.memref_slice %arg6[%mul3A_48, %dma_start3A] : memref<40x128xi32, #tpu.memory_space<vmem>> -> memref<1x128xi32, #tpu.memory_space<vmem>>
      %dma_start3A_52 = tpu.memref_squeeze %dma_start3A_51 : memref<1x128xi32, #tpu.memory_space<vmem>> -> memref<128xi32, #tpu.memory_space<vmem>>
      %dma_start3A_53 = arith.constant 0 : i32
      %dma_start3A_54 = arith.constant 0 : i32
      %dma_start3A_55 = tpu.memref_slice %arg2[%dma_start3A_53, %dma_start3A_54] : memref<10000x128xf32, #tpu.memory_space<hbm>> -> memref<10000x128xf32, #tpu.memory_space<hbm>>
      tpu.enqueue_indirect_dma source(%dma_start3A_55 : memref<10000x128xf32, #tpu.memory_space<hbm>>) target(%arg8 : memref<128x128xf32, #tpu.memory_space<vmem>>) offsets(%dma_start3A_52 : memref<128xi32, #tpu.memory_space<vmem>>) semaphore(%arg11 : memref<!tpu.dma_semaphore, #tpu.memory_space<semaphore_mem>>)
      %dma_start3A_56 = arith.constant 0 : i32
      %dma_start3A_57 = tpu.memref_slice %arg6[%add3A_50, %dma_start3A_56] : memref<40x128xi32, #tpu.memory_space<vmem>> -> memref<1x128xi32, #tpu.memory_space<vmem>>
      %dma_start3A_58 = tpu.memref_squeeze %dma_start3A_57 : memref<1x128xi32, #tpu.memory_space<vmem>> -> memref<128xi32, #tpu.memory_space<vmem>>
      %dma_start3A_59 = arith.constant 0 : i32
      %dma_start3A_60 = arith.constant 0 : i32
      %dma_start3A_61 = tpu.memref_slice %arg2[%dma_start3A_59, %dma_start3A_60] : memref<10000x128xf32, #tpu.memory_space<hbm>> -> memref<10000x128xf32, #tpu.memory_space<hbm>>
      tpu.enqueue_indirect_dma source(%dma_start3A_61 : memref<10000x128xf32, #tpu.memory_space<hbm>>) target(%arg9 : memref<128x128xf32, #tpu.memory_space<vmem>>) offsets(%dma_start3A_58 : memref<128xi32, #tpu.memory_space<vmem>>) semaphore(%arg12 : memref<!tpu.dma_semaphore, #tpu.memory_space<semaphore_mem>>)
      %dma_wait3A = arith.constant 0 : i32
      %dma_wait3A_62 = tpu.memref_slice %arg6[%mul3A_48, %dma_wait3A] : memref<40x128xi32, #tpu.memory_space<vmem>> -> memref<1x128xi32, #tpu.memory_space<vmem>>
      %dma_wait3A_63 = tpu.memref_squeeze %dma_wait3A_62 : memref<1x128xi32, #tpu.memory_space<vmem>> -> memref<128xi32, #tpu.memory_space<vmem>>
      %dma_wait3A_64 = arith.constant 0 : i32
      %dma_wait3A_65 = arith.constant 0 : i32
      %dma_wait3A_66 = tpu.memref_slice %arg2[%dma_wait3A_64, %dma_wait3A_65] : memref<10000x128xf32, #tpu.memory_space<hbm>> -> memref<10000x128xf32, #tpu.memory_space<hbm>>
      tpu.wait_indirect_dma semaphore(%arg11 : memref<!tpu.dma_semaphore, #tpu.memory_space<semaphore_mem>>) src(%dma_wait3A_66 : memref<10000x128xf32, #tpu.memory_space<hbm>>) dst(%arg8 : memref<128x128xf32, #tpu.memory_space<vmem>>)
      "tpu.region"() ({
        %run_scoped3A_73 = tpu.sem_alloc : memref<!tpu.dma_semaphore, #tpu.memory_space<semaphore_mem>>
        %dma_start3A_74 = arith.constant 0 : i32
        %dma_start3A_75 = tpu.memref_slice %arg7[%mul3A_48, %dma_start3A_74] : memref<40x128xi32, #tpu.memory_space<vmem>> -> memref<1x128xi32, #tpu.memory_space<vmem>>
        %dma_start3A_76 = tpu.memref_squeeze %dma_start3A_75 : memref<1x128xi32, #tpu.memory_space<vmem>> -> memref<128xi32, #tpu.memory_space<vmem>>
        %dma_start3A_77 = arith.constant 0 : i32
        %dma_start3A_78 = arith.constant 0 : i32
        %dma_start3A_79 = tpu.memref_slice %arg10[%dma_start3A_77, %dma_start3A_78] : memref<10240x128xf32, #tpu.memory_space<vmem_shared>> -> memref<10240x128xf32, #tpu.memory_space<vmem_shared>>
        tpu.enqueue_indirect_dma source(%arg8 : memref<128x128xf32, #tpu.memory_space<vmem>>) target(%dma_start3A_79 : memref<10240x128xf32, #tpu.memory_space<vmem_shared>>) offsets(%dma_start3A_76 : memref<128xi32, #tpu.memory_space<vmem>>) semaphore(%run_scoped3A_73 : memref<!tpu.dma_semaphore, #tpu.memory_space<semaphore_mem>>) {add = true}
        %dma_wait3A_80 = arith.constant 0 : i32
        %dma_wait3A_81 = tpu.memref_slice %arg7[%mul3A_48, %dma_wait3A_80] : memref<40x128xi32, #tpu.memory_space<vmem>> -> memref<1x128xi32, #tpu.memory_space<vmem>>
        %dma_wait3A_82 = tpu.memref_squeeze %dma_wait3A_81 : memref<1x128xi32, #tpu.memory_space<vmem>> -> memref<128xi32, #tpu.memory_space<vmem>>
        %dma_wait3A_83 = arith.constant 0 : i32
        %dma_wait3A_84 = arith.constant 0 : i32
        %dma_wait3A_85 = tpu.memref_slice %arg10[%dma_wait3A_83, %dma_wait3A_84] : memref<10240x128xf32, #tpu.memory_space<vmem_shared>> -> memref<10240x128xf32, #tpu.memory_space<vmem_shared>>
        tpu.wait_indirect_dma semaphore(%run_scoped3A_73 : memref<!tpu.dma_semaphore, #tpu.memory_space<semaphore_mem>>) src(%arg8 : memref<128x128xf32, #tpu.memory_space<vmem>>) dst(%dma_wait3A_85 : memref<10240x128xf32, #tpu.memory_space<vmem_shared>>)
        tpu.yield
      }) : () -> ()
      %dma_wait3A_67 = arith.constant 0 : i32
      %dma_wait3A_68 = tpu.memref_slice %arg6[%add3A_50, %dma_wait3A_67] : memref<40x128xi32, #tpu.memory_space<vmem>> -> memref<1x128xi32, #tpu.memory_space<vmem>>
      %dma_wait3A_69 = tpu.memref_squeeze %dma_wait3A_68 : memref<1x128xi32, #tpu.memory_space<vmem>> -> memref<128xi32, #tpu.memory_space<vmem>>
      %dma_wait3A_70 = arith.constant 0 : i32
      %dma_wait3A_71 = arith.constant 0 : i32
      %dma_wait3A_72 = tpu.memref_slice %arg2[%dma_wait3A_70, %dma_wait3A_71] : memref<10000x128xf32, #tpu.memory_space<hbm>> -> memref<10000x128xf32, #tpu.memory_space<hbm>>
      tpu.wait_indirect_dma semaphore(%arg12 : memref<!tpu.dma_semaphore, #tpu.memory_space<semaphore_mem>>) src(%dma_wait3A_72 : memref<10000x128xf32, #tpu.memory_space<hbm>>) dst(%arg9 : memref<128x128xf32, #tpu.memory_space<vmem>>)
      "tpu.region"() ({
        %run_scoped3A_73 = tpu.sem_alloc : memref<!tpu.dma_semaphore, #tpu.memory_space<semaphore_mem>>
        %dma_start3A_74 = arith.constant 0 : i32
        %dma_start3A_75 = tpu.memref_slice %arg7[%add3A_50, %dma_start3A_74] : memref<40x128xi32, #tpu.memory_space<vmem>> -> memref<1x128xi32, #tpu.memory_space<vmem>>
        %dma_start3A_76 = tpu.memref_squeeze %dma_start3A_75 : memref<1x128xi32, #tpu.memory_space<vmem>> -> memref<128xi32, #tpu.memory_space<vmem>>
        %dma_start3A_77 = arith.constant 0 : i32
        %dma_start3A_78 = arith.constant 0 : i32
        %dma_start3A_79 = tpu.memref_slice %arg10[%dma_start3A_77, %dma_start3A_78] : memref<10240x128xf32, #tpu.memory_space<vmem_shared>> -> memref<10240x128xf32, #tpu.memory_space<vmem_shared>>
        tpu.enqueue_indirect_dma source(%arg9 : memref<128x128xf32, #tpu.memory_space<vmem>>) target(%dma_start3A_79 : memref<10240x128xf32, #tpu.memory_space<vmem_shared>>) offsets(%dma_start3A_76 : memref<128xi32, #tpu.memory_space<vmem>>) semaphore(%run_scoped3A_73 : memref<!tpu.dma_semaphore, #tpu.memory_space<semaphore_mem>>) {add = true}
        %dma_wait3A_80 = arith.constant 0 : i32
        %dma_wait3A_81 = tpu.memref_slice %arg7[%add3A_50, %dma_wait3A_80] : memref<40x128xi32, #tpu.memory_space<vmem>> -> memref<1x128xi32, #tpu.memory_space<vmem>>
        %dma_wait3A_82 = tpu.memref_squeeze %dma_wait3A_81 : memref<1x128xi32, #tpu.memory_space<vmem>> -> memref<128xi32, #tpu.memory_space<vmem>>
        %dma_wait3A_83 = arith.constant 0 : i32
        %dma_wait3A_84 = arith.constant 0 : i32
        %dma_wait3A_85 = tpu.memref_slice %arg10[%dma_wait3A_83, %dma_wait3A_84] : memref<10240x128xf32, #tpu.memory_space<vmem_shared>> -> memref<10240x128xf32, #tpu.memory_space<vmem_shared>>
        tpu.wait_indirect_dma semaphore(%run_scoped3A_73 : memref<!tpu.dma_semaphore, #tpu.memory_space<semaphore_mem>>) src(%arg9 : memref<128x128xf32, #tpu.memory_space<vmem>>) dst(%dma_wait3A_85 : memref<10240x128xf32, #tpu.memory_space<vmem_shared>>)
        tpu.yield
      }) : () -> ()
    }
    %scan3A_32 = arith.constant 20 : i32
    %run_scoped3A_33 = arith.constant 1 : i32
    "tpu.region"() ({
      %run_scoped3A_46 = tpu.sem_alloc : memref<!tpu.dma_semaphore, #tpu.memory_space<semaphore_mem>>
      %dma_start3A = arith.constant 0 : i32
      %dma_start3A_47 = arith.constant 0 : i32
      %dma_start3A_48 = tpu.memref_slice %arg3[%add3A, %run_scoped3A_33, %dma_start3A, %dma_start3A_47] : memref<32x2x40x128xi32, #tpu.memory_space<hbm>> -> memref<1x1x40x128xi32, #tpu.memory_space<hbm>>
      %dma_start3A_49 = tpu.memref_squeeze %dma_start3A_48 : memref<1x1x40x128xi32, #tpu.memory_space<hbm>> -> memref<40x128xi32, #tpu.memory_space<hbm>>
      %dma_start3A_50 = arith.constant 0 : i32
      %dma_start3A_51 = arith.constant 0 : i32
      %dma_start3A_52 = tpu.memref_slice %arg3[%add3A, %run_scoped3A_33, %dma_start3A_50, %dma_start3A_51] : memref<32x2x40x128xi32, #tpu.memory_space<hbm>> -> memref<1x1x40x128xi32, #tpu.memory_space<hbm>>
      %dma_start3A_53 = tpu.memref_squeeze %dma_start3A_52 : memref<1x1x40x128xi32, #tpu.memory_space<hbm>> -> memref<40x128xi32, #tpu.memory_space<hbm>>
      tpu.enqueue_dma source(%dma_start3A_53 : memref<40x128xi32, #tpu.memory_space<hbm>>) target(%arg6 : memref<40x128xi32, #tpu.memory_space<vmem>>) target_semaphore(%run_scoped3A_46 : memref<!tpu.dma_semaphore, #tpu.memory_space<semaphore_mem>>)
      %dma_wait3A = arith.constant 0 : i32
      %dma_wait3A_54 = arith.constant 0 : i32
      %dma_wait3A_55 = tpu.memref_slice %arg3[%add3A, %run_scoped3A_33, %dma_wait3A, %dma_wait3A_54] : memref<32x2x40x128xi32, #tpu.memory_space<hbm>> -> memref<1x1x40x128xi32, #tpu.memory_space<hbm>>
      %dma_wait3A_56 = tpu.memref_squeeze %dma_wait3A_55 : memref<1x1x40x128xi32, #tpu.memory_space<hbm>> -> memref<40x128xi32, #tpu.memory_space<hbm>>
      %dma_wait3A_57 = arith.constant 0 : i32
      %dma_wait3A_58 = arith.constant 0 : i32
      %dma_wait3A_59 = tpu.memref_slice %arg3[%add3A, %run_scoped3A_33, %dma_wait3A_57, %dma_wait3A_58] : memref<32x2x40x128xi32, #tpu.memory_space<hbm>> -> memref<1x1x40x128xi32, #tpu.memory_space<hbm>>
      %dma_wait3A_60 = tpu.memref_squeeze %dma_wait3A_59 : memref<1x1x40x128xi32, #tpu.memory_space<hbm>> -> memref<40x128xi32, #tpu.memory_space<hbm>>
      tpu.wait_dma2 semaphore(%run_scoped3A_46 : memref<!tpu.dma_semaphore, #tpu.memory_space<semaphore_mem>>) src(%dma_wait3A_60 : memref<40x128xi32, #tpu.memory_space<hbm>>) dst(%arg6 : memref<40x128xi32, #tpu.memory_space<vmem>>)
      tpu.yield
    }) : () -> ()
    %run_scoped3A_34 = arith.constant 1 : i32
    "tpu.region"() ({
      %run_scoped3A_46 = tpu.sem_alloc : memref<!tpu.dma_semaphore, #tpu.memory_space<semaphore_mem>>
      %dma_start3A = arith.constant 0 : i32
      %dma_start3A_47 = arith.constant 0 : i32
      %dma_start3A_48 = tpu.memref_slice %arg4[%add3A, %run_scoped3A_34, %dma_start3A, %dma_start3A_47] : memref<32x2x40x128xi32, #tpu.memory_space<hbm>> -> memref<1x1x40x128xi32, #tpu.memory_space<hbm>>
      %dma_start3A_49 = tpu.memref_squeeze %dma_start3A_48 : memref<1x1x40x128xi32, #tpu.memory_space<hbm>> -> memref<40x128xi32, #tpu.memory_space<hbm>>
      %dma_start3A_50 = arith.constant 0 : i32
      %dma_start3A_51 = arith.constant 0 : i32
      %dma_start3A_52 = tpu.memref_slice %arg4[%add3A, %run_scoped3A_34, %dma_start3A_50, %dma_start3A_51] : memref<32x2x40x128xi32, #tpu.memory_space<hbm>> -> memref<1x1x40x128xi32, #tpu.memory_space<hbm>>
      %dma_start3A_53 = tpu.memref_squeeze %dma_start3A_52 : memref<1x1x40x128xi32, #tpu.memory_space<hbm>> -> memref<40x128xi32, #tpu.memory_space<hbm>>
      tpu.enqueue_dma source(%dma_start3A_53 : memref<40x128xi32, #tpu.memory_space<hbm>>) target(%arg7 : memref<40x128xi32, #tpu.memory_space<vmem>>) target_semaphore(%run_scoped3A_46 : memref<!tpu.dma_semaphore, #tpu.memory_space<semaphore_mem>>)
      %dma_wait3A = arith.constant 0 : i32
      %dma_wait3A_54 = arith.constant 0 : i32
      %dma_wait3A_55 = tpu.memref_slice %arg4[%add3A, %run_scoped3A_34, %dma_wait3A, %dma_wait3A_54] : memref<32x2x40x128xi32, #tpu.memory_space<hbm>> -> memref<1x1x40x128xi32, #tpu.memory_space<hbm>>
      %dma_wait3A_56 = tpu.memref_squeeze %dma_wait3A_55 : memref<1x1x40x128xi32, #tpu.memory_space<hbm>> -> memref<40x128xi32, #tpu.memory_space<hbm>>
      %dma_wait3A_57 = arith.constant 0 : i32
      %dma_wait3A_58 = arith.constant 0 : i32
      %dma_wait3A_59 = tpu.memref_slice %arg4[%add3A, %run_scoped3A_34, %dma_wait3A_57, %dma_wait3A_58] : memref<32x2x40x128xi32, #tpu.memory_space<hbm>> -> memref<1x1x40x128xi32, #tpu.memory_space<hbm>>
      %dma_wait3A_60 = tpu.memref_squeeze %dma_wait3A_59 : memref<1x1x40x128xi32, #tpu.memory_space<hbm>> -> memref<40x128xi32, #tpu.memory_space<hbm>>
      tpu.wait_dma2 semaphore(%run_scoped3A_46 : memref<!tpu.dma_semaphore, #tpu.memory_space<semaphore_mem>>) src(%dma_wait3A_60 : memref<40x128xi32, #tpu.memory_space<hbm>>) dst(%arg7 : memref<40x128xi32, #tpu.memory_space<vmem>>)
      tpu.yield
    }) : () -> ()
    %scan3A_35 = arith.constant 0 : i32
    %scan3A_36 = arith.constant 0 : i32
    %scan3A_37 = arith.constant 20 : i32
    %scan3A_38 = arith.addi %scan3A_36, %scan3A_37 : i32
    %scan3A_39 = arith.constant 1 : i32
    scf.for %scan3A_46 = %scan3A_36 to %scan3A_38 step %scan3A_39  : i32 {
      %mul3A_47 = arith.constant 2 : i32
      %mul3A_48 = arith.muli %scan3A_46, %mul3A_47 : i32
      %add3A_49 = arith.constant 1 : i32
      %add3A_50 = arith.addi %mul3A_48, %add3A_49 : i32
      %dma_start3A = arith.constant 0 : i32
      %dma_start3A_51 = tpu.memref_slice %arg6[%mul3A_48, %dma_start3A] : memref<40x128xi32, #tpu.memory_space<vmem>> -> memref<1x128xi32, #tpu.memory_space<vmem>>
      %dma_start3A_52 = tpu.memref_squeeze %dma_start3A_51 : memref<1x128xi32, #tpu.memory_space<vmem>> -> memref<128xi32, #tpu.memory_space<vmem>>
      %dma_start3A_53 = arith.constant 0 : i32
      %dma_start3A_54 = arith.constant 0 : i32
      %dma_start3A_55 = tpu.memref_slice %arg2[%dma_start3A_53, %dma_start3A_54] : memref<10000x128xf32, #tpu.memory_space<hbm>> -> memref<10000x128xf32, #tpu.memory_space<hbm>>
      tpu.enqueue_indirect_dma source(%dma_start3A_55 : memref<10000x128xf32, #tpu.memory_space<hbm>>) target(%arg8 : memref<128x128xf32, #tpu.memory_space<vmem>>) offsets(%dma_start3A_52 : memref<128xi32, #tpu.memory_space<vmem>>) semaphore(%arg11 : memref<!tpu.dma_semaphore, #tpu.memory_space<semaphore_mem>>)
      %dma_start3A_56 = arith.constant 0 : i32
      %dma_start3A_57 = tpu.memref_slice %arg6[%add3A_50, %dma_start3A_56] : memref<40x128xi32, #tpu.memory_space<vmem>> -> memref<1x128xi32, #tpu.memory_space<vmem>>
      %dma_start3A_58 = tpu.memref_squeeze %dma_start3A_57 : memref<1x128xi32, #tpu.memory_space<vmem>> -> memref<128xi32, #tpu.memory_space<vmem>>
      %dma_start3A_59 = arith.constant 0 : i32
      %dma_start3A_60 = arith.constant 0 : i32
      %dma_start3A_61 = tpu.memref_slice %arg2[%dma_start3A_59, %dma_start3A_60] : memref<10000x128xf32, #tpu.memory_space<hbm>> -> memref<10000x128xf32, #tpu.memory_space<hbm>>
      tpu.enqueue_indirect_dma source(%dma_start3A_61 : memref<10000x128xf32, #tpu.memory_space<hbm>>) target(%arg9 : memref<128x128xf32, #tpu.memory_space<vmem>>) offsets(%dma_start3A_58 : memref<128xi32, #tpu.memory_space<vmem>>) semaphore(%arg12 : memref<!tpu.dma_semaphore, #tpu.memory_space<semaphore_mem>>)
      %dma_wait3A = arith.constant 0 : i32
      %dma_wait3A_62 = tpu.memref_slice %arg6[%mul3A_48, %dma_wait3A] : memref<40x128xi32, #tpu.memory_space<vmem>> -> memref<1x128xi32, #tpu.memory_space<vmem>>
      %dma_wait3A_63 = tpu.memref_squeeze %dma_wait3A_62 : memref<1x128xi32, #tpu.memory_space<vmem>> -> memref<128xi32, #tpu.memory_space<vmem>>
      %dma_wait3A_64 = arith.constant 0 : i32
      %dma_wait3A_65 = arith.constant 0 : i32
      %dma_wait3A_66 = tpu.memref_slice %arg2[%dma_wait3A_64, %dma_wait3A_65] : memref<10000x128xf32, #tpu.memory_space<hbm>> -> memref<10000x128xf32, #tpu.memory_space<hbm>>
      tpu.wait_indirect_dma semaphore(%arg11 : memref<!tpu.dma_semaphore, #tpu.memory_space<semaphore_mem>>) src(%dma_wait3A_66 : memref<10000x128xf32, #tpu.memory_space<hbm>>) dst(%arg8 : memref<128x128xf32, #tpu.memory_space<vmem>>)
      "tpu.region"() ({
        %run_scoped3A_73 = tpu.sem_alloc : memref<!tpu.dma_semaphore, #tpu.memory_space<semaphore_mem>>
        %dma_start3A_74 = arith.constant 0 : i32
        %dma_start3A_75 = tpu.memref_slice %arg7[%mul3A_48, %dma_start3A_74] : memref<40x128xi32, #tpu.memory_space<vmem>> -> memref<1x128xi32, #tpu.memory_space<vmem>>
        %dma_start3A_76 = tpu.memref_squeeze %dma_start3A_75 : memref<1x128xi32, #tpu.memory_space<vmem>> -> memref<128xi32, #tpu.memory_space<vmem>>
        %dma_start3A_77 = arith.constant 0 : i32
        %dma_start3A_78 = arith.constant 0 : i32
        %dma_start3A_79 = tpu.memref_slice %arg10[%dma_start3A_77, %dma_start3A_78] : memref<10240x128xf32, #tpu.memory_space<vmem_shared>> -> memref<10240x128xf32, #tpu.memory_space<vmem_shared>>
        tpu.enqueue_indirect_dma source(%arg8 : memref<128x128xf32, #tpu.memory_space<vmem>>) target(%dma_start3A_79 : memref<10240x128xf32, #tpu.memory_space<vmem_shared>>) offsets(%dma_start3A_76 : memref<128xi32, #tpu.memory_space<vmem>>) semaphore(%run_scoped3A_73 : memref<!tpu.dma_semaphore, #tpu.memory_space<semaphore_mem>>) {add = true}
        %dma_wait3A_80 = arith.constant 0 : i32
        %dma_wait3A_81 = tpu.memref_slice %arg7[%mul3A_48, %dma_wait3A_80] : memref<40x128xi32, #tpu.memory_space<vmem>> -> memref<1x128xi32, #tpu.memory_space<vmem>>
        %dma_wait3A_82 = tpu.memref_squeeze %dma_wait3A_81 : memref<1x128xi32, #tpu.memory_space<vmem>> -> memref<128xi32, #tpu.memory_space<vmem>>
        %dma_wait3A_83 = arith.constant 0 : i32
        %dma_wait3A_84 = arith.constant 0 : i32
        %dma_wait3A_85 = tpu.memref_slice %arg10[%dma_wait3A_83, %dma_wait3A_84] : memref<10240x128xf32, #tpu.memory_space<vmem_shared>> -> memref<10240x128xf32, #tpu.memory_space<vmem_shared>>
        tpu.wait_indirect_dma semaphore(%run_scoped3A_73 : memref<!tpu.dma_semaphore, #tpu.memory_space<semaphore_mem>>) src(%arg8 : memref<128x128xf32, #tpu.memory_space<vmem>>) dst(%dma_wait3A_85 : memref<10240x128xf32, #tpu.memory_space<vmem_shared>>)
        tpu.yield
      }) : () -> ()
      %dma_wait3A_67 = arith.constant 0 : i32
      %dma_wait3A_68 = tpu.memref_slice %arg6[%add3A_50, %dma_wait3A_67] : memref<40x128xi32, #tpu.memory_space<vmem>> -> memref<1x128xi32, #tpu.memory_space<vmem>>
      %dma_wait3A_69 = tpu.memref_squeeze %dma_wait3A_68 : memref<1x128xi32, #tpu.memory_space<vmem>> -> memref<128xi32, #tpu.memory_space<vmem>>
      %dma_wait3A_70 = arith.constant 0 : i32
      %dma_wait3A_71 = arith.constant 0 : i32
      %dma_wait3A_72 = tpu.memref_slice %arg2[%dma_wait3A_70, %dma_wait3A_71] : memref<10000x128xf32, #tpu.memory_space<hbm>> -> memref<10000x128xf32, #tpu.memory_space<hbm>>
      tpu.wait_indirect_dma semaphore(%arg12 : memref<!tpu.dma_semaphore, #tpu.memory_space<semaphore_mem>>) src(%dma_wait3A_72 : memref<10000x128xf32, #tpu.memory_space<hbm>>) dst(%arg9 : memref<128x128xf32, #tpu.memory_space<vmem>>)
      "tpu.region"() ({
        %run_scoped3A_73 = tpu.sem_alloc : memref<!tpu.dma_semaphore, #tpu.memory_space<semaphore_mem>>
        %dma_start3A_74 = arith.constant 0 : i32
        %dma_start3A_75 = tpu.memref_slice %arg7[%add3A_50, %dma_start3A_74] : memref<40x128xi32, #tpu.memory_space<vmem>> -> memref<1x128xi32, #tpu.memory_space<vmem>>
        %dma_start3A_76 = tpu.memref_squeeze %dma_start3A_75 : memref<1x128xi32, #tpu.memory_space<vmem>> -> memref<128xi32, #tpu.memory_space<vmem>>
        %dma_start3A_77 = arith.constant 0 : i32
        %dma_start3A_78 = arith.constant 0 : i32
        %dma_start3A_79 = tpu.memref_slice %arg10[%dma_start3A_77, %dma_start3A_78] : memref<10240x128xf32, #tpu.memory_space<vmem_shared>> -> memref<10240x128xf32, #tpu.memory_space<vmem_shared>>
        tpu.enqueue_indirect_dma source(%arg9 : memref<128x128xf32, #tpu.memory_space<vmem>>) target(%dma_start3A_79 : memref<10240x128xf32, #tpu.memory_space<vmem_shared>>) offsets(%dma_start3A_76 : memref<128xi32, #tpu.memory_space<vmem>>) semaphore(%run_scoped3A_73 : memref<!tpu.dma_semaphore, #tpu.memory_space<semaphore_mem>>) {add = true}
        %dma_wait3A_80 = arith.constant 0 : i32
        %dma_wait3A_81 = tpu.memref_slice %arg7[%add3A_50, %dma_wait3A_80] : memref<40x128xi32, #tpu.memory_space<vmem>> -> memref<1x128xi32, #tpu.memory_space<vmem>>
        %dma_wait3A_82 = tpu.memref_squeeze %dma_wait3A_81 : memref<1x128xi32, #tpu.memory_space<vmem>> -> memref<128xi32, #tpu.memory_space<vmem>>
        %dma_wait3A_83 = arith.constant 0 : i32
        %dma_wait3A_84 = arith.constant 0 : i32
        %dma_wait3A_85 = tpu.memref_slice %arg10[%dma_wait3A_83, %dma_wait3A_84] : memref<10240x128xf32, #tpu.memory_space<vmem_shared>> -> memref<10240x128xf32, #tpu.memory_space<vmem_shared>>
        tpu.wait_indirect_dma semaphore(%run_scoped3A_73 : memref<!tpu.dma_semaphore, #tpu.memory_space<semaphore_mem>>) src(%arg9 : memref<128x128xf32, #tpu.memory_space<vmem>>) dst(%dma_wait3A_85 : memref<10240x128xf32, #tpu.memory_space<vmem_shared>>)
        tpu.yield
      }) : () -> ()
    }
    %scan3A_40 = arith.constant 20 : i32
    %barrier3A_41 = arith.constant 0 : index
    tpu.barrier barrier_id(%barrier3A_41)
    %mul3A_42 = arith.constant 640 : i32
    %mul3A_43 = arith.muli %arg1, %mul3A_42 : i32
    %mul3A_44 = arith.constant 640 : i32
    %mul3A_45 = arith.muli %arg1, %mul3A_44 : i32
    "tpu.region"() ({
      %run_scoped3A_46 = tpu.sem_alloc : memref<!tpu.dma_semaphore, #tpu.memory_space<semaphore_mem>>
      %dma_start3A = arith.constant 0 : i32
      %dma_start3A_47 = tpu.memref_slice %arg5[%arg0, %mul3A_45, %dma_start3A] : memref<2x10240x128xf32, #tpu.memory_space<hbm>> -> memref<1x640x128xf32, #tpu.memory_space<hbm>>
      %dma_start3A_48 = tpu.memref_squeeze %dma_start3A_47 : memref<1x640x128xf32, #tpu.memory_space<hbm>> -> memref<640x128xf32, #tpu.memory_space<hbm>>
      %dma_start3A_49 = arith.constant 0 : i32
      %dma_start3A_50 = tpu.memref_slice %arg10[%mul3A_43, %dma_start3A_49] : memref<10240x128xf32, #tpu.memory_space<vmem_shared>> -> memref<640x128xf32, #tpu.memory_space<vmem_shared>>
      tpu.enqueue_dma source(%dma_start3A_50 : memref<640x128xf32, #tpu.memory_space<vmem_shared>>) target(%dma_start3A_48 : memref<640x128xf32, #tpu.memory_space<hbm>>) target_semaphore(%run_scoped3A_46 : memref<!tpu.dma_semaphore, #tpu.memory_space<semaphore_mem>>)
      %dma_wait3A = arith.constant 0 : i32
      %dma_wait3A_51 = tpu.memref_slice %arg5[%arg0, %mul3A_45, %dma_wait3A] : memref<2x10240x128xf32, #tpu.memory_space<hbm>> -> memref<1x640x128xf32, #tpu.memory_space<hbm>>
      %dma_wait3A_52 = tpu.memref_squeeze %dma_wait3A_51 : memref<1x640x128xf32, #tpu.memory_space<hbm>> -> memref<640x128xf32, #tpu.memory_space<hbm>>
      %dma_wait3A_53 = arith.constant 0 : i32
      %dma_wait3A_54 = tpu.memref_slice %arg10[%mul3A_43, %dma_wait3A_53] : memref<10240x128xf32, #tpu.memory_space<vmem_shared>> -> memref<640x128xf32, #tpu.memory_space<vmem_shared>>
      tpu.wait_dma2 semaphore(%run_scoped3A_46 : memref<!tpu.dma_semaphore, #tpu.memory_space<semaphore_mem>>) src(%dma_wait3A_54 : memref<640x128xf32, #tpu.memory_space<vmem_shared>>) dst(%dma_wait3A_52 : memref<640x128xf32, #tpu.memory_space<hbm>>)
      tpu.yield
    }) : () -> ()
    return
  }
}

#map = affine_map<(d0, d1) -> (0, 0)>
#map1 = affine_map<(d0, d1) -> (0, 0, 0, 0)>
#map2 = affine_map<(d0, d1) -> (0, 0, 0)>
module attributes {stable_mosaic.version = 14 : i64} {
  func.func @_agg_sc(%arg0: i32, %arg1: i32, %arg2: memref<10000x128xf32, #tpu.memory_space<hbm>>, %arg3: memref<32x2x40x128xi32, #tpu.memory_space<hbm>>, %arg4: memref<32x2x40x128xi32, #tpu.memory_space<hbm>>, %arg5: memref<2x10240x128xf32, #tpu.memory_space<hbm>>, %arg6: memref<40x128xi32, #tpu.memory_space<vmem>>, %arg7: memref<40x128xi32, #tpu.memory_space<vmem>>, %arg8: memref<128x128xf32, #tpu.memory_space<vmem>>, %arg9: memref<128x128xf32, #tpu.memory_space<vmem>>, %arg10: memref<10240x128xf32, #tpu.memory_space<vmem_shared>>, %arg11: memref<!tpu.dma_semaphore, #tpu.memory_space<semaphore_mem>>, %arg12: memref<!tpu.dma_semaphore, #tpu.memory_space<semaphore_mem>>) attributes {dimension_semantics = [#tpu.dimension_semantics<core_parallel>, #tpu.dimension_semantics<subcore_parallel>], iteration_bounds = array<i64: 2, 16>, scalar_prefetch = 0 : i64, scratch_operands = 7 : i64, tpu.core_type = #tpu.core_type<sc_vector_subcore>, window_params = [{transform_indices = #map}, {transform_indices = #map1}, {transform_indices = #map1}, {transform_indices = #map2}]} {
    %mul3A = arith.constant 16 : i32
    %mul3A_0 = arith.muli %arg0, %mul3A : i32
    %add3A = arith.addi %mul3A_0, %arg1 : i32
    %scan3A = arith.constant 0 : i32
    %scan3A_1 = arith.constant 0 : i32
    %scan3A_2 = arith.constant 128 : i32
    %scan3A_3 = arith.addi %scan3A_1, %scan3A_2 : i32
    %scan3A_4 = arith.constant 1 : i32
    scf.for %scan3A_46 = %scan3A_1 to %scan3A_3 step %scan3A_4  : i32 {
      %broadcast_in_dim3A = arith.constant 0.000000e+00 : f32
      %broadcast_in_dim3A_47 = vector.broadcast %broadcast_in_dim3A : f32 to vector<16xf32>
      %swap3A = arith.index_cast %scan3A_46 : i32 to index
      %swap3A_48 = arith.constant 0 : index
      %swap3A_49 = tpu.vector_load %arg8[%swap3A, %swap3A_48] {strides = array<i32>} : memref<128x128xf32, #tpu.memory_space<vmem>>, vector<1x16xf32>,
      %swap3A_50 = vector.shape_cast %swap3A_49 : vector<1x16xf32> to vector<16xf32>
      %swap3A_51 = vector.shape_cast %broadcast_in_dim3A_47 : vector<16xf32> to vector<1x16xf32>
      tpu.vector_store %arg8[%swap3A, %swap3A_48], %swap3A_51 {strides = array<i32>} : memref<128x128xf32, #tpu.memory_space<vmem>>, vector<1x16xf32>,
      %broadcast_in_dim3A_52 = arith.constant 0.000000e+00 : f32
      %broadcast_in_dim3A_53 = vector.broadcast %broadcast_in_dim3A_52 : f32 to vector<16xf32>
      %swap3A_54 = arith.index_cast %scan3A_46 : i32 to index
      %swap3A_55 = arith.constant 16 : index
      %swap3A_56 = tpu.vector_load %arg8[%swap3A_54, %swap3A_55] {strides = array<i32>} : memref<128x128xf32, #tpu.memory_space<vmem>>, vector<1x16xf32>,
      %swap3A_57 = vector.shape_cast %swap3A_56 : vector<1x16xf32> to vector<16xf32>
      %swap3A_58 = vector.shape_cast %broadcast_in_dim3A_53 : vector<16xf32> to vector<1x16xf32>
      tpu.vector_store %arg8[%swap3A_54, %swap3A_55], %swap3A_58 {strides = array<i32>} : memref<128x128xf32, #tpu.memory_space<vmem>>, vector<1x16xf32>,
      %broadcast_in_dim3A_59 = arith.constant 0.000000e+00 : f32
      %broadcast_in_dim3A_60 = vector.broadcast %broadcast_in_dim3A_59 : f32 to vector<16xf32>
      %swap3A_61 = arith.index_cast %scan3A_46 : i32 to index
      %swap3A_62 = arith.constant 32 : index
      %swap3A_63 = tpu.vector_load %arg8[%swap3A_61, %swap3A_62] {strides = array<i32>} : memref<128x128xf32, #tpu.memory_space<vmem>>, vector<1x16xf32>,
      %swap3A_64 = vector.shape_cast %swap3A_63 : vector<1x16xf32> to vector<16xf32>
      %swap3A_65 = vector.shape_cast %broadcast_in_dim3A_60 : vector<16xf32> to vector<1x16xf32>
      tpu.vector_store %arg8[%swap3A_61, %swap3A_62], %swap3A_65 {strides = array<i32>} : memref<128x128xf32, #tpu.memory_space<vmem>>, vector<1x16xf32>,
      %broadcast_in_dim3A_66 = arith.constant 0.000000e+00 : f32
      %broadcast_in_dim3A_67 = vector.broadcast %broadcast_in_dim3A_66 : f32 to vector<16xf32>
      %swap3A_68 = arith.index_cast %scan3A_46 : i32 to index
      %swap3A_69 = arith.constant 48 : index
      %swap3A_70 = tpu.vector_load %arg8[%swap3A_68, %swap3A_69] {strides = array<i32>} : memref<128x128xf32, #tpu.memory_space<vmem>>, vector<1x16xf32>,
      %swap3A_71 = vector.shape_cast %swap3A_70 : vector<1x16xf32> to vector<16xf32>
      %swap3A_72 = vector.shape_cast %broadcast_in_dim3A_67 : vector<16xf32> to vector<1x16xf32>
      tpu.vector_store %arg8[%swap3A_68, %swap3A_69], %swap3A_72 {strides = array<i32>} : memref<128x128xf32, #tpu.memory_space<vmem>>, vector<1x16xf32>,
      %broadcast_in_dim3A_73 = arith.constant 0.000000e+00 : f32
      %broadcast_in_dim3A_74 = vector.broadcast %broadcast_in_dim3A_73 : f32 to vector<16xf32>
      %swap3A_75 = arith.index_cast %scan3A_46 : i32 to index
      %swap3A_76 = arith.constant 64 : index
      %swap3A_77 = tpu.vector_load %arg8[%swap3A_75, %swap3A_76] {strides = array<i32>} : memref<128x128xf32, #tpu.memory_space<vmem>>, vector<1x16xf32>,
      %swap3A_78 = vector.shape_cast %swap3A_77 : vector<1x16xf32> to vector<16xf32>
      %swap3A_79 = vector.shape_cast %broadcast_in_dim3A_74 : vector<16xf32> to vector<1x16xf32>
      tpu.vector_store %arg8[%swap3A_75, %swap3A_76], %swap3A_79 {strides = array<i32>} : memref<128x128xf32, #tpu.memory_space<vmem>>, vector<1x16xf32>,
      %broadcast_in_dim3A_80 = arith.constant 0.000000e+00 : f32
      %broadcast_in_dim3A_81 = vector.broadcast %broadcast_in_dim3A_80 : f32 to vector<16xf32>
      %swap3A_82 = arith.index_cast %scan3A_46 : i32 to index
      %swap3A_83 = arith.constant 80 : index
      %swap3A_84 = tpu.vector_load %arg8[%swap3A_82, %swap3A_83] {strides = array<i32>} : memref<128x128xf32, #tpu.memory_space<vmem>>, vector<1x16xf32>,
      %swap3A_85 = vector.shape_cast %swap3A_84 : vector<1x16xf32> to vector<16xf32>
      %swap3A_86 = vector.shape_cast %broadcast_in_dim3A_81 : vector<16xf32> to vector<1x16xf32>
      tpu.vector_store %arg8[%swap3A_82, %swap3A_83], %swap3A_86 {strides = array<i32>} : memref<128x128xf32, #tpu.memory_space<vmem>>, vector<1x16xf32>,
      %broadcast_in_dim3A_87 = arith.constant 0.000000e+00 : f32
      %broadcast_in_dim3A_88 = vector.broadcast %broadcast_in_dim3A_87 : f32 to vector<16xf32>
      %swap3A_89 = arith.index_cast %scan3A_46 : i32 to index
      %swap3A_90 = arith.constant 96 : index
      %swap3A_91 = tpu.vector_load %arg8[%swap3A_89, %swap3A_90] {strides = array<i32>} : memref<128x128xf32, #tpu.memory_space<vmem>>, vector<1x16xf32>,
      %swap3A_92 = vector.shape_cast %swap3A_91 : vector<1x16xf32> to vector<16xf32>
      %swap3A_93 = vector.shape_cast %broadcast_in_dim3A_88 : vector<16xf32> to vector<1x16xf32>
      tpu.vector_store %arg8[%swap3A_89, %swap3A_90], %swap3A_93 {strides = array<i32>} : memref<128x128xf32, #tpu.memory_space<vmem>>, vector<1x16xf32>,
      %broadcast_in_dim3A_94 = arith.constant 0.000000e+00 : f32
      %broadcast_in_dim3A_95 = vector.broadcast %broadcast_in_dim3A_94 : f32 to vector<16xf32>
      %swap3A_96 = arith.index_cast %scan3A_46 : i32 to index
      %swap3A_97 = arith.constant 112 : index
      %swap3A_98 = tpu.vector_load %arg8[%swap3A_96, %swap3A_97] {strides = array<i32>} : memref<128x128xf32, #tpu.memory_space<vmem>>, vector<1x16xf32>,
      %swap3A_99 = vector.shape_cast %swap3A_98 : vector<1x16xf32> to vector<16xf32>
      %swap3A_100 = vector.shape_cast %broadcast_in_dim3A_95 : vector<16xf32> to vector<1x16xf32>
      tpu.vector_store %arg8[%swap3A_96, %swap3A_97], %swap3A_100 {strides = array<i32>} : memref<128x128xf32, #tpu.memory_space<vmem>>, vector<1x16xf32>,
    }
    %scan3A_5 = arith.constant 128 : i32
    %mul3A_6 = arith.constant 640 : i32
    %mul3A_7 = arith.muli %arg1, %mul3A_6 : i32
    %add3A_8 = arith.constant 0 : i32
    %add3A_9 = arith.addi %mul3A_7, %add3A_8 : i32
    "tpu.region"() ({
      %run_scoped3A_46 = tpu.sem_alloc : memref<!tpu.dma_semaphore, #tpu.memory_space<semaphore_mem>>
      %dma_start3A = arith.constant 0 : i32
      %dma_start3A_47 = tpu.memref_slice %arg10[%add3A_9, %dma_start3A] : memref<10240x128xf32, #tpu.memory_space<vmem_shared>> -> memref<128x128xf32, #tpu.memory_space<vmem_shared>>
      %dma_start3A_48 = arith.constant 0 : i32
      %dma_start3A_49 = tpu.memref_slice %arg10[%add3A_9, %dma_start3A_48] : memref<10240x128xf32, #tpu.memory_space<vmem_shared>> -> memref<128x128xf32, #tpu.memory_space<vmem_shared>>
      tpu.enqueue_dma source(%arg8 : memref<128x128xf32, #tpu.memory_space<vmem>>) target(%dma_start3A_49 : memref<128x128xf32, #tpu.memory_space<vmem_shared>>) target_semaphore(%run_scoped3A_46 : memref<!tpu.dma_semaphore, #tpu.memory_space<semaphore_mem>>)
      %dma_wait3A = arith.constant 0 : i32
      %dma_wait3A_50 = tpu.memref_slice %arg10[%add3A_9, %dma_wait3A] : memref<10240x128xf32, #tpu.memory_space<vmem_shared>> -> memref<128x128xf32, #tpu.memory_space<vmem_shared>>
      %dma_wait3A_51 = arith.constant 0 : i32
      %dma_wait3A_52 = tpu.memref_slice %arg10[%add3A_9, %dma_wait3A_51] : memref<10240x128xf32, #tpu.memory_space<vmem_shared>> -> memref<128x128xf32, #tpu.memory_space<vmem_shared>>
      tpu.wait_dma2 semaphore(%run_scoped3A_46 : memref<!tpu.dma_semaphore, #tpu.memory_space<semaphore_mem>>) src(%arg8 : memref<128x128xf32, #tpu.memory_space<vmem>>) dst(%dma_wait3A_52 : memref<128x128xf32, #tpu.memory_space<vmem_shared>>)
      tpu.yield
    }) : () -> ()
    %mul3A_10 = arith.constant 640 : i32
    %mul3A_11 = arith.muli %arg1, %mul3A_10 : i32
    %add3A_12 = arith.constant 128 : i32
    %add3A_13 = arith.addi %mul3A_11, %add3A_12 : i32
    "tpu.region"() ({
      %run_scoped3A_46 = tpu.sem_alloc : memref<!tpu.dma_semaphore, #tpu.memory_space<semaphore_mem>>
      %dma_start3A = arith.constant 0 : i32
      %dma_start3A_47 = tpu.memref_slice %arg10[%add3A_13, %dma_start3A] : memref<10240x128xf32, #tpu.memory_space<vmem_shared>> -> memref<128x128xf32, #tpu.memory_space<vmem_shared>>
      %dma_start3A_48 = arith.constant 0 : i32
      %dma_start3A_49 = tpu.memref_slice %arg10[%add3A_13, %dma_start3A_48] : memref<10240x128xf32, #tpu.memory_space<vmem_shared>> -> memref<128x128xf32, #tpu.memory_space<vmem_shared>>
      tpu.enqueue_dma source(%arg8 : memref<128x128xf32, #tpu.memory_space<vmem>>) target(%dma_start3A_49 : memref<128x128xf32, #tpu.memory_space<vmem_shared>>) target_semaphore(%run_scoped3A_46 : memref<!tpu.dma_semaphore, #tpu.memory_space<semaphore_mem>>)
      %dma_wait3A = arith.constant 0 : i32
      %dma_wait3A_50 = tpu.memref_slice %arg10[%add3A_13, %dma_wait3A] : memref<10240x128xf32, #tpu.memory_space<vmem_shared>> -> memref<128x128xf32, #tpu.memory_space<vmem_shared>>
      %dma_wait3A_51 = arith.constant 0 : i32
      %dma_wait3A_52 = tpu.memref_slice %arg10[%add3A_13, %dma_wait3A_51] : memref<10240x128xf32, #tpu.memory_space<vmem_shared>> -> memref<128x128xf32, #tpu.memory_space<vmem_shared>>
      tpu.wait_dma2 semaphore(%run_scoped3A_46 : memref<!tpu.dma_semaphore, #tpu.memory_space<semaphore_mem>>) src(%arg8 : memref<128x128xf32, #tpu.memory_space<vmem>>) dst(%dma_wait3A_52 : memref<128x128xf32, #tpu.memory_space<vmem_shared>>)
      tpu.yield
    }) : () -> ()
    %mul3A_14 = arith.constant 640 : i32
    %mul3A_15 = arith.muli %arg1, %mul3A_14 : i32
    %add3A_16 = arith.constant 256 : i32
    %add3A_17 = arith.addi %mul3A_15, %add3A_16 : i32
    "tpu.region"() ({
      %run_scoped3A_46 = tpu.sem_alloc : memref<!tpu.dma_semaphore, #tpu.memory_space<semaphore_mem>>
      %dma_start3A = arith.constant 0 : i32
      %dma_start3A_47 = tpu.memref_slice %arg10[%add3A_17, %dma_start3A] : memref<10240x128xf32, #tpu.memory_space<vmem_shared>> -> memref<128x128xf32, #tpu.memory_space<vmem_shared>>
      %dma_start3A_48 = arith.constant 0 : i32
      %dma_start3A_49 = tpu.memref_slice %arg10[%add3A_17, %dma_start3A_48] : memref<10240x128xf32, #tpu.memory_space<vmem_shared>> -> memref<128x128xf32, #tpu.memory_space<vmem_shared>>
      tpu.enqueue_dma source(%arg8 : memref<128x128xf32, #tpu.memory_space<vmem>>) target(%dma_start3A_49 : memref<128x128xf32, #tpu.memory_space<vmem_shared>>) target_semaphore(%run_scoped3A_46 : memref<!tpu.dma_semaphore, #tpu.memory_space<semaphore_mem>>)
      %dma_wait3A = arith.constant 0 : i32
      %dma_wait3A_50 = tpu.memref_slice %arg10[%add3A_17, %dma_wait3A] : memref<10240x128xf32, #tpu.memory_space<vmem_shared>> -> memref<128x128xf32, #tpu.memory_space<vmem_shared>>
      %dma_wait3A_51 = arith.constant 0 : i32
      %dma_wait3A_52 = tpu.memref_slice %arg10[%add3A_17, %dma_wait3A_51] : memref<10240x128xf32, #tpu.memory_space<vmem_shared>> -> memref<128x128xf32, #tpu.memory_space<vmem_shared>>
      tpu.wait_dma2 semaphore(%run_scoped3A_46 : memref<!tpu.dma_semaphore, #tpu.memory_space<semaphore_mem>>) src(%arg8 : memref<128x128xf32, #tpu.memory_space<vmem>>) dst(%dma_wait3A_52 : memref<128x128xf32, #tpu.memory_space<vmem_shared>>)
      tpu.yield
    }) : () -> ()
    %mul3A_18 = arith.constant 640 : i32
    %mul3A_19 = arith.muli %arg1, %mul3A_18 : i32
    %add3A_20 = arith.constant 384 : i32
    %add3A_21 = arith.addi %mul3A_19, %add3A_20 : i32
    "tpu.region"() ({
      %run_scoped3A_46 = tpu.sem_alloc : memref<!tpu.dma_semaphore, #tpu.memory_space<semaphore_mem>>
      %dma_start3A = arith.constant 0 : i32
      %dma_start3A_47 = tpu.memref_slice %arg10[%add3A_21, %dma_start3A] : memref<10240x128xf32, #tpu.memory_space<vmem_shared>> -> memref<128x128xf32, #tpu.memory_space<vmem_shared>>
      %dma_start3A_48 = arith.constant 0 : i32
      %dma_start3A_49 = tpu.memref_slice %arg10[%add3A_21, %dma_start3A_48] : memref<10240x128xf32, #tpu.memory_space<vmem_shared>> -> memref<128x128xf32, #tpu.memory_space<vmem_shared>>
      tpu.enqueue_dma source(%arg8 : memref<128x128xf32, #tpu.memory_space<vmem>>) target(%dma_start3A_49 : memref<128x128xf32, #tpu.memory_space<vmem_shared>>) target_semaphore(%run_scoped3A_46 : memref<!tpu.dma_semaphore, #tpu.memory_space<semaphore_mem>>)
      %dma_wait3A = arith.constant 0 : i32
      %dma_wait3A_50 = tpu.memref_slice %arg10[%add3A_21, %dma_wait3A] : memref<10240x128xf32, #tpu.memory_space<vmem_shared>> -> memref<128x128xf32, #tpu.memory_space<vmem_shared>>
      %dma_wait3A_51 = arith.constant 0 : i32
      %dma_wait3A_52 = tpu.memref_slice %arg10[%add3A_21, %dma_wait3A_51] : memref<10240x128xf32, #tpu.memory_space<vmem_shared>> -> memref<128x128xf32, #tpu.memory_space<vmem_shared>>
      tpu.wait_dma2 semaphore(%run_scoped3A_46 : memref<!tpu.dma_semaphore, #tpu.memory_space<semaphore_mem>>) src(%arg8 : memref<128x128xf32, #tpu.memory_space<vmem>>) dst(%dma_wait3A_52 : memref<128x128xf32, #tpu.memory_space<vmem_shared>>)
      tpu.yield
    }) : () -> ()
    %mul3A_22 = arith.constant 640 : i32
    %mul3A_23 = arith.muli %arg1, %mul3A_22 : i32
    %add3A_24 = arith.constant 512 : i32
    %add3A_25 = arith.addi %mul3A_23, %add3A_24 : i32
    "tpu.region"() ({
      %run_scoped3A_46 = tpu.sem_alloc : memref<!tpu.dma_semaphore, #tpu.memory_space<semaphore_mem>>
      %dma_start3A = arith.constant 0 : i32
      %dma_start3A_47 = tpu.memref_slice %arg10[%add3A_25, %dma_start3A] : memref<10240x128xf32, #tpu.memory_space<vmem_shared>> -> memref<128x128xf32, #tpu.memory_space<vmem_shared>>
      %dma_start3A_48 = arith.constant 0 : i32
      %dma_start3A_49 = tpu.memref_slice %arg10[%add3A_25, %dma_start3A_48] : memref<10240x128xf32, #tpu.memory_space<vmem_shared>> -> memref<128x128xf32, #tpu.memory_space<vmem_shared>>
      tpu.enqueue_dma source(%arg8 : memref<128x128xf32, #tpu.memory_space<vmem>>) target(%dma_start3A_49 : memref<128x128xf32, #tpu.memory_space<vmem_shared>>) target_semaphore(%run_scoped3A_46 : memref<!tpu.dma_semaphore, #tpu.memory_space<semaphore_mem>>)
      %dma_wait3A = arith.constant 0 : i32
      %dma_wait3A_50 = tpu.memref_slice %arg10[%add3A_25, %dma_wait3A] : memref<10240x128xf32, #tpu.memory_space<vmem_shared>> -> memref<128x128xf32, #tpu.memory_space<vmem_shared>>
      %dma_wait3A_51 = arith.constant 0 : i32
      %dma_wait3A_52 = tpu.memref_slice %arg10[%add3A_25, %dma_wait3A_51] : memref<10240x128xf32, #tpu.memory_space<vmem_shared>> -> memref<128x128xf32, #tpu.memory_space<vmem_shared>>
      tpu.wait_dma2 semaphore(%run_scoped3A_46 : memref<!tpu.dma_semaphore, #tpu.memory_space<semaphore_mem>>) src(%arg8 : memref<128x128xf32, #tpu.memory_space<vmem>>) dst(%dma_wait3A_52 : memref<128x128xf32, #tpu.memory_space<vmem_shared>>)
      tpu.yield
    }) : () -> ()
    %barrier3A = arith.constant 0 : index
    tpu.barrier barrier_id(%barrier3A)
    %run_scoped3A = arith.constant 0 : i32
    "tpu.region"() ({
      %run_scoped3A_46 = tpu.sem_alloc : memref<!tpu.dma_semaphore, #tpu.memory_space<semaphore_mem>>
      %dma_start3A = arith.constant 0 : i32
      %dma_start3A_47 = arith.constant 0 : i32
      %dma_start3A_48 = tpu.memref_slice %arg3[%add3A, %run_scoped3A, %dma_start3A, %dma_start3A_47] : memref<32x2x40x128xi32, #tpu.memory_space<hbm>> -> memref<1x1x40x128xi32, #tpu.memory_space<hbm>>
      %dma_start3A_49 = tpu.memref_squeeze %dma_start3A_48 : memref<1x1x40x128xi32, #tpu.memory_space<hbm>> -> memref<40x128xi32, #tpu.memory_space<hbm>>
      %dma_start3A_50 = arith.constant 0 : i32
      %dma_start3A_51 = arith.constant 0 : i32
      %dma_start3A_52 = tpu.memref_slice %arg3[%add3A, %run_scoped3A, %dma_start3A_50, %dma_start3A_51] : memref<32x2x40x128xi32, #tpu.memory_space<hbm>> -> memref<1x1x40x128xi32, #tpu.memory_space<hbm>>
      %dma_start3A_53 = tpu.memref_squeeze %dma_start3A_52 : memref<1x1x40x128xi32, #tpu.memory_space<hbm>> -> memref<40x128xi32, #tpu.memory_space<hbm>>
      tpu.enqueue_dma source(%dma_start3A_53 : memref<40x128xi32, #tpu.memory_space<hbm>>) target(%arg6 : memref<40x128xi32, #tpu.memory_space<vmem>>) target_semaphore(%run_scoped3A_46 : memref<!tpu.dma_semaphore, #tpu.memory_space<semaphore_mem>>)
      %dma_wait3A = arith.constant 0 : i32
      %dma_wait3A_54 = arith.constant 0 : i32
      %dma_wait3A_55 = tpu.memref_slice %arg3[%add3A, %run_scoped3A, %dma_wait3A, %dma_wait3A_54] : memref<32x2x40x128xi32, #tpu.memory_space<hbm>> -> memref<1x1x40x128xi32, #tpu.memory_space<hbm>>
      %dma_wait3A_56 = tpu.memref_squeeze %dma_wait3A_55 : memref<1x1x40x128xi32, #tpu.memory_space<hbm>> -> memref<40x128xi32, #tpu.memory_space<hbm>>
      %dma_wait3A_57 = arith.constant 0 : i32
      %dma_wait3A_58 = arith.constant 0 : i32
      %dma_wait3A_59 = tpu.memref_slice %arg3[%add3A, %run_scoped3A, %dma_wait3A_57, %dma_wait3A_58] : memref<32x2x40x128xi32, #tpu.memory_space<hbm>> -> memref<1x1x40x128xi32, #tpu.memory_space<hbm>>
      %dma_wait3A_60 = tpu.memref_squeeze %dma_wait3A_59 : memref<1x1x40x128xi32, #tpu.memory_space<hbm>> -> memref<40x128xi32, #tpu.memory_space<hbm>>
      tpu.wait_dma2 semaphore(%run_scoped3A_46 : memref<!tpu.dma_semaphore, #tpu.memory_space<semaphore_mem>>) src(%dma_wait3A_60 : memref<40x128xi32, #tpu.memory_space<hbm>>) dst(%arg6 : memref<40x128xi32, #tpu.memory_space<vmem>>)
      tpu.yield
    }) : () -> ()
    %run_scoped3A_26 = arith.constant 0 : i32
    "tpu.region"() ({
      %run_scoped3A_46 = tpu.sem_alloc : memref<!tpu.dma_semaphore, #tpu.memory_space<semaphore_mem>>
      %dma_start3A = arith.constant 0 : i32
      %dma_start3A_47 = arith.constant 0 : i32
      %dma_start3A_48 = tpu.memref_slice %arg4[%add3A, %run_scoped3A_26, %dma_start3A, %dma_start3A_47] : memref<32x2x40x128xi32, #tpu.memory_space<hbm>> -> memref<1x1x40x128xi32, #tpu.memory_space<hbm>>
      %dma_start3A_49 = tpu.memref_squeeze %dma_start3A_48 : memref<1x1x40x128xi32, #tpu.memory_space<hbm>> -> memref<40x128xi32, #tpu.memory_space<hbm>>
      %dma_start3A_50 = arith.constant 0 : i32
      %dma_start3A_51 = arith.constant 0 : i32
      %dma_start3A_52 = tpu.memref_slice %arg4[%add3A, %run_scoped3A_26, %dma_start3A_50, %dma_start3A_51] : memref<32x2x40x128xi32, #tpu.memory_space<hbm>> -> memref<1x1x40x128xi32, #tpu.memory_space<hbm>>
      %dma_start3A_53 = tpu.memref_squeeze %dma_start3A_52 : memref<1x1x40x128xi32, #tpu.memory_space<hbm>> -> memref<40x128xi32, #tpu.memory_space<hbm>>
      tpu.enqueue_dma source(%dma_start3A_53 : memref<40x128xi32, #tpu.memory_space<hbm>>) target(%arg7 : memref<40x128xi32, #tpu.memory_space<vmem>>) target_semaphore(%run_scoped3A_46 : memref<!tpu.dma_semaphore, #tpu.memory_space<semaphore_mem>>)
      %dma_wait3A = arith.constant 0 : i32
      %dma_wait3A_54 = arith.constant 0 : i32
      %dma_wait3A_55 = tpu.memref_slice %arg4[%add3A, %run_scoped3A_26, %dma_wait3A, %dma_wait3A_54] : memref<32x2x40x128xi32, #tpu.memory_space<hbm>> -> memref<1x1x40x128xi32, #tpu.memory_space<hbm>>
      %dma_wait3A_56 = tpu.memref_squeeze %dma_wait3A_55 : memref<1x1x40x128xi32, #tpu.memory_space<hbm>> -> memref<40x128xi32, #tpu.memory_space<hbm>>
      %dma_wait3A_57 = arith.constant 0 : i32
      %dma_wait3A_58 = arith.constant 0 : i32
      %dma_wait3A_59 = tpu.memref_slice %arg4[%add3A, %run_scoped3A_26, %dma_wait3A_57, %dma_wait3A_58] : memref<32x2x40x128xi32, #tpu.memory_space<hbm>> -> memref<1x1x40x128xi32, #tpu.memory_space<hbm>>
      %dma_wait3A_60 = tpu.memref_squeeze %dma_wait3A_59 : memref<1x1x40x128xi32, #tpu.memory_space<hbm>> -> memref<40x128xi32, #tpu.memory_space<hbm>>
      tpu.wait_dma2 semaphore(%run_scoped3A_46 : memref<!tpu.dma_semaphore, #tpu.memory_space<semaphore_mem>>) src(%dma_wait3A_60 : memref<40x128xi32, #tpu.memory_space<hbm>>) dst(%arg7 : memref<40x128xi32, #tpu.memory_space<vmem>>)
      tpu.yield
    }) : () -> ()
    %scan3A_27 = arith.constant 0 : i32
    %scan3A_28 = arith.constant 0 : i32
    %scan3A_29 = arith.constant 20 : i32
    %scan3A_30 = arith.addi %scan3A_28, %scan3A_29 : i32
    %scan3A_31 = arith.constant 1 : i32
    scf.for %scan3A_46 = %scan3A_28 to %scan3A_30 step %scan3A_31  : i32 {
      %mul3A_47 = arith.constant 2 : i32
      %mul3A_48 = arith.muli %scan3A_46, %mul3A_47 : i32
      %add3A_49 = arith.constant 1 : i32
      %add3A_50 = arith.addi %mul3A_48, %add3A_49 : i32
      %dma_start3A = arith.constant 0 : i32
      %dma_start3A_51 = tpu.memref_slice %arg6[%mul3A_48, %dma_start3A] : memref<40x128xi32, #tpu.memory_space<vmem>> -> memref<1x128xi32, #tpu.memory_space<vmem>>
      %dma_start3A_52 = tpu.memref_squeeze %dma_start3A_51 : memref<1x128xi32, #tpu.memory_space<vmem>> -> memref<128xi32, #tpu.memory_space<vmem>>
      %dma_start3A_53 = arith.constant 0 : i32
      %dma_start3A_54 = arith.constant 0 : i32
      %dma_start3A_55 = tpu.memref_slice %arg2[%dma_start3A_53, %dma_start3A_54] : memref<10000x128xf32, #tpu.memory_space<hbm>> -> memref<10000x128xf32, #tpu.memory_space<hbm>>
      tpu.enqueue_indirect_dma source(%dma_start3A_55 : memref<10000x128xf32, #tpu.memory_space<hbm>>) target(%arg8 : memref<128x128xf32, #tpu.memory_space<vmem>>) offsets(%dma_start3A_52 : memref<128xi32, #tpu.memory_space<vmem>>) semaphore(%arg11 : memref<!tpu.dma_semaphore, #tpu.memory_space<semaphore_mem>>)
      %dma_start3A_56 = arith.constant 0 : i32
      %dma_start3A_57 = tpu.memref_slice %arg6[%add3A_50, %dma_start3A_56] : memref<40x128xi32, #tpu.memory_space<vmem>> -> memref<1x128xi32, #tpu.memory_space<vmem>>
      %dma_start3A_58 = tpu.memref_squeeze %dma_start3A_57 : memref<1x128xi32, #tpu.memory_space<vmem>> -> memref<128xi32, #tpu.memory_space<vmem>>
      %dma_start3A_59 = arith.constant 0 : i32
      %dma_start3A_60 = arith.constant 0 : i32
      %dma_start3A_61 = tpu.memref_slice %arg2[%dma_start3A_59, %dma_start3A_60] : memref<10000x128xf32, #tpu.memory_space<hbm>> -> memref<10000x128xf32, #tpu.memory_space<hbm>>
      tpu.enqueue_indirect_dma source(%dma_start3A_61 : memref<10000x128xf32, #tpu.memory_space<hbm>>) target(%arg9 : memref<128x128xf32, #tpu.memory_space<vmem>>) offsets(%dma_start3A_58 : memref<128xi32, #tpu.memory_space<vmem>>) semaphore(%arg12 : memref<!tpu.dma_semaphore, #tpu.memory_space<semaphore_mem>>)
      %dma_wait3A = arith.constant 0 : i32
      %dma_wait3A_62 = tpu.memref_slice %arg6[%mul3A_48, %dma_wait3A] : memref<40x128xi32, #tpu.memory_space<vmem>> -> memref<1x128xi32, #tpu.memory_space<vmem>>
      %dma_wait3A_63 = tpu.memref_squeeze %dma_wait3A_62 : memref<1x128xi32, #tpu.memory_space<vmem>> -> memref<128xi32, #tpu.memory_space<vmem>>
      %dma_wait3A_64 = arith.constant 0 : i32
      %dma_wait3A_65 = arith.constant 0 : i32
      %dma_wait3A_66 = tpu.memref_slice %arg2[%dma_wait3A_64, %dma_wait3A_65] : memref<10000x128xf32, #tpu.memory_space<hbm>> -> memref<10000x128xf32, #tpu.memory_space<hbm>>
      tpu.wait_indirect_dma semaphore(%arg11 : memref<!tpu.dma_semaphore, #tpu.memory_space<semaphore_mem>>) src(%dma_wait3A_66 : memref<10000x128xf32, #tpu.memory_space<hbm>>) dst(%arg8 : memref<128x128xf32, #tpu.memory_space<vmem>>)
      "tpu.region"() ({
        %run_scoped3A_73 = tpu.sem_alloc : memref<!tpu.dma_semaphore, #tpu.memory_space<semaphore_mem>>
        %dma_start3A_74 = arith.constant 0 : i32
        %dma_start3A_75 = tpu.memref_slice %arg7[%mul3A_48, %dma_start3A_74] : memref<40x128xi32, #tpu.memory_space<vmem>> -> memref<1x128xi32, #tpu.memory_space<vmem>>
        %dma_start3A_76 = tpu.memref_squeeze %dma_start3A_75 : memref<1x128xi32, #tpu.memory_space<vmem>> -> memref<128xi32, #tpu.memory_space<vmem>>
        %dma_start3A_77 = arith.constant 0 : i32
        %dma_start3A_78 = arith.constant 0 : i32
        %dma_start3A_79 = tpu.memref_slice %arg10[%dma_start3A_77, %dma_start3A_78] : memref<10240x128xf32, #tpu.memory_space<vmem_shared>> -> memref<10240x128xf32, #tpu.memory_space<vmem_shared>>
        tpu.enqueue_indirect_dma source(%arg8 : memref<128x128xf32, #tpu.memory_space<vmem>>) target(%dma_start3A_79 : memref<10240x128xf32, #tpu.memory_space<vmem_shared>>) offsets(%dma_start3A_76 : memref<128xi32, #tpu.memory_space<vmem>>) semaphore(%run_scoped3A_73 : memref<!tpu.dma_semaphore, #tpu.memory_space<semaphore_mem>>) {add = true}
        %dma_wait3A_80 = arith.constant 0 : i32
        %dma_wait3A_81 = tpu.memref_slice %arg7[%mul3A_48, %dma_wait3A_80] : memref<40x128xi32, #tpu.memory_space<vmem>> -> memref<1x128xi32, #tpu.memory_space<vmem>>
        %dma_wait3A_82 = tpu.memref_squeeze %dma_wait3A_81 : memref<1x128xi32, #tpu.memory_space<vmem>> -> memref<128xi32, #tpu.memory_space<vmem>>
        %dma_wait3A_83 = arith.constant 0 : i32
        %dma_wait3A_84 = arith.constant 0 : i32
        %dma_wait3A_85 = tpu.memref_slice %arg10[%dma_wait3A_83, %dma_wait3A_84] : memref<10240x128xf32, #tpu.memory_space<vmem_shared>> -> memref<10240x128xf32, #tpu.memory_space<vmem_shared>>
        tpu.wait_indirect_dma semaphore(%run_scoped3A_73 : memref<!tpu.dma_semaphore, #tpu.memory_space<semaphore_mem>>) src(%arg8 : memref<128x128xf32, #tpu.memory_space<vmem>>) dst(%dma_wait3A_85 : memref<10240x128xf32, #tpu.memory_space<vmem_shared>>)
        tpu.yield
      }) : () -> ()
      %dma_wait3A_67 = arith.constant 0 : i32
      %dma_wait3A_68 = tpu.memref_slice %arg6[%add3A_50, %dma_wait3A_67] : memref<40x128xi32, #tpu.memory_space<vmem>> -> memref<1x128xi32, #tpu.memory_space<vmem>>
      %dma_wait3A_69 = tpu.memref_squeeze %dma_wait3A_68 : memref<1x128xi32, #tpu.memory_space<vmem>> -> memref<128xi32, #tpu.memory_space<vmem>>
      %dma_wait3A_70 = arith.constant 0 : i32
      %dma_wait3A_71 = arith.constant 0 : i32
      %dma_wait3A_72 = tpu.memref_slice %arg2[%dma_wait3A_70, %dma_wait3A_71] : memref<10000x128xf32, #tpu.memory_space<hbm>> -> memref<10000x128xf32, #tpu.memory_space<hbm>>
      tpu.wait_indirect_dma semaphore(%arg12 : memref<!tpu.dma_semaphore, #tpu.memory_space<semaphore_mem>>) src(%dma_wait3A_72 : memref<10000x128xf32, #tpu.memory_space<hbm>>) dst(%arg9 : memref<128x128xf32, #tpu.memory_space<vmem>>)
      "tpu.region"() ({
        %run_scoped3A_73 = tpu.sem_alloc : memref<!tpu.dma_semaphore, #tpu.memory_space<semaphore_mem>>
        %dma_start3A_74 = arith.constant 0 : i32
        %dma_start3A_75 = tpu.memref_slice %arg7[%add3A_50, %dma_start3A_74] : memref<40x128xi32, #tpu.memory_space<vmem>> -> memref<1x128xi32, #tpu.memory_space<vmem>>
        %dma_start3A_76 = tpu.memref_squeeze %dma_start3A_75 : memref<1x128xi32, #tpu.memory_space<vmem>> -> memref<128xi32, #tpu.memory_space<vmem>>
        %dma_start3A_77 = arith.constant 0 : i32
        %dma_start3A_78 = arith.constant 0 : i32
        %dma_start3A_79 = tpu.memref_slice %arg10[%dma_start3A_77, %dma_start3A_78] : memref<10240x128xf32, #tpu.memory_space<vmem_shared>> -> memref<10240x128xf32, #tpu.memory_space<vmem_shared>>
        tpu.enqueue_indirect_dma source(%arg9 : memref<128x128xf32, #tpu.memory_space<vmem>>) target(%dma_start3A_79 : memref<10240x128xf32, #tpu.memory_space<vmem_shared>>) offsets(%dma_start3A_76 : memref<128xi32, #tpu.memory_space<vmem>>) semaphore(%run_scoped3A_73 : memref<!tpu.dma_semaphore, #tpu.memory_space<semaphore_mem>>) {add = true}
        %dma_wait3A_80 = arith.constant 0 : i32
        %dma_wait3A_81 = tpu.memref_slice %arg7[%add3A_50, %dma_wait3A_80] : memref<40x128xi32, #tpu.memory_space<vmem>> -> memref<1x128xi32, #tpu.memory_space<vmem>>
        %dma_wait3A_82 = tpu.memref_squeeze %dma_wait3A_81 : memref<1x128xi32, #tpu.memory_space<vmem>> -> memref<128xi32, #tpu.memory_space<vmem>>
        %dma_wait3A_83 = arith.constant 0 : i32
        %dma_wait3A_84 = arith.constant 0 : i32
        %dma_wait3A_85 = tpu.memref_slice %arg10[%dma_wait3A_83, %dma_wait3A_84] : memref<10240x128xf32, #tpu.memory_space<vmem_shared>> -> memref<10240x128xf32, #tpu.memory_space<vmem_shared>>
        tpu.wait_indirect_dma semaphore(%run_scoped3A_73 : memref<!tpu.dma_semaphore, #tpu.memory_space<semaphore_mem>>) src(%arg9 : memref<128x128xf32, #tpu.memory_space<vmem>>) dst(%dma_wait3A_85 : memref<10240x128xf32, #tpu.memory_space<vmem_shared>>)
        tpu.yield
      }) : () -> ()
    }
    %scan3A_32 = arith.constant 20 : i32
    %run_scoped3A_33 = arith.constant 1 : i32
    "tpu.region"() ({
      %run_scoped3A_46 = tpu.sem_alloc : memref<!tpu.dma_semaphore, #tpu.memory_space<semaphore_mem>>
      %dma_start3A = arith.constant 0 : i32
      %dma_start3A_47 = arith.constant 0 : i32
      %dma_start3A_48 = tpu.memref_slice %arg3[%add3A, %run_scoped3A_33, %dma_start3A, %dma_start3A_47] : memref<32x2x40x128xi32, #tpu.memory_space<hbm>> -> memref<1x1x40x128xi32, #tpu.memory_space<hbm>>
      %dma_start3A_49 = tpu.memref_squeeze %dma_start3A_48 : memref<1x1x40x128xi32, #tpu.memory_space<hbm>> -> memref<40x128xi32, #tpu.memory_space<hbm>>
      %dma_start3A_50 = arith.constant 0 : i32
      %dma_start3A_51 = arith.constant 0 : i32
      %dma_start3A_52 = tpu.memref_slice %arg3[%add3A, %run_scoped3A_33, %dma_start3A_50, %dma_start3A_51] : memref<32x2x40x128xi32, #tpu.memory_space<hbm>> -> memref<1x1x40x128xi32, #tpu.memory_space<hbm>>
      %dma_start3A_53 = tpu.memref_squeeze %dma_start3A_52 : memref<1x1x40x128xi32, #tpu.memory_space<hbm>> -> memref<40x128xi32, #tpu.memory_space<hbm>>
      tpu.enqueue_dma source(%dma_start3A_53 : memref<40x128xi32, #tpu.memory_space<hbm>>) target(%arg6 : memref<40x128xi32, #tpu.memory_space<vmem>>) target_semaphore(%run_scoped3A_46 : memref<!tpu.dma_semaphore, #tpu.memory_space<semaphore_mem>>)
      %dma_wait3A = arith.constant 0 : i32
      %dma_wait3A_54 = arith.constant 0 : i32
      %dma_wait3A_55 = tpu.memref_slice %arg3[%add3A, %run_scoped3A_33, %dma_wait3A, %dma_wait3A_54] : memref<32x2x40x128xi32, #tpu.memory_space<hbm>> -> memref<1x1x40x128xi32, #tpu.memory_space<hbm>>
      %dma_wait3A_56 = tpu.memref_squeeze %dma_wait3A_55 : memref<1x1x40x128xi32, #tpu.memory_space<hbm>> -> memref<40x128xi32, #tpu.memory_space<hbm>>
      %dma_wait3A_57 = arith.constant 0 : i32
      %dma_wait3A_58 = arith.constant 0 : i32
      %dma_wait3A_59 = tpu.memref_slice %arg3[%add3A, %run_scoped3A_33, %dma_wait3A_57, %dma_wait3A_58] : memref<32x2x40x128xi32, #tpu.memory_space<hbm>> -> memref<1x1x40x128xi32, #tpu.memory_space<hbm>>
      %dma_wait3A_60 = tpu.memref_squeeze %dma_wait3A_59 : memref<1x1x40x128xi32, #tpu.memory_space<hbm>> -> memref<40x128xi32, #tpu.memory_space<hbm>>
      tpu.wait_dma2 semaphore(%run_scoped3A_46 : memref<!tpu.dma_semaphore, #tpu.memory_space<semaphore_mem>>) src(%dma_wait3A_60 : memref<40x128xi32, #tpu.memory_space<hbm>>) dst(%arg6 : memref<40x128xi32, #tpu.memory_space<vmem>>)
      tpu.yield
    }) : () -> ()
    %run_scoped3A_34 = arith.constant 1 : i32
    "tpu.region"() ({
      %run_scoped3A_46 = tpu.sem_alloc : memref<!tpu.dma_semaphore, #tpu.memory_space<semaphore_mem>>
      %dma_start3A = arith.constant 0 : i32
      %dma_start3A_47 = arith.constant 0 : i32
      %dma_start3A_48 = tpu.memref_slice %arg4[%add3A, %run_scoped3A_34, %dma_start3A, %dma_start3A_47] : memref<32x2x40x128xi32, #tpu.memory_space<hbm>> -> memref<1x1x40x128xi32, #tpu.memory_space<hbm>>
      %dma_start3A_49 = tpu.memref_squeeze %dma_start3A_48 : memref<1x1x40x128xi32, #tpu.memory_space<hbm>> -> memref<40x128xi32, #tpu.memory_space<hbm>>
      %dma_start3A_50 = arith.constant 0 : i32
      %dma_start3A_51 = arith.constant 0 : i32
      %dma_start3A_52 = tpu.memref_slice %arg4[%add3A, %run_scoped3A_34, %dma_start3A_50, %dma_start3A_51] : memref<32x2x40x128xi32, #tpu.memory_space<hbm>> -> memref<1x1x40x128xi32, #tpu.memory_space<hbm>>
      %dma_start3A_53 = tpu.memref_squeeze %dma_start3A_52 : memref<1x1x40x128xi32, #tpu.memory_space<hbm>> -> memref<40x128xi32, #tpu.memory_space<hbm>>
      tpu.enqueue_dma source(%dma_start3A_53 : memref<40x128xi32, #tpu.memory_space<hbm>>) target(%arg7 : memref<40x128xi32, #tpu.memory_space<vmem>>) target_semaphore(%run_scoped3A_46 : memref<!tpu.dma_semaphore, #tpu.memory_space<semaphore_mem>>)
      %dma_wait3A = arith.constant 0 : i32
      %dma_wait3A_54 = arith.constant 0 : i32
      %dma_wait3A_55 = tpu.memref_slice %arg4[%add3A, %run_scoped3A_34, %dma_wait3A, %dma_wait3A_54] : memref<32x2x40x128xi32, #tpu.memory_space<hbm>> -> memref<1x1x40x128xi32, #tpu.memory_space<hbm>>
      %dma_wait3A_56 = tpu.memref_squeeze %dma_wait3A_55 : memref<1x1x40x128xi32, #tpu.memory_space<hbm>> -> memref<40x128xi32, #tpu.memory_space<hbm>>
      %dma_wait3A_57 = arith.constant 0 : i32
      %dma_wait3A_58 = arith.constant 0 : i32
      %dma_wait3A_59 = tpu.memref_slice %arg4[%add3A, %run_scoped3A_34, %dma_wait3A_57, %dma_wait3A_58] : memref<32x2x40x128xi32, #tpu.memory_space<hbm>> -> memref<1x1x40x128xi32, #tpu.memory_space<hbm>>
      %dma_wait3A_60 = tpu.memref_squeeze %dma_wait3A_59 : memref<1x1x40x128xi32, #tpu.memory_space<hbm>> -> memref<40x128xi32, #tpu.memory_space<hbm>>
      tpu.wait_dma2 semaphore(%run_scoped3A_46 : memref<!tpu.dma_semaphore, #tpu.memory_space<semaphore_mem>>) src(%dma_wait3A_60 : memref<40x128xi32, #tpu.memory_space<hbm>>) dst(%arg7 : memref<40x128xi32, #tpu.memory_space<vmem>>)
      tpu.yield
    }) : () -> ()
    %scan3A_35 = arith.constant 0 : i32
    %scan3A_36 = arith.constant 0 : i32
    %scan3A_37 = arith.constant 20 : i32
    %scan3A_38 = arith.addi %scan3A_36, %scan3A_37 : i32
    %scan3A_39 = arith.constant 1 : i32
    scf.for %scan3A_46 = %scan3A_36 to %scan3A_38 step %scan3A_39  : i32 {
      %mul3A_47 = arith.constant 2 : i32
      %mul3A_48 = arith.muli %scan3A_46, %mul3A_47 : i32
      %add3A_49 = arith.constant 1 : i32
      %add3A_50 = arith.addi %mul3A_48, %add3A_49 : i32
      %dma_start3A = arith.constant 0 : i32
      %dma_start3A_51 = tpu.memref_slice %arg6[%mul3A_48, %dma_start3A] : memref<40x128xi32, #tpu.memory_space<vmem>> -> memref<1x128xi32, #tpu.memory_space<vmem>>
      %dma_start3A_52 = tpu.memref_squeeze %dma_start3A_51 : memref<1x128xi32, #tpu.memory_space<vmem>> -> memref<128xi32, #tpu.memory_space<vmem>>
      %dma_start3A_53 = arith.constant 0 : i32
      %dma_start3A_54 = arith.constant 0 : i32
      %dma_start3A_55 = tpu.memref_slice %arg2[%dma_start3A_53, %dma_start3A_54] : memref<10000x128xf32, #tpu.memory_space<hbm>> -> memref<10000x128xf32, #tpu.memory_space<hbm>>
      tpu.enqueue_indirect_dma source(%dma_start3A_55 : memref<10000x128xf32, #tpu.memory_space<hbm>>) target(%arg8 : memref<128x128xf32, #tpu.memory_space<vmem>>) offsets(%dma_start3A_52 : memref<128xi32, #tpu.memory_space<vmem>>) semaphore(%arg11 : memref<!tpu.dma_semaphore, #tpu.memory_space<semaphore_mem>>)
      %dma_start3A_56 = arith.constant 0 : i32
      %dma_start3A_57 = tpu.memref_slice %arg6[%add3A_50, %dma_start3A_56] : memref<40x128xi32, #tpu.memory_space<vmem>> -> memref<1x128xi32, #tpu.memory_space<vmem>>
      %dma_start3A_58 = tpu.memref_squeeze %dma_start3A_57 : memref<1x128xi32, #tpu.memory_space<vmem>> -> memref<128xi32, #tpu.memory_space<vmem>>
      %dma_start3A_59 = arith.constant 0 : i32
      %dma_start3A_60 = arith.constant 0 : i32
      %dma_start3A_61 = tpu.memref_slice %arg2[%dma_start3A_59, %dma_start3A_60] : memref<10000x128xf32, #tpu.memory_space<hbm>> -> memref<10000x128xf32, #tpu.memory_space<hbm>>
      tpu.enqueue_indirect_dma source(%dma_start3A_61 : memref<10000x128xf32, #tpu.memory_space<hbm>>) target(%arg9 : memref<128x128xf32, #tpu.memory_space<vmem>>) offsets(%dma_start3A_58 : memref<128xi32, #tpu.memory_space<vmem>>) semaphore(%arg12 : memref<!tpu.dma_semaphore, #tpu.memory_space<semaphore_mem>>)
      %dma_wait3A = arith.constant 0 : i32
      %dma_wait3A_62 = tpu.memref_slice %arg6[%mul3A_48, %dma_wait3A] : memref<40x128xi32, #tpu.memory_space<vmem>> -> memref<1x128xi32, #tpu.memory_space<vmem>>
      %dma_wait3A_63 = tpu.memref_squeeze %dma_wait3A_62 : memref<1x128xi32, #tpu.memory_space<vmem>> -> memref<128xi32, #tpu.memory_space<vmem>>
      %dma_wait3A_64 = arith.constant 0 : i32
      %dma_wait3A_65 = arith.constant 0 : i32
      %dma_wait3A_66 = tpu.memref_slice %arg2[%dma_wait3A_64, %dma_wait3A_65] : memref<10000x128xf32, #tpu.memory_space<hbm>> -> memref<10000x128xf32, #tpu.memory_space<hbm>>
      tpu.wait_indirect_dma semaphore(%arg11 : memref<!tpu.dma_semaphore, #tpu.memory_space<semaphore_mem>>) src(%dma_wait3A_66 : memref<10000x128xf32, #tpu.memory_space<hbm>>) dst(%arg8 : memref<128x128xf32, #tpu.memory_space<vmem>>)
      "tpu.region"() ({
        %run_scoped3A_73 = tpu.sem_alloc : memref<!tpu.dma_semaphore, #tpu.memory_space<semaphore_mem>>
        %dma_start3A_74 = arith.constant 0 : i32
        %dma_start3A_75 = tpu.memref_slice %arg7[%mul3A_48, %dma_start3A_74] : memref<40x128xi32, #tpu.memory_space<vmem>> -> memref<1x128xi32, #tpu.memory_space<vmem>>
        %dma_start3A_76 = tpu.memref_squeeze %dma_start3A_75 : memref<1x128xi32, #tpu.memory_space<vmem>> -> memref<128xi32, #tpu.memory_space<vmem>>
        %dma_start3A_77 = arith.constant 0 : i32
        %dma_start3A_78 = arith.constant 0 : i32
        %dma_start3A_79 = tpu.memref_slice %arg10[%dma_start3A_77, %dma_start3A_78] : memref<10240x128xf32, #tpu.memory_space<vmem_shared>> -> memref<10240x128xf32, #tpu.memory_space<vmem_shared>>
        tpu.enqueue_indirect_dma source(%arg8 : memref<128x128xf32, #tpu.memory_space<vmem>>) target(%dma_start3A_79 : memref<10240x128xf32, #tpu.memory_space<vmem_shared>>) offsets(%dma_start3A_76 : memref<128xi32, #tpu.memory_space<vmem>>) semaphore(%run_scoped3A_73 : memref<!tpu.dma_semaphore, #tpu.memory_space<semaphore_mem>>) {add = true}
        %dma_wait3A_80 = arith.constant 0 : i32
        %dma_wait3A_81 = tpu.memref_slice %arg7[%mul3A_48, %dma_wait3A_80] : memref<40x128xi32, #tpu.memory_space<vmem>> -> memref<1x128xi32, #tpu.memory_space<vmem>>
        %dma_wait3A_82 = tpu.memref_squeeze %dma_wait3A_81 : memref<1x128xi32, #tpu.memory_space<vmem>> -> memref<128xi32, #tpu.memory_space<vmem>>
        %dma_wait3A_83 = arith.constant 0 : i32
        %dma_wait3A_84 = arith.constant 0 : i32
        %dma_wait3A_85 = tpu.memref_slice %arg10[%dma_wait3A_83, %dma_wait3A_84] : memref<10240x128xf32, #tpu.memory_space<vmem_shared>> -> memref<10240x128xf32, #tpu.memory_space<vmem_shared>>
        tpu.wait_indirect_dma semaphore(%run_scoped3A_73 : memref<!tpu.dma_semaphore, #tpu.memory_space<semaphore_mem>>) src(%arg8 : memref<128x128xf32, #tpu.memory_space<vmem>>) dst(%dma_wait3A_85 : memref<10240x128xf32, #tpu.memory_space<vmem_shared>>)
        tpu.yield
      }) : () -> ()
      %dma_wait3A_67 = arith.constant 0 : i32
      %dma_wait3A_68 = tpu.memref_slice %arg6[%add3A_50, %dma_wait3A_67] : memref<40x128xi32, #tpu.memory_space<vmem>> -> memref<1x128xi32, #tpu.memory_space<vmem>>
      %dma_wait3A_69 = tpu.memref_squeeze %dma_wait3A_68 : memref<1x128xi32, #tpu.memory_space<vmem>> -> memref<128xi32, #tpu.memory_space<vmem>>
      %dma_wait3A_70 = arith.constant 0 : i32
      %dma_wait3A_71 = arith.constant 0 : i32
      %dma_wait3A_72 = tpu.memref_slice %arg2[%dma_wait3A_70, %dma_wait3A_71] : memref<10000x128xf32, #tpu.memory_space<hbm>> -> memref<10000x128xf32, #tpu.memory_space<hbm>>
      tpu.wait_indirect_dma semaphore(%arg12 : memref<!tpu.dma_semaphore, #tpu.memory_space<semaphore_mem>>) src(%dma_wait3A_72 : memref<10000x128xf32, #tpu.memory_space<hbm>>) dst(%arg9 : memref<128x128xf32, #tpu.memory_space<vmem>>)
      "tpu.region"() ({
        %run_scoped3A_73 = tpu.sem_alloc : memref<!tpu.dma_semaphore, #tpu.memory_space<semaphore_mem>>
        %dma_start3A_74 = arith.constant 0 : i32
        %dma_start3A_75 = tpu.memref_slice %arg7[%add3A_50, %dma_start3A_74] : memref<40x128xi32, #tpu.memory_space<vmem>> -> memref<1x128xi32, #tpu.memory_space<vmem>>
        %dma_start3A_76 = tpu.memref_squeeze %dma_start3A_75 : memref<1x128xi32, #tpu.memory_space<vmem>> -> memref<128xi32, #tpu.memory_space<vmem>>
        %dma_start3A_77 = arith.constant 0 : i32
        %dma_start3A_78 = arith.constant 0 : i32
        %dma_start3A_79 = tpu.memref_slice %arg10[%dma_start3A_77, %dma_start3A_78] : memref<10240x128xf32, #tpu.memory_space<vmem_shared>> -> memref<10240x128xf32, #tpu.memory_space<vmem_shared>>
        tpu.enqueue_indirect_dma source(%arg9 : memref<128x128xf32, #tpu.memory_space<vmem>>) target(%dma_start3A_79 : memref<10240x128xf32, #tpu.memory_space<vmem_shared>>) offsets(%dma_start3A_76 : memref<128xi32, #tpu.memory_space<vmem>>) semaphore(%run_scoped3A_73 : memref<!tpu.dma_semaphore, #tpu.memory_space<semaphore_mem>>) {add = true}
        %dma_wait3A_80 = arith.constant 0 : i32
        %dma_wait3A_81 = tpu.memref_slice %arg7[%add3A_50, %dma_wait3A_80] : memref<40x128xi32, #tpu.memory_space<vmem>> -> memref<1x128xi32, #tpu.memory_space<vmem>>
        %dma_wait3A_82 = tpu.memref_squeeze %dma_wait3A_81 : memref<1x128xi32, #tpu.memory_space<vmem>> -> memref<128xi32, #tpu.memory_space<vmem>>
        %dma_wait3A_83 = arith.constant 0 : i32
        %dma_wait3A_84 = arith.constant 0 : i32
        %dma_wait3A_85 = tpu.memref_slice %arg10[%dma_wait3A_83, %dma_wait3A_84] : memref<10240x128xf32, #tpu.memory_space<vmem_shared>> -> memref<10240x128xf32, #tpu.memory_space<vmem_shared>>
        tpu.wait_indirect_dma semaphore(%run_scoped3A_73 : memref<!tpu.dma_semaphore, #tpu.memory_space<semaphore_mem>>) src(%arg9 : memref<128x128xf32, #tpu.memory_space<vmem>>) dst(%dma_wait3A_85 : memref<10240x128xf32, #tpu.memory_space<vmem_shared>>)
        tpu.yield
      }) : () -> ()
    }
    %scan3A_40 = arith.constant 20 : i32
    %barrier3A_41 = arith.constant 0 : index
    tpu.barrier barrier_id(%barrier3A_41)
    %mul3A_42 = arith.constant 640 : i32
    %mul3A_43 = arith.muli %arg1, %mul3A_42 : i32
    %mul3A_44 = arith.constant 640 : i32
    %mul3A_45 = arith.muli %arg1, %mul3A_44 : i32
    "tpu.region"() ({
      %run_scoped3A_46 = tpu.sem_alloc : memref<!tpu.dma_semaphore, #tpu.memory_space<semaphore_mem>>
      %dma_start3A = arith.constant 0 : i32
      %dma_start3A_47 = tpu.memref_slice %arg5[%arg0, %mul3A_45, %dma_start3A] : memref<2x10240x128xf32, #tpu.memory_space<hbm>> -> memref<1x640x128xf32, #tpu.memory_space<hbm>>
      %dma_start3A_48 = tpu.memref_squeeze %dma_start3A_47 : memref<1x640x128xf32, #tpu.memory_space<hbm>> -> memref<640x128xf32, #tpu.memory_space<hbm>>
      %dma_start3A_49 = arith.constant 0 : i32
      %dma_start3A_50 = tpu.memref_slice %arg10[%mul3A_43, %dma_start3A_49] : memref<10240x128xf32, #tpu.memory_space<vmem_shared>> -> memref<640x128xf32, #tpu.memory_space<vmem_shared>>
      tpu.enqueue_dma source(%dma_start3A_50 : memref<640x128xf32, #tpu.memory_space<vmem_shared>>) target(%dma_start3A_48 : memref<640x128xf32, #tpu.memory_space<hbm>>) target_semaphore(%run_scoped3A_46 : memref<!tpu.dma_semaphore, #tpu.memory_space<semaphore_mem>>)
      %dma_wait3A = arith.constant 0 : i32
      %dma_wait3A_51 = tpu.memref_slice %arg5[%arg0, %mul3A_45, %dma_wait3A] : memref<2x10240x128xf32, #tpu.memory_space<hbm>> -> memref<1x640x128xf32, #tpu.memory_space<hbm>>
      %dma_wait3A_52 = tpu.memref_squeeze %dma_wait3A_51 : memref<1x640x128xf32, #tpu.memory_space<hbm>> -> memref<640x128xf32, #tpu.memory_space<hbm>>
      %dma_wait3A_53 = arith.constant 0 : i32
      %dma_wait3A_54 = tpu.memref_slice %arg10[%mul3A_43, %dma_wait3A_53] : memref<10240x128xf32, #tpu.memory_space<vmem_shared>> -> memref<640x128xf32, #tpu.memory_space<vmem_shared>>
      tpu.wait_dma2 semaphore(%run_scoped3A_46 : memref<!tpu.dma_semaphore, #tpu.memory_space<semaphore_mem>>) src(%dma_wait3A_54 : memref<640x128xf32, #tpu.memory_space<vmem_shared>>) dst(%dma_wait3A_52 : memref<640x128xf32, #tpu.memory_space<hbm>>)
      tpu.yield
    }) : () -> ()
    return
  }
}

module attributes {stable_mosaic.version = 14 : i64} {
  func.func @_tc1_body(%arg0: i32, %arg1: memref<2x400x1xf32, #tpu.memory_space<vmem>>, %arg2: memref<400x128xf32, #tpu.memory_space<vmem>>, %arg3: memref<400x128xf32, #tpu.memory_space<vmem>>, %arg4: memref<400x1xf32, #tpu.memory_space<vmem>>) attributes {dimension_semantics = [#tpu.dimension_semantics<arbitrary>], iteration_bounds = array<i64: 25>, scalar_prefetch = 0 : i64, scratch_operands = 0 : i64, tpu.core_type = #tpu.core_type<tc>, window_params = [{transform_indices = @transform_0, window_bounds = array<i64: 2, 400, 1>}, {transform_indices = @transform_1, window_bounds = array<i64: 400, 128>}, {transform_indices = @transform_2, window_bounds = array<i64: 400, 128>}, {transform_indices = @transform_3, window_bounds = array<i64: 400, 1>}]} {
    %get3A = arith.constant 0 : index
    %get3A_0 = arith.constant 0 : index
    %get3A_1 = arith.constant 0 : index
    %get3A_2 = vector.load %arg1[%get3A, %get3A_0, %get3A_1] : memref<2x400x1xf32, #tpu.memory_space<vmem>>, vector<1x400x1xf32>
    %get3A_3 = vector.shape_cast %get3A_2 : vector<1x400x1xf32> to vector<400x1xf32>
    %get3A_4 = arith.constant 1 : index
    %get3A_5 = arith.constant 0 : index
    %get3A_6 = arith.constant 0 : index
    %get3A_7 = vector.load %arg1[%get3A_4, %get3A_5, %get3A_6] : memref<2x400x1xf32, #tpu.memory_space<vmem>>, vector<1x400x1xf32>
    %get3A_8 = vector.shape_cast %get3A_7 : vector<1x400x1xf32> to vector<400x1xf32>
    %add3A = arith.addf %get3A_3, %get3A_8 : vector<400x1xf32>
    %add3A_9 = arith.constant 1.000000e+00 : f32
    %add3A_10 = vector.broadcast %add3A_9 : f32 to vector<400x1xf32>
    %add3A_11 = arith.addf %add3A, %add3A_10 : vector<400x1xf32>
    %rsqrt3A = math.rsqrt %add3A_11 : vector<400x1xf32>
    %swap3A = arith.constant 0 : index
    %swap3A_12 = arith.constant 0 : index
    %swap3A_13 = vector.load %arg4[%swap3A, %swap3A_12] : memref<400x1xf32, #tpu.memory_space<vmem>>, vector<400x1xf32>
    tpu.vector_store %arg4[%swap3A, %swap3A_12], %rsqrt3A {strides = array<i32>} : memref<400x1xf32, #tpu.memory_space<vmem>>, vector<400x1xf32>,
    %get3A_14 = arith.constant 0 : index
    %get3A_15 = arith.constant 0 : index
    %get3A_16 = vector.load %arg2[%get3A_14, %get3A_15] : memref<400x128xf32, #tpu.memory_space<vmem>>, vector<400x128xf32>
    %mul3A = vector.broadcast %rsqrt3A : vector<400x1xf32> to vector<400x128xf32>
    %mul3A_17 = arith.mulf %get3A_16, %mul3A : vector<400x128xf32>
    %swap3A_18 = arith.constant 0 : index
    %swap3A_19 = arith.constant 0 : index
    %swap3A_20 = vector.load %arg3[%swap3A_18, %swap3A_19] : memref<400x128xf32, #tpu.memory_space<vmem>>, vector<400x128xf32>
    tpu.vector_store %arg3[%swap3A_18, %swap3A_19], %mul3A_17 {strides = array<i32>} : memref<400x128xf32, #tpu.memory_space<vmem>>, vector<400x128xf32>,
    return
  }
  func.func @transform_0(%arg0: i32) -> (i32, i32, i32) {
    %c0_i32 = arith.constant 0 : i32
    %c0_i32_0 = arith.constant 0 : i32
    %c0_i32_1 = arith.constant 0 : i32
    return %c0_i32, %arg0, %c0_i32_0 : i32, i32, i32
  }
  func.func @transform_1(%arg0: i32) -> (i32, i32) {
    %c0_i32 = arith.constant 0 : i32
    %c0_i32_0 = arith.constant 0 : i32
    return %arg0, %c0_i32 : i32, i32
  }
  func.func @transform_2(%arg0: i32) -> (i32, i32) {
    %c0_i32 = arith.constant 0 : i32
    %c0_i32_0 = arith.constant 0 : i32
    return %arg0, %c0_i32 : i32, i32
  }
  func.func @transform_3(%arg0: i32) -> (i32, i32) {
    %c0_i32 = arith.constant 0 : i32
    %c0_i32_0 = arith.constant 0 : i32
    return %arg0, %c0_i32 : i32, i32
  }
}

module attributes {stable_mosaic.version = 14 : i64} {
  func.func @_tc2_body(%arg0: i32, %arg1: memref<2x400x128xf32, #tpu.memory_space<vmem>>, %arg2: memref<400x128xf32, #tpu.memory_space<vmem>>, %arg3: memref<400x1xf32, #tpu.memory_space<vmem>>, %arg4: memref<128x256xf32, #tpu.memory_space<vmem>>, %arg5: memref<1x256xf32, #tpu.memory_space<vmem>>, %arg6: memref<256x128xf32, #tpu.memory_space<vmem>>, %arg7: memref<400x128xf32, #tpu.memory_space<vmem>>) attributes {dimension_semantics = [#tpu.dimension_semantics<arbitrary>], iteration_bounds = array<i64: 25>, scalar_prefetch = 0 : i64, scratch_operands = 0 : i64, tpu.core_type = #tpu.core_type<tc>, window_params = [{transform_indices = @transform_0, window_bounds = array<i64: 2, 400, 128>}, {transform_indices = @transform_1, window_bounds = array<i64: 400, 128>}, {transform_indices = @transform_2, window_bounds = array<i64: 400, 1>}, {pipeline_mode = #tpu.pipeline_mode<synchronous>, transform_indices = @transform_3, window_bounds = array<i64: 128, 256>}, {pipeline_mode = #tpu.pipeline_mode<synchronous>, transform_indices = @transform_4, window_bounds = array<i64: 1, 256>}, {pipeline_mode = #tpu.pipeline_mode<synchronous>, transform_indices = @transform_5, window_bounds = array<i64: 256, 128>}, {transform_indices = @transform_6, window_bounds = array<i64: 400, 128>}]} {
    %get3A = arith.constant 0 : index
    %get3A_0 = arith.constant 0 : index
    %get3A_1 = vector.load %arg3[%get3A, %get3A_0] : memref<400x1xf32, #tpu.memory_space<vmem>>, vector<400x1xf32>
    %get3A_2 = arith.constant 0 : index
    %get3A_3 = arith.constant 0 : index
    %get3A_4 = arith.constant 0 : index
    %get3A_5 = vector.load %arg1[%get3A_2, %get3A_3, %get3A_4] : memref<2x400x128xf32, #tpu.memory_space<vmem>>, vector<1x400x128xf32>
    %get3A_6 = vector.shape_cast %get3A_5 : vector<1x400x128xf32> to vector<400x128xf32>
    %get3A_7 = arith.constant 1 : index
    %get3A_8 = arith.constant 0 : index
    %get3A_9 = arith.constant 0 : index
    %get3A_10 = vector.load %arg1[%get3A_7, %get3A_8, %get3A_9] : memref<2x400x128xf32, #tpu.memory_space<vmem>>, vector<1x400x128xf32>
    %get3A_11 = vector.shape_cast %get3A_10 : vector<1x400x128xf32> to vector<400x128xf32>
    %add3A = arith.addf %get3A_6, %get3A_11 : vector<400x128xf32>
    %get3A_12 = arith.constant 0 : index
    %get3A_13 = arith.constant 0 : index
    %get3A_14 = vector.load %arg2[%get3A_12, %get3A_13] : memref<400x128xf32, #tpu.memory_space<vmem>>, vector<400x128xf32>
    %add3A_15 = arith.addf %add3A, %get3A_14 : vector<400x128xf32>
    %mul3A = vector.broadcast %get3A_1 : vector<400x1xf32> to vector<400x128xf32>
    %mul3A_16 = arith.mulf %mul3A, %add3A_15 : vector<400x128xf32>
    %get3A_17 = arith.constant 0 : index
    %get3A_18 = arith.constant 0 : index
    %get3A_19 = vector.load %arg4[%get3A_17, %get3A_18] : memref<128x256xf32, #tpu.memory_space<vmem>>, vector<128x256xf32>
    %dot_general3A = arith.constant dense<0.000000e+00> : vector<400x256xf32>
    %dot_general3A_20 = tpu.matmul %mul3A_16, %get3A_19, %dot_general3A {dimension_numbers = #tpu.dot_dimension_numbers<[1], [0], [0], [1], [0, 0, 1, 1], [], []>, transpose_lhs_hint = false} : vector<400x128xf32>, vector<128x256xf32>, vector<400x256xf32> -> vector<400x256xf32>
    %get3A_21 = arith.constant 0 : index
    %get3A_22 = arith.constant 0 : index
    %get3A_23 = vector.load %arg5[%get3A_21, %get3A_22] : memref<1x256xf32, #tpu.memory_space<vmem>>, vector<1x256xf32>
    %add3A_24 = vector.broadcast %get3A_23 : vector<1x256xf32> to vector<400x256xf32>
    %add3A_25 = arith.addf %dot_general3A_20, %add3A_24 : vector<400x256xf32>
    %max3A = arith.constant 0.000000e+00 : f32
    %max3A_26 = vector.broadcast %max3A : f32 to vector<400x256xf32>
    %max3A_27 = arith.maximumf %add3A_25, %max3A_26 : vector<400x256xf32>
    %get3A_28 = arith.constant 0 : index
    %get3A_29 = arith.constant 0 : index
    %get3A_30 = vector.load %arg6[%get3A_28, %get3A_29] : memref<256x128xf32, #tpu.memory_space<vmem>>, vector<256x128xf32>
    %dot_general3A_31 = arith.constant dense<0.000000e+00> : vector<400x128xf32>
    %dot_general3A_32 = tpu.matmul %max3A_27, %get3A_30, %dot_general3A_31 {dimension_numbers = #tpu.dot_dimension_numbers<[1], [0], [0], [1], [0, 0, 1, 1], [], []>, transpose_lhs_hint = false} : vector<400x256xf32>, vector<256x128xf32>, vector<400x128xf32> -> vector<400x128xf32>
    %mul3A_33 = vector.broadcast %get3A_1 : vector<400x1xf32> to vector<400x128xf32>
    %mul3A_34 = arith.mulf %mul3A_33, %dot_general3A_32 : vector<400x128xf32>
    %swap3A = arith.constant 0 : index
    %swap3A_35 = arith.constant 0 : index
    %swap3A_36 = vector.load %arg7[%swap3A, %swap3A_35] : memref<400x128xf32, #tpu.memory_space<vmem>>, vector<400x128xf32>
    tpu.vector_store %arg7[%swap3A, %swap3A_35], %mul3A_34 {strides = array<i32>} : memref<400x128xf32, #tpu.memory_space<vmem>>, vector<400x128xf32>,
    return
  }
  func.func @transform_0(%arg0: i32) -> (i32, i32, i32) {
    %c0_i32 = arith.constant 0 : i32
    %c0_i32_0 = arith.constant 0 : i32
    %c0_i32_1 = arith.constant 0 : i32
    return %c0_i32, %arg0, %c0_i32_0 : i32, i32, i32
  }
  func.func @transform_1(%arg0: i32) -> (i32, i32) {
    %c0_i32 = arith.constant 0 : i32
    %c0_i32_0 = arith.constant 0 : i32
    return %arg0, %c0_i32 : i32, i32
  }
  func.func @transform_2(%arg0: i32) -> (i32, i32) {
    %c0_i32 = arith.constant 0 : i32
    %c0_i32_0 = arith.constant 0 : i32
    return %arg0, %c0_i32 : i32, i32
  }
  func.func @transform_3(%arg0: i32) -> (i32, i32) {
    %c0_i32 = arith.constant 0 : i32
    %c0_i32_0 = arith.constant 0 : i32
    %c0_i32_1 = arith.constant 0 : i32
    return %c0_i32, %c0_i32_0 : i32, i32
  }
  func.func @transform_4(%arg0: i32) -> (i32, i32) {
    %c0_i32 = arith.constant 0 : i32
    %c0_i32_0 = arith.constant 0 : i32
    %c0_i32_1 = arith.constant 0 : i32
    return %c0_i32, %c0_i32_0 : i32, i32
  }
  func.func @transform_5(%arg0: i32) -> (i32, i32) {
    %c0_i32 = arith.constant 0 : i32
    %c0_i32_0 = arith.constant 0 : i32
    %c0_i32_1 = arith.constant 0 : i32
    return %c0_i32, %c0_i32_0 : i32, i32
  }
  func.func @transform_6(%arg0: i32) -> (i32, i32) {
    %c0_i32 = arith.constant 0 : i32
    %c0_i32_0 = arith.constant 0 : i32
    return %arg0, %c0_i32 : i32, i32
  }
}

module attributes {stable_mosaic.version = 14 : i64} {
  func.func @_tc3_body(%arg0: i32, %arg1: memref<2x400x128xf32, #tpu.memory_space<vmem>>, %arg2: memref<400x128xf32, #tpu.memory_space<vmem>>, %arg3: memref<400x1xf32, #tpu.memory_space<vmem>>, %arg4: memref<1x128xf32, #tpu.memory_space<vmem>>, %arg5: memref<128x128xf32, #tpu.memory_space<vmem>>, %arg6: memref<1x128xf32, #tpu.memory_space<vmem>>, %arg7: memref<400x128xf32, #tpu.memory_space<vmem>>) attributes {dimension_semantics = [#tpu.dimension_semantics<arbitrary>], iteration_bounds = array<i64: 25>, scalar_prefetch = 0 : i64, scratch_operands = 0 : i64, tpu.core_type = #tpu.core_type<tc>, window_params = [{transform_indices = @transform_0, window_bounds = array<i64: 2, 400, 128>}, {transform_indices = @transform_1, window_bounds = array<i64: 400, 128>}, {transform_indices = @transform_2, window_bounds = array<i64: 400, 1>}, {pipeline_mode = #tpu.pipeline_mode<synchronous>, transform_indices = @transform_3, window_bounds = array<i64: 1, 128>}, {pipeline_mode = #tpu.pipeline_mode<synchronous>, transform_indices = @transform_4, window_bounds = array<i64: 128, 128>}, {pipeline_mode = #tpu.pipeline_mode<synchronous>, transform_indices = @transform_5, window_bounds = array<i64: 1, 128>}, {transform_indices = @transform_6, window_bounds = array<i64: 400, 128>}]} {
    %get3A = arith.constant 0 : index
    %get3A_0 = arith.constant 0 : index
    %get3A_1 = vector.load %arg3[%get3A, %get3A_0] : memref<400x1xf32, #tpu.memory_space<vmem>>, vector<400x1xf32>
    %get3A_2 = arith.constant 0 : index
    %get3A_3 = arith.constant 0 : index
    %get3A_4 = arith.constant 0 : index
    %get3A_5 = vector.load %arg1[%get3A_2, %get3A_3, %get3A_4] : memref<2x400x128xf32, #tpu.memory_space<vmem>>, vector<1x400x128xf32>
    %get3A_6 = vector.shape_cast %get3A_5 : vector<1x400x128xf32> to vector<400x128xf32>
    %get3A_7 = arith.constant 1 : index
    %get3A_8 = arith.constant 0 : index
    %get3A_9 = arith.constant 0 : index
    %get3A_10 = vector.load %arg1[%get3A_7, %get3A_8, %get3A_9] : memref<2x400x128xf32, #tpu.memory_space<vmem>>, vector<1x400x128xf32>
    %get3A_11 = vector.shape_cast %get3A_10 : vector<1x400x128xf32> to vector<400x128xf32>
    %add3A = arith.addf %get3A_6, %get3A_11 : vector<400x128xf32>
    %get3A_12 = arith.constant 0 : index
    %get3A_13 = arith.constant 0 : index
    %get3A_14 = vector.load %arg2[%get3A_12, %get3A_13] : memref<400x128xf32, #tpu.memory_space<vmem>>, vector<400x128xf32>
    %add3A_15 = arith.addf %add3A, %get3A_14 : vector<400x128xf32>
    %mul3A = vector.broadcast %get3A_1 : vector<400x1xf32> to vector<400x128xf32>
    %mul3A_16 = arith.mulf %mul3A, %add3A_15 : vector<400x128xf32>
    %get3A_17 = arith.constant 0 : index
    %get3A_18 = arith.constant 0 : index
    %get3A_19 = vector.load %arg4[%get3A_17, %get3A_18] : memref<1x128xf32, #tpu.memory_space<vmem>>, vector<1x128xf32>
    %add3A_20 = vector.broadcast %get3A_19 : vector<1x128xf32> to vector<400x128xf32>
    %add3A_21 = arith.addf %mul3A_16, %add3A_20 : vector<400x128xf32>
    %max3A = arith.constant 0.000000e+00 : f32
    %max3A_22 = vector.broadcast %max3A : f32 to vector<400x128xf32>
    %max3A_23 = arith.maximumf %add3A_21, %max3A_22 : vector<400x128xf32>
    %get3A_24 = arith.constant 0 : index
    %get3A_25 = arith.constant 0 : index
    %get3A_26 = vector.load %arg5[%get3A_24, %get3A_25] : memref<128x128xf32, #tpu.memory_space<vmem>>, vector<128x128xf32>
    %dot_general3A = arith.constant dense<0.000000e+00> : vector<400x128xf32>
    %dot_general3A_27 = tpu.matmul %max3A_23, %get3A_26, %dot_general3A {dimension_numbers = #tpu.dot_dimension_numbers<[1], [0], [0], [1], [0, 0, 1, 1], [], []>, transpose_lhs_hint = false} : vector<400x128xf32>, vector<128x128xf32>, vector<400x128xf32> -> vector<400x128xf32>
    %get3A_28 = arith.constant 0 : index
    %get3A_29 = arith.constant 0 : index
    %get3A_30 = vector.load %arg6[%get3A_28, %get3A_29] : memref<1x128xf32, #tpu.memory_space<vmem>>, vector<1x128xf32>
    %add3A_31 = vector.broadcast %get3A_30 : vector<1x128xf32> to vector<400x128xf32>
    %add3A_32 = arith.addf %dot_general3A_27, %add3A_31 : vector<400x128xf32>
    %swap3A = arith.constant 0 : index
    %swap3A_33 = arith.constant 0 : index
    %swap3A_34 = vector.load %arg7[%swap3A, %swap3A_33] : memref<400x128xf32, #tpu.memory_space<vmem>>, vector<400x128xf32>
    tpu.vector_store %arg7[%swap3A, %swap3A_33], %add3A_32 {strides = array<i32>} : memref<400x128xf32, #tpu.memory_space<vmem>>, vector<400x128xf32>,
    return
  }
  func.func @transform_0(%arg0: i32) -> (i32, i32, i32) {
    %c0_i32 = arith.constant 0 : i32
    %c0_i32_0 = arith.constant 0 : i32
    %c0_i32_1 = arith.constant 0 : i32
    return %c0_i32, %arg0, %c0_i32_0 : i32, i32, i32
  }
  func.func @transform_1(%arg0: i32) -> (i32, i32) {
    %c0_i32 = arith.constant 0 : i32
    %c0_i32_0 = arith.constant 0 : i32
    return %arg0, %c0_i32 : i32, i32
  }
  func.func @transform_2(%arg0: i32) -> (i32, i32) {
    %c0_i32 = arith.constant 0 : i32
    %c0_i32_0 = arith.constant 0 : i32
    return %arg0, %c0_i32 : i32, i32
  }
  func.func @transform_3(%arg0: i32) -> (i32, i32) {
    %c0_i32 = arith.constant 0 : i32
    %c0_i32_0 = arith.constant 0 : i32
    %c0_i32_1 = arith.constant 0 : i32
    return %c0_i32, %c0_i32_0 : i32, i32
  }
  func.func @transform_4(%arg0: i32) -> (i32, i32) {
    %c0_i32 = arith.constant 0 : i32
    %c0_i32_0 = arith.constant 0 : i32
    %c0_i32_1 = arith.constant 0 : i32
    return %c0_i32, %c0_i32_0 : i32, i32
  }
  func.func @transform_5(%arg0: i32) -> (i32, i32) {
    %c0_i32 = arith.constant 0 : i32
    %c0_i32_0 = arith.constant 0 : i32
    %c0_i32_1 = arith.constant 0 : i32
    return %c0_i32, %c0_i32_0 : i32, i32
  }
  func.func @transform_6(%arg0: i32) -> (i32, i32) {
    %c0_i32 = arith.constant 0 : i32
    %c0_i32_0 = arith.constant 0 : i32
    return %arg0, %c0_i32 : i32, i32
  }
}

</mosaic_0001>

<sc_bundles>
// kernel: kernel.11.cloned.1.call-start
scs
__scs_entry_jumppad:
0x0: {  	(pc) =	sbr.rel $0x88, $3  }
0x1: {  	(tag) =	ssettag $0x0;
	lr =	simm.s32 $0x1  }
0x2: {  	[smem:$0x3F99] =	sst lr;
	_ =	strace $0xD0000000  }
0x3: {  	_ = 	snop  }
0x4: {  	_ = 	snop  }
0x5: {  	_ = 	snop  }
0x6: {  	_ = 	snop  }
0x7: {  	_ = 	snop  }
__scs_overlays_trampoline_lowered:
0x8: {  	[smem:$0x3FA8] =	sst s0  }
0x9: {  	[smem:$0x3FA9] =	sst s1  }
0xa: {  	[smem:$0x3FAA] =	sst s2  }
0xb: {  	[smem:$0x3FAB] =	sst s3  }
0xc: {  	[smem:$0x3FAC] =	sst s4  }
0xd: {  	[smem:$0x3FAD] =	sst s5  }
0xe: {  	[smem:$0x3FAE] =	sst s6  }
0xf: {  	[smem:$0x3FAF] =	sst s7  }
0x10: {  	[smem:$0x3FB0] =	sst s8  }
0x11: {  	[smem:$0x3FB1] =	sst s9;
	s0 =	simm.s32 @!p0 $0x0  }
0x12: {  	s1 =	sld [smem:$0x3F97];
	s0 =	simm.s32 @p0 $0x1  }
0x13: {  	[smem:$0x3FB2] =	sst s0;
	s0 =	simm.s32 @!p1 $0x0  }
0x14: {  	s2 =	sld [smem:$0x3F96];
	s0 =	simm.s32 @p1 $0x1  }
0x15: {  	[smem:$0x3FB3] =	sst s0;
	s0 =	simm.s32 @!p2 $0x0  }
0x16: {  	s3 =	sld [smem:$0x3FDB];
	s0 =	simm.s32 @p2 $0x1  }
0x17: {  	s4 =	simm.s32 $0x1BF5;
	[smem:$0x3FB5] =	sst s0  }
0x18: {  	s0 =	sld [smem:$0x3F98];
	_ =	swait.ge [sflag:s4], $0x0  }
0x19: {  	s7 =	sld [smem:$0x3F99]  }
0x1a: {  	s8 =	sadd.s32 $0xFFFFE003, lr  }
0x1b: {  	s9 =	sadd.s32 $0xFFFFFEF7, lr;
	s5 =	simm.s32 $0xFFFFFFFF;
	p2 =	slt.u32 s8, $0xFFFFF086  }
0x1c: {  	p1 =	slt.u32 s9, $0xF7A;
	s5 =	simm.s32 @!p2 $0x0  }
0x1d: {  	s5 =	simm.s32 @p1 $0x1;
	p0 =	seq.s32 s7, s2  }
0x1e: {  	s7 =	smul.u32 @!p0 $0xF7A, s2;
	p2 =	seq.s32 @!p0 s5, $0x0  }
0x1f: {  	s9 =	smul.u32 $0xF7A, s1;
	s8 =	simm.s32 @!p0 $0x1BF5;
	p2 =	por !p2, p0  }
0x20: {  	[sflag:s8] =	ssyncset.s32 @!p0 $0xFFFFF086;
	s6 =	sadd.s32 @!p0 s3, s7;
	s7 =	simm.s32 @!p0 $0x108  }
0x21: {  	s3 =	sadd.s32 s3, s9;
	s6 =	sadd.s32 @!p0 $0x88, s6;
	s7 =	simm.s32 @p2 $0x1082  }
0x22: {  	[simem:s7], [sflag:s8] =	dma.local @!p0 [hbm:s6], $0xF7A  }
0x23: {  	s9 =	sor.u32 $0xD0000000, s2;
	s6 =	simm.s32 $0x108;
	_ =	swait.ge @!p0 [sflag:s8], $0x0  }
0x24: {  	s3 =	sadd.s32 $0x88, s3;
	s6 =	simm.s32 @!p1 $0x1082;
	[sflag:s4] =	ssyncset.s32 $0xFFFFF086  }
0x25: {  	[simem:s6], [sflag:s4] =	dma.local [hbm:s3], $0xF7A  }
0x26: {  	[smem:$0x3F99] =	sst s1;
	(tag) =	ssettag s2;
	_ =	strace s9  }
0x27: {  	s1 =	sld [smem:$0x3FA9]  }
0x28: {  	s2 =	sld [smem:$0x3FAA]  }
0x29: {  	s4 =	sld [smem:$0x3FAC]  }
0x2a: {  	p0 =	seq.s32 s5, $0x0;
	s5 =	sld [smem:$0x3FAD]  }
0x2b: {  	s6 =	sld [smem:$0x3FAE]  }
0x2c: {  	s7 =	sld [smem:$0x3FAF]  }
0x2d: {  	s3 =	simm.s32 $0x108;
	s8 =	sld [smem:$0x3FB0]  }
0x2e: {  	s3 =	simm.s32 @!p0 $0x1082;
	s9 =	sld [smem:$0x3FB1]  }
0x2f: {  	lr =	sadd.s32 s0, s3;
	s0 =	sld [smem:$0x3FA8]  }
0x30: {  	s3 =	sld [smem:$0x3FAB]  }
0x31: {  	[smem:$0x3FB4] =	sst s10  }
0x32: {  	s10 =	sld [smem:$0x3FB2];
	_ =	sdelay $0x3  }
0x33: {  	p0 =	seq.s32 s10, $0x1;
	s10 =	sld [smem:$0x3FB4];
	_ =	sdelay $0x3  }
0x34: {  	[smem:$0x3FB4] =	sst s10  }
0x35: {  	s10 =	sld [smem:$0x3FB3];
	_ =	sdelay $0x3  }
0x36: {  	p1 =	seq.s32 s10, $0x1;
	s10 =	sld [smem:$0x3FB4];
	_ =	sdelay $0x3  }
0x37: {  	[smem:$0x3FB4] =	sst s10  }
0x38: {  	s10 =	sld [smem:$0x3FB5]  }
0x39: {  	_ = 	snop;
	(pc) =	sbr.ind lr, $3  }
0x3a: {  	_ = 	snop  }
0x3b: {  	_ = 	snop  }
0x3c: {  	p2 =	seq.s32 s10, $0x1;
	s10 =	sld [smem:$0x3FB4]  }
0x3d: {  	_ =	shalt  }
0x3e: {  	_ =	shalt  }
0x3f: {  	_ =	shalt  }
0x40: {  	_ =	shalt  }
0x41: {  	_ =	shalt  }
0x42: {  	_ =	shalt  }
0x43: {  	_ =	shalt  }
0x44: {  	_ =	shalt  }
0x45: {  	_ =	shalt  }
0x46: {  	_ =	shalt  }
0x47: {  	_ =	shalt  }
0x48: {  	_ =	shalt  }
0x49: {  	_ =	shalt  }
0x4a: {  	_ =	shalt  }
0x4b: {  	_ =	shalt  }
0x4c: {  	_ =	shalt  }
0x4d: {  	_ =	shalt  }
0x4e: {  	_ =	shalt  }
0x4f: {  	_ =	shalt  }
0x50: {  	_ =	shalt  }
0x51: {  	_ =	shalt  }
0x52: {  	_ =	shalt  }
0x53: {  	_ =	shalt  }
0x54: {  	_ =	shalt  }
0x55: {  	_ =	shalt  }
0x56: {  	_ =	shalt  }
0x57: {  	_ =	shalt  }
0x58: {  	_ =	shalt  }
0x59: {  	_ =	shalt  }
0x5a: {  	_ =	shalt  }
0x5b: {  	_ =	shalt  }
0x5c: {  	_ =	shalt  }
0x5d: {  	_ =	shalt  }
0x5e: {  	_ =	shalt  }
0x5f: {  	_ =	shalt  }
0x60: {  	_ =	shalt  }
0x61: {  	_ =	shalt  }
0x62: {  	_ =	shalt  }
0x63: {  	_ =	shalt  }
0x64: {  	_ =	shalt  }
0x65: {  	_ =	shalt  }
0x66: {  	_ =	shalt  }
0x67: {  	_ =	shalt  }
0x68: {  	_ =	shalt  }
0x69: {  	_ =	shalt  }
0x6a: {  	_ =	shalt  }
0x6b: {  	_ =	shalt  }
0x6c: {  	_ =	shalt  }
0x6d: {  	_ =	shalt  }
0x6e: {  	_ =	shalt  }
0x6f: {  	_ =	shalt  }
0x70: {  	_ =	shalt  }
0x71: {  	_ =	shalt  }
0x72: {  	_ =	shalt  }
0x73: {  	_ =	shalt  }
0x74: {  	_ =	shalt  }
0x75: {  	_ =	shalt  }
0x76: {  	_ =	shalt  }
0x77: {  	_ =	shalt  }
0x78: {  	_ =	shalt  }
0x79: {  	_ =	shalt  }
0x7a: {  	_ =	shalt  }
0x7b: {  	_ =	shalt  }
0x7c: {  	_ =	shalt  }
0x7d: {  	_ =	shalt  }
0x7e: {  	_ =	shalt  }
0x7f: {  	_ =	shalt  }
0x80: {  	_ =	shalt  }
0x81: {  	_ =	shalt  }
0x82: {  	_ =	shalt  }
0x83: {  	_ =	shalt  }
0x84: {  	_ =	shalt  }
0x85: {  	_ =	shalt  }
0x86: {  	_ =	shalt  }
0x87: {  	_ =	shalt  }
.Lfunc_end0:
.L_simem_size_0:
called_computation.1_lowered:
.L_overlay_start_0:
0x88: {  	s2 =	sld [smem:$0x3FD9]  }
0x89: {  	s3 =	sld [smem:$0x3FFE];
	_ =	sdelay $0x1  }
0x8a: {  	s1 =	srdreg.scid  }
0x8b: {  	s0 =	sand.u32 $0x1, s1  }
0x8c: {  	s17 =	sshll.u32 s0, $0xA;
	s2 =	sadd.s32 s3, s2  }
0x8d: {  	s2 =	sadd.s32 s2, s17  }
0x8e: {  	[smem:$0x3FC0] =	sst s2  }
0x8f: {  	_ = 	snop  }
0x90: {  	s2 =	sld [smem:$0x3FD0];
	(tm) =	ssettm $0x1  }
0x91: {  	s18 =	sld [smem:$0x3FFB];
	_ =	sdelay $0x3  }
0x92: {  	_ =	strace s18  }
0x93: {  	s3 =	sld [smem:$0x3FFC];
	_ =	sdelay $0x3  }
0x94: {  	_ =	strace s3  }
0x95: {  	s3 =	sld [smem:$0x3FFD];
	_ =	sdelay $0x3  }
0x96: {  	_ =	strace s3  }
0x97: {  	_ =	strace $0x8FFFFFFF  }
0x98: {  	s19 =	sld [smem:$0x3FDB];
	_ =	sdelay $0x1  }
0x99: {  	s4 =	simm.s32 $_scs_section_size  }
0x9a: {  	s5 =	simm.s32 $_size__tile_overlayer_lowered;
	s6 =	simm.s32 $_tile_overlayer_lowered  }
0x9b: {  	s22 =	simm.s32 $0x1BFF;
	s21 =	sshll.u32 s6, $0x1;
	s3 =	sadd.s32 s4, s19  }
0x9c: {  	s7 =	simm.s32 $0x0;
	s20 =	sshll.u32 s5, $0x1;
	s5 =	sadd.s32 s21, s3  }
0x9d: {  	[timem:s7], [sflag:s22] =	dma.local [hbm:s5], s20  }
0x9e: {  	_ =	swait.ge [sflag:s22], s20  }
0x9f: {  	s4 =	ssub.s32 $0x0, s20;
	[sflag:s22] =	ssyncset.done $0x0  }
0xa0: {  	[sflag:s22] =	ssyncadd.s32 s4;
	_ =	sdelay $0x1  }
0xa1: {  	s23 =	simm.s32 $0x1B8B  }
0xa2: {  	_ =	swait.ge [sflag:s23], $0x1  }
0xa3: {  	[sflag:s23] =	ssyncset.done $0x0  }
0xa4: {  	s25 =	simm.s32 $0x1B8E;
	s24 =	sld [smem:$0x3FFE];
	[sflag:s23] =	ssyncadd.s32 $0xFFFFFFFF  }
0xa5: {  	s26 =	simm.s32 $execute0_lowered;
	[smem:$0x3FD2] =	sst s25  }
0xa6: {  	s5 =	sshll.u32 s26, $0x1;
	_ =	strace $0x80000049;
	[dreg:$0x1] =	wrdreg $0xFFFFFFFF  }
0xa7: {  	s28 =	simm.s32 $_size_execute0_lowered;
	s3 =	sadd.s32 s3, s5;
	[dreg:$0x0] =	wrdreg $0x0  }
0xa8: {  	s5 =	sshll.u32 s28, $0x1;
	[dreg:$0x2] =	wrdreg s3  }
0xa9: {  	[dreg:$0x3] =	wrdreg s5  }
0xaa: {  	[dreg:$0x4] =	wrdreg $0xC0  }
0xab: {  	_ =	task [dreg:s7], $0x5FFFF  }
0xac: {  	[dreg:$0x1] =	wrdreg $0xFFFFFFFF  }
0xad: {  	[dreg:$0x0] =	wrdreg $0x60  }
0xae: {  	[dreg:$0x2] =	wrdreg s2  }
0xaf: {  	[dreg:$0x3] =	wrdreg s24  }
0xb0: {  	[dreg:$0x4] =	wrdreg $0xA8000  }
0xb1: {  	[dreg:$0x5] =	wrdreg $0x9  }
0xb2: {  	_ =	task.clear_ibuf [dreg:s7], $0x6FFFF;
	_ =	strace $0x90000049  }
0xb3: {  	s29 =	simm.s32 $0x9;
	_ =	strace $0x8000004B  }
0xb4: {  	_ =	swait.ge [sflag:s29], $0x1  }
0xb5: {  	[sflag:s29] =	ssyncadd.s32 $0xFFFFFFFF  }
0xb6: {  	_ =	strace $0x9000004B  }
0xb7: {  	_ =	sfence  }
0xb8: {  	s30 =	sld [smem:$0x0];
	_ =	sdelay $0x2  }
0xb9: {  	s31 =	sshll.u32 s1, $0xD;
	s1 =	sshrl.u32 s1, $0x2  }
0xba: {  	s3 =	sand.u32 $0x4000, s31;
	s1 =	sadd.s32 s1, s30  }
0xbb: {  	s0 =	sor.u32 s3, s0;
	s1 =	sshll.u32 s1, $0x11  }
0xbc: {  	s0 =	sor.u32 s1, s0  }
0xbd: {  	s0 =	sadd.s32 $0x8F2B, s0  }
0xbe: {  	[sflag:s0] =	ssyncadd.remote.s32 $0x1  }
0xbf: {  	_ =	sfence.sel $0xFFFF  }
0xc0: {  	[dreg:$0x0] =	wrdreg $0xFFFFFFFF;
	(pc) =	sbr.abs _section_cstart, $3  }
0xc1: {  	[dreg:$0x1] =	wrdreg $0xFFFFFFFF  }
0xc2: {  	_ =	task.clear_ibuf [dreg:s7], $0x2FFFF;
	_ =	strace $0x9FFFFFFF  }
0xc3: {  	(tm) =	ssettm $0x7FFFFFFF  }
tec
execute0_lowered:
.L_overlay_start_1:
0x0: {  	(tag) =	ssettag $0x1  }
0x1: {  	s1 =	rddreg [dreg:$0x0]  }
0x2: {  	s6 =	rddreg [dreg:$0x1]  }
0x3: {  	s2 =	rddreg [dreg:$0x2]  }
0x4: {  	s3 =	srdreg.scid;
	s0 =	rddreg [dreg:$0x3];
	s4 =	simm.s32 $0x0  }
0x5: {  	s17 =	simm.s32 $0x3;
	s18 =	simm.s32 $0x1400;
	s19 =	simm.s32 $0x80  }
0x6: {  	s20 =	simm.s32 $0x6800;
	s21 =	simm.s32 $0x1;
	s5 =	sand.u32 $0x1, s3  }
0x7: {  	s22 =	simm.s32 $0x2;
	s3 =	stileid.u32;
	s7 =	smul.u32 $0x140000, s5  }
0x8: {  	[smem:$0x7FF] =	sst s4;
	s12 =	sadd.s32 $0xCE00, s6;
	s8 =	smul.u32 $0x14000, s3  }
0x9: {  	s13 =	sadd.s32 $0x2E00, s6;
	s29 =	smul.u32 $0x50000, s3;
	s9 =	sshll.u32 s5, $0x4  }
0xa: {  	_ =	strace $0x8000004A;
	s10 =	ssub.s32 $0x2, s5;
	s9 =	sor.u32 s3, s9  }
0xb: {  	s31 =	sshrl.u32 s10, $0x1;
	s7 =	sadd.s32 s8, s7;
	s30 =	sshrl.u32 s29, $0x2  }
0xc: {  	s9 =	smul.u32 $0x2800, s9;
	s15 =	ssub.s32 s10, s31;
	s7 =	sshrl.u32 s7, $0x3  }
0xd: {  	s5 =	sadd.s32 s30, s2;
	s15 =	smax.u32 s15, $0x1;
	s14 =	sadd.s32 s7, s6  }
0xe: {  	s6 =	sadd.s32 $0x4000, s5;
	s7 =	sadd.s32 $0x8000, s5;
	s11 =	sshrl.u32 s9, $0x3  }
0xf: {  	s8 =	sadd.s32 $0xC000, s5;
	s9 =	sadd.s32 $0x10000, s5;
	s10 =	sadd.s32 s12, s11  }
0x10: {  	s16 =	sadd.s32 $0x280, s11;
	s11 =	sadd.s32 s13, s11;
	s14 =	sadd.s32 $0x16E00, s14  }
0x11: {  	v0 =	vimm.f32 $0.0e+00;
	s12 =	sadd.s32 s12, s16;
	s13 =	sadd.s32 s13, s16;
	s16 =	simm.s32 $0x2800  }
.LBB2_1:
0x12: {  	s23 =	simm.s32 $0x0;
	s24 =	simm.s32 $0x200  }
.LBB2_2:
0x13: {  	p0 =	sne.s32 s24, $0xFE00;
	[tilespmem:s23+$0x2870] =	vst v0  }
0x14: {  	[tilespmem:s23+$0x2800] =	vst v0  }
0x15: {  	[tilespmem:s23+$0x2810] =	vst v0  }
.Ltmp0:
0x16: {  	[tilespmem:s23+$0x2820] =	vst v0;
	(pc) =	sbr.rel @p0 .LBB2_2-.Ltmp0, $4  }
0x17: {  	[tilespmem:s23+$0x2830] =	vst v0  }
0x18: {  	[tilespmem:s23+$0x2840] =	vst v0  }
0x19: {  	[tilespmem:s23+$0x2850] =	vst v0  }
0x1a: {  	[tilespmem:s23+$0x2860] =	vst v0;
	s23 =	sshra.s32 s24, $0x2;
	s24 =	sadd.s32 $0x200, s24  }
0x1b: {  	[tilespmem:s23+$0x2870] =	vst v0  }
0x1c: {  	[tilespmem:s23+$0x2800] =	vst v0  }
0x1d: {  	[tilespmem:s23+$0x2810] =	vst v0  }
0x1e: {  	[tilespmem:s23+$0x2820] =	vst v0  }
0x1f: {  	[tilespmem:s23+$0x2830] =	vst v0  }
0x20: {  	[tilespmem:s23+$0x2840] =	vst v0  }
0x21: {  	[tilespmem:s23+$0x2850] =	vst v0  }
0x22: {  	[tilespmem:s23+$0x2860] =	vst v0  }
0x23: {  	[spmem:s5] =	stream.linear.scatter [tilespmem:s16], [sflag:$0x3], $0x4000, $0x38;
	[tilespmem:$0x1E800] =	vst v63  }
0x24: {  	_ =	swait.ge [sflag:s17], $0x4000  }
0x25: {  	[sflag:s17] =	ssyncset.done $0x0  }
0x26: {  	[sflag:s17] =	ssyncadd.s32 $0xFFFFC000  }
0x27: {  	[spmem:s6] =	stream.linear.scatter [tilespmem:s16], [sflag:$0x3], $0x4000, $0x38;
	[tilespmem:$0x1E800] =	vst v63  }
0x28: {  	_ =	swait.ge [sflag:s17], $0x4000  }
0x29: {  	[sflag:s17] =	ssyncset.done $0x0  }
0x2a: {  	[sflag:s17] =	ssyncadd.s32 $0xFFFFC000  }
0x2b: {  	[spmem:s7] =	stream.linear.scatter [tilespmem:s16], [sflag:$0x3], $0x4000, $0x38;
	[tilespmem:$0x1E800] =	vst v63  }
0x2c: {  	_ =	swait.ge [sflag:s17], $0x4000  }
0x2d: {  	[sflag:s17] =	ssyncset.done $0x0  }
0x2e: {  	[sflag:s17] =	ssyncadd.s32 $0xFFFFC000  }
0x2f: {  	[spmem:s8] =	stream.linear.scatter [tilespmem:s16], [sflag:$0x3], $0x4000, $0x38;
	[tilespmem:$0x1E800] =	vst v63  }
0x30: {  	_ =	swait.ge [sflag:s17], $0x4000  }
0x31: {  	[sflag:s17] =	ssyncset.done $0x0  }
0x32: {  	[sflag:s17] =	ssyncadd.s32 $0xFFFFC000  }
0x33: {  	[spmem:s9] =	stream.linear.scatter [tilespmem:s16], [sflag:$0x3], $0x4000, $0x38;
	[tilespmem:$0x1E800] =	vst v63  }
0x34: {  	_ =	swait.ge [sflag:s17], $0x4000  }
0x35: {  	[sflag:s17] =	ssyncset.done $0x0  }
0x36: {  	[sflag:s17] =	ssyncadd.s32 $0xFFFFC000  }
0x37: {  	s26 =	simm.s32 $0x0;
	[bflag:$0x0] =	sbarrier.arrive $0xFFFF  }
0x38: {  	[tilespmem:s26], [sflag:$0x3] =	stream.linear.gather [hbm4b:s10+s26], $0x1400, $0x38;
	[tilespmem:$0x1E800] =	vst v63  }
0x39: {  	_ =	swait.ge [sflag:s17], $0x1400  }
0x3a: {  	[sflag:s17] =	ssyncset.done $0x0  }
0x3b: {  	[sflag:s17] =	ssyncadd.s32 $0xFFFFEC00  }
0x3c: {  	[tilespmem:s18], [sflag:$0x3] =	stream.linear.gather [hbm4b:s11+s26], $0x1400, $0x38;
	[tilespmem:$0x1E800] =	vst v63  }
0x3d: {  	_ =	swait.ge [sflag:s17], $0x1400  }
0x3e: {  	[sflag:s17] =	ssyncset.done $0x0  }
0x3f: {  	s28 =	simm.s32 $0x0;
	[sflag:s17] =	ssyncadd.s32 $0xFFFFEC00  }
0x40: {  	[tilespmem:s16], [sflag:$0x1] =	stream.indirect.gather [hbm4b:s1+s19], $0x80, s28, s19, $0xb8;
	[tilespmem:$0x1E800] =	vst v63  }
0x41: {  	s29 =	simm.s32 $0x80  }
0x42: {  	[tilespmem:s20], [sflag:$0x2] =	stream.indirect.gather [hbm4b:s1+s19], $0x80, s29, s19, $0xb8;
	[tilespmem:$0x1E800] =	vst v63  }
0x43: {  	_ =	swait.ge [sflag:s21], $0x4000  }
0x44: {  	[sflag:s21] =	ssyncset.done $0x0  }
0x45: {  	s30 =	simm.s32 $0x1400;
	[sflag:s21] =	ssyncadd.s32 $0xFFFFC000  }
0x46: {  	[spmem:s2] =	stream.indirect.scatter.add.f32 [tilespmem:s16], [sflag:$0x3], $0x80, s30, s19, $0xb8;
	[tilespmem:$0x1E800] =	vst v63  }
0x47: {  	_ =	swait.ge [sflag:s17], $0x4000  }
0x48: {  	[sflag:s17] =	ssyncset.done $0x0  }
0x49: {  	[sflag:s17] =	ssyncadd.s32 $0xFFFFC000  }
0x4a: {  	_ =	swait.ge [sflag:s22], $0x4000  }
0x4b: {  	[sflag:s22] =	ssyncset.done $0x0  }
0x4c: {  	s31 =	simm.s32 $0x1480;
	[sflag:s22] =	ssyncadd.s32 $0xFFFFC000  }
0x4d: {  	[spmem:s2] =	stream.indirect.scatter.add.f32 [tilespmem:s20], [sflag:$0x3], $0x80, s31, s19, $0xb8;
	[tilespmem:$0x1E800] =	vst v63  }
0x4e: {  	_ =	swait.ge [sflag:s17], $0x4000  }
0x4f: {  	s23 =	simm.s32 $0x400;
	s24 =	simm.s32 $0x800;
	[sflag:s17] =	ssyncset.done $0x0  }
.LBB2_4:
0x50: {  	s25 =	sshra.s32 s23, $0x2  }
0x51: {  	[sflag:s17] =	ssyncadd.s32 $0xFFFFC000;
	s23 =	smov.u32 s24;
	s26 =	sadd.s32 $0x400, s24  }
0x52: {  	[tilespmem:s16], [sflag:$0x1] =	stream.indirect.gather [hbm4b:s1+s19], $0x80, s25, s19, $0xb8;
	[tilespmem:$0x1E800] =	vst v63  }
0x53: {  	p0 =	sne.s32 s24, $0x4C00;
	s24 =	sadd.s32 $0x80, s25  }
0x54: {  	[tilespmem:s20], [sflag:$0x2] =	stream.indirect.gather [hbm4b:s1+s19], $0x80, s24, s19, $0xb8;
	[tilespmem:$0x1E800] =	vst v63  }
0x55: {  	_ =	swait.ge [sflag:s21], $0x4000  }
0x56: {  	[sflag:s21] =	ssyncset.done $0x0  }
0x57: {  	s24 =	sadd.s32 $0x1400, s25;
	[sflag:s21] =	ssyncadd.s32 $0xFFFFC000  }
0x58: {  	[spmem:s2] =	stream.indirect.scatter.add.f32 [tilespmem:s16], [sflag:$0x3], $0x80, s24, s19, $0xb8;
	[tilespmem:$0x1E800] =	vst v63  }
0x59: {  	_ =	swait.ge [sflag:s17], $0x4000  }
0x5a: {  	[sflag:s17] =	ssyncset.done $0x0  }
0x5b: {  	[sflag:s17] =	ssyncadd.s32 $0xFFFFC000  }
0x5c: {  	_ =	swait.ge [sflag:s22], $0x4000  }
.Ltmp1:
0x5d: {  	[sflag:s22] =	ssyncset.done $0x0;
	(pc) =	sbr.rel @p0 .LBB2_4-.Ltmp1, $4  }
0x5e: {  	s24 =	sadd.s32 $0x1480, s25;
	[sflag:s22] =	ssyncadd.s32 $0xFFFFC000  }
0x5f: {  	[spmem:s2] =	stream.indirect.scatter.add.f32 [tilespmem:s20], [sflag:$0x3], $0x80, s24, s19, $0xb8;
	[tilespmem:$0x1E800] =	vst v63  }
0x60: {  	_ =	swait.ge [sflag:s17], $0x4000  }
0x61: {  	s24 =	smov.u32 s26;
	[sflag:s17] =	ssyncset.done $0x0  }
0x62: {  	s23 =	sshra.s32 s23, $0x2;
	[sflag:s17] =	ssyncadd.s32 $0xFFFFC000  }
0x63: {  	[tilespmem:s16], [sflag:$0x1] =	stream.indirect.gather [hbm4b:s1+s19], $0x80, s23, s19, $0xb8;
	[tilespmem:$0x1E800] =	vst v63  }
0x64: {  	s24 =	sadd.s32 $0x80, s23  }
0x65: {  	[tilespmem:s20], [sflag:$0x2] =	stream.indirect.gather [hbm4b:s1+s19], $0x80, s24, s19, $0xb8;
	[tilespmem:$0x1E800] =	vst v63  }
0x66: {  	_ =	swait.ge [sflag:s21], $0x4000  }
0x67: {  	[sflag:s21] =	ssyncset.done $0x0  }
0x68: {  	s25 =	sadd.s32 $0x1400, s23;
	[sflag:s21] =	ssyncadd.s32 $0xFFFFC000  }
0x69: {  	[spmem:s2] =	stream.indirect.scatter.add.f32 [tilespmem:s16], [sflag:$0x3], $0x80, s25, s19, $0xb8;
	[tilespmem:$0x1E800] =	vst v63  }
0x6a: {  	_ =	swait.ge [sflag:s17], $0x4000  }
0x6b: {  	[sflag:s17] =	ssyncset.done $0x0  }
0x6c: {  	[sflag:s17] =	ssyncadd.s32 $0xFFFFC000  }
0x6d: {  	_ =	swait.ge [sflag:s22], $0x4000  }
0x6e: {  	[sflag:s22] =	ssyncset.done $0x0  }
0x6f: {  	s23 =	sadd.s32 $0x1480, s23;
	[sflag:s22] =	ssyncadd.s32 $0xFFFFC000  }
0x70: {  	[spmem:s2] =	stream.indirect.scatter.add.f32 [tilespmem:s20], [sflag:$0x3], $0x80, s23, s19, $0xb8;
	[tilespmem:$0x1E800] =	vst v63  }
0x71: {  	_ =	swait.ge [sflag:s17], $0x4000  }
0x72: {  	[sflag:s17] =	ssyncset.done $0x0  }
0x73: {  	s26 =	simm.s32 $0x0;
	[sflag:s17] =	ssyncadd.s32 $0xFFFFC000  }
0x74: {  	[tilespmem:s26], [sflag:$0x3] =	stream.linear.gather [hbm4b:s12+s26], $0x1400, $0x38;
	[tilespmem:$0x1E800] =	vst v63  }
0x75: {  	_ =	swait.ge [sflag:s17], $0x1400  }
0x76: {  	[sflag:s17] =	ssyncset.done $0x0  }
0x77: {  	[sflag:s17] =	ssyncadd.s32 $0xFFFFEC00  }
0x78: {  	[tilespmem:s18], [sflag:$0x3] =	stream.linear.gather [hbm4b:s13+s26], $0x1400, $0x38;
	[tilespmem:$0x1E800] =	vst v63  }
0x79: {  	_ =	swait.ge [sflag:s17], $0x1400  }
0x7a: {  	[sflag:s17] =	ssyncset.done $0x0  }
0x7b: {  	s28 =	simm.s32 $0x0;
	[sflag:s17] =	ssyncadd.s32 $0xFFFFEC00  }
0x7c: {  	[tilespmem:s16], [sflag:$0x1] =	stream.indirect.gather [hbm4b:s1+s19], $0x80, s28, s19, $0xb8;
	[tilespmem:$0x1E800] =	vst v63  }
0x7d: {  	s29 =	simm.s32 $0x80  }
0x7e: {  	[tilespmem:s20], [sflag:$0x2] =	stream.indirect.gather [hbm4b:s1+s19], $0x80, s29, s19, $0xb8;
	[tilespmem:$0x1E800] =	vst v63  }
0x7f: {  	_ =	swait.ge [sflag:s21], $0x4000  }
0x80: {  	[sflag:s21] =	ssyncset.done $0x0  }
0x81: {  	s30 =	simm.s32 $0x1400;
	[sflag:s21] =	ssyncadd.s32 $0xFFFFC000  }
0x82: {  	[spmem:s2] =	stream.indirect.scatter.add.f32 [tilespmem:s16], [sflag:$0x3], $0x80, s30, s19, $0xb8;
	[tilespmem:$0x1E800] =	vst v63  }
0x83: {  	_ =	swait.ge [sflag:s17], $0x4000  }
0x84: {  	[sflag:s17] =	ssyncset.done $0x0  }
0x85: {  	[sflag:s17] =	ssyncadd.s32 $0xFFFFC000  }
0x86: {  	_ =	swait.ge [sflag:s22], $0x4000  }
0x87: {  	[sflag:s22] =	ssyncset.done $0x0  }
0x88: {  	s31 =	simm.s32 $0x1480;
	[sflag:s22] =	ssyncadd.s32 $0xFFFFC000  }
0x89: {  	[spmem:s2] =	stream.indirect.scatter.add.f32 [tilespmem:s20], [sflag:$0x3], $0x80, s31, s19, $0xb8;
	[tilespmem:$0x1E800] =	vst v63  }
0x8a: {  	_ =	swait.ge [sflag:s17], $0x4000  }
0x8b: {  	s24 =	simm.s32 $0x800;
	s23 =	simm.s32 $0x400;
	[sflag:s17] =	ssyncset.done $0x0  }
.LBB2_6:
0x8c: {  	s25 =	sshra.s32 s23, $0x2  }
0x8d: {  	[sflag:s17] =	ssyncadd.s32 $0xFFFFC000;
	s23 =	smov.u32 s24;
	s26 =	sadd.s32 $0x400, s24  }
0x8e: {  	[tilespmem:s16], [sflag:$0x1] =	stream.indirect.gather [hbm4b:s1+s19], $0x80, s25, s19, $0xb8;
	[tilespmem:$0x1E800] =	vst v63  }
0x8f: {  	p0 =	sne.s32 s24, $0x4C00;
	s24 =	sadd.s32 $0x80, s25  }
0x90: {  	[tilespmem:s20], [sflag:$0x2] =	stream.indirect.gather [hbm4b:s1+s19], $0x80, s24, s19, $0xb8;
	[tilespmem:$0x1E800] =	vst v63  }
0x91: {  	_ =	swait.ge [sflag:s21], $0x4000  }
0x92: {  	[sflag:s21] =	ssyncset.done $0x0  }
0x93: {  	s24 =	sadd.s32 $0x1400, s25;
	[sflag:s21] =	ssyncadd.s32 $0xFFFFC000  }
0x94: {  	[spmem:s2] =	stream.indirect.scatter.add.f32 [tilespmem:s16], [sflag:$0x3], $0x80, s24, s19, $0xb8;
	[tilespmem:$0x1E800] =	vst v63  }
0x95: {  	_ =	swait.ge [sflag:s17], $0x4000  }
0x96: {  	[sflag:s17] =	ssyncset.done $0x0  }
0x97: {  	[sflag:s17] =	ssyncadd.s32 $0xFFFFC000  }
0x98: {  	_ =	swait.ge [sflag:s22], $0x4000  }
.Ltmp2:
0x99: {  	[sflag:s22] =	ssyncset.done $0x0;
	(pc) =	sbr.rel @p0 .LBB2_6-.Ltmp2, $4  }
0x9a: {  	s24 =	sadd.s32 $0x1480, s25;
	[sflag:s22] =	ssyncadd.s32 $0xFFFFC000  }
0x9b: {  	[spmem:s2] =	stream.indirect.scatter.add.f32 [tilespmem:s20], [sflag:$0x3], $0x80, s24, s19, $0xb8;
	[tilespmem:$0x1E800] =	vst v63  }
0x9c: {  	_ =	swait.ge [sflag:s17], $0x4000  }
0x9d: {  	s24 =	smov.u32 s26;
	[sflag:s17] =	ssyncset.done $0x0  }
0x9e: {  	s23 =	sshra.s32 s23, $0x2;
	[sflag:s17] =	ssyncadd.s32 $0xFFFFC000  }
0x9f: {  	[tilespmem:s16], [sflag:$0x1] =	stream.indirect.gather [hbm4b:s1+s19], $0x80, s23, s19, $0xb8;
	[tilespmem:$0x1E800] =	vst v63  }
0xa0: {  	s24 =	sadd.s32 $0x80, s23  }
0xa1: {  	[tilespmem:s20], [sflag:$0x2] =	stream.indirect.gather [hbm4b:s1+s19], $0x80, s24, s19, $0xb8;
	[tilespmem:$0x1E800] =	vst v63  }
0xa2: {  	_ =	swait.ge [sflag:s21], $0x4000  }
0xa3: {  	[sflag:s21] =	ssyncset.done $0x0  }
0xa4: {  	s29 =	sadd.s32 $0x1400, s23;
	[sflag:s21] =	ssyncadd.s32 $0xFFFFC000  }
0xa5: {  	[spmem:s2] =	stream.indirect.scatter.add.f32 [tilespmem:s16], [sflag:$0x3], $0x80, s29, s19, $0xb8;
	[tilespmem:$0x1E800] =	vst v63  }
0xa6: {  	_ =	swait.ge [sflag:s17], $0x4000  }
0xa7: {  	[sflag:s17] =	ssyncset.done $0x0  }
0xa8: {  	[sflag:s17] =	ssyncadd.s32 $0xFFFFC000  }
0xa9: {  	_ =	swait.ge [sflag:s22], $0x4000  }
0xaa: {  	[sflag:s22] =	ssyncset.done $0x0  }
0xab: {  	s23 =	sadd.s32 $0x1480, s23;
	[sflag:s22] =	ssyncadd.s32 $0xFFFFC000  }
0xac: {  	[spmem:s2] =	stream.indirect.scatter.add.f32 [tilespmem:s20], [sflag:$0x3], $0x80, s23, s19, $0xb8;
	[tilespmem:$0x1E800] =	vst v63  }
0xad: {  	_ =	swait.ge [sflag:s17], $0x4000  }
0xae: {  	s30 =	sshll.u32 s3, $0x6;
	s4 =	sadd.s32 $0x1, s4;
	[sflag:s17] =	ssyncset.done $0x0  }
0xaf: {  	s31 =	sshrl.u32 s5, $0x3;
	p0 =	sne.s32 s4, s15;
	[sflag:s17] =	ssyncadd.s32 $0xFFFFC000  }
.Ltmp3:
0xb0: {  	s23 =	sor.u32 $0x1C03, s30;
	[bflag:$0x0] =	sbarrier.arrive $0xFFFF;
	(pc) =	sbr.rel @p0 .LBB2_1-.Ltmp3, $4  }
0xb1: {  	[hbm:s14], [sflag:s23] =	dma.local [spmem:s31], $0x2800  }
0xb2: {  	_ =	swait.ge [sflag:s17], $0x2800  }
0xb3: {  	[sflag:s17] =	ssyncset.done $0x0  }
0xb4: {  	[sflag:s17] =	ssyncadd.s32 $0xFFFFD800  }
0xb5: {  	_ =	sfence.sel $0x180000  }
0xb6: {  	[bflag:$0x0] =	sbarrier.arrive $0xFFFF  }
0xb7: {  	p0 =	sne.s32 s3, $0x0;
	_ =	strace $0x9000004A  }
0xb8: {  	s0 =	sadd.s32 @!p0 $0x100000, s0;
	[bflag:$0x2] =	sbarrier.arrive $0xFFFF  }
0xb9: {  	[sflag:s0] =	ssyncadd.tile.s32 @!p0 $0x1;
	_ =	shalt  }
.Lfunc_end2:
_tile_overlayer_lowered:
.L_overlay_start_2:
0xba: {  	(tag) =	ssettag $0x2  }
0xbb: {  	s0 =	rddreg [dreg:$0x0];
	s2 =	stileid.u32  }
0xbc: {  	s1 =	rddreg [dreg:$0x1];
	p0 =	sne.s32 s2, $0x0  }
0xbd: {  	s3 =	rddreg [dreg:$0x2];
	[bflag:$0x3] =	sbarrier.arrive $0xFFFF;
	s2 =	simm.s32 @!p0 $0x1C03  }
0xbe: {  	[timem:s3], [sflag:s2] =	dma.local @!p0 [hbm:s0], s1  }
0xbf: {  	s0 =	simm.s32 @!p0 $0x3  }
0xc0: {  	_ =	swait.ge @!p0 [sflag:s0], s1  }
0xc1: {  	s1 =	ssub.s32 @!p0 $0x0, s1;
	[sflag:s0] =	ssyncset.done @!p0 $0x0  }
0xc2: {  	[sflag:s0] =	ssyncadd.s32 @!p0 s1  }
0xc3: {  	[bflag:$0x3] =	sbarrier.arrive $0xFFFF  }
0xc4: {  	_ =	shalt  }

// kernel: kernel.14.cloned.1.call-start
scs
__scs_entry_jumppad:
0x0: {  	(pc) =	sbr.rel $0x88, $3  }
0x1: {  	(tag) =	ssettag $0x0;
	lr =	simm.s32 $0x1  }
0x2: {  	[smem:$0x3F99] =	sst lr;
	_ =	strace $0xD0000000  }
0x3: {  	_ = 	snop  }
0x4: {  	_ = 	snop  }
0x5: {  	_ = 	snop  }
0x6: {  	_ = 	snop  }
0x7: {  	_ = 	snop  }
__scs_overlays_trampoline_lowered:
0x8: {  	[smem:$0x3FA8] =	sst s0  }
0x9: {  	[smem:$0x3FA9] =	sst s1  }
0xa: {  	[smem:$0x3FAA] =	sst s2  }
0xb: {  	[smem:$0x3FAB] =	sst s3  }
0xc: {  	[smem:$0x3FAC] =	sst s4  }
0xd: {  	[smem:$0x3FAD] =	sst s5  }
0xe: {  	[smem:$0x3FAE] =	sst s6  }
0xf: {  	[smem:$0x3FAF] =	sst s7  }
0x10: {  	[smem:$0x3FB0] =	sst s8  }
0x11: {  	[smem:$0x3FB1] =	sst s9;
	s0 =	simm.s32 @!p0 $0x0  }
0x12: {  	s1 =	sld [smem:$0x3F97];
	s0 =	simm.s32 @p0 $0x1  }
0x13: {  	[smem:$0x3FB2] =	sst s0;
	s0 =	simm.s32 @!p1 $0x0  }
0x14: {  	s2 =	sld [smem:$0x3F96];
	s0 =	simm.s32 @p1 $0x1  }
0x15: {  	[smem:$0x3FB3] =	sst s0;
	s0 =	simm.s32 @!p2 $0x0  }
0x16: {  	s3 =	sld [smem:$0x3FDB];
	s0 =	simm.s32 @p2 $0x1  }
0x17: {  	s4 =	simm.s32 $0x1BF5;
	[smem:$0x3FB5] =	sst s0  }
0x18: {  	s0 =	sld [smem:$0x3F98];
	_ =	swait.ge [sflag:s4], $0x0  }
0x19: {  	s7 =	sld [smem:$0x3F99]  }
0x1a: {  	s8 =	sadd.s32 $0xFFFFE003, lr  }
0x1b: {  	s9 =	sadd.s32 $0xFFFFFEF7, lr;
	s5 =	simm.s32 $0xFFFFFFFF;
	p2 =	slt.u32 s8, $0xFFFFF086  }
0x1c: {  	p1 =	slt.u32 s9, $0xF7A;
	s5 =	simm.s32 @!p2 $0x0  }
0x1d: {  	s5 =	simm.s32 @p1 $0x1;
	p0 =	seq.s32 s7, s2  }
0x1e: {  	s7 =	smul.u32 @!p0 $0xF7A, s2;
	p2 =	seq.s32 @!p0 s5, $0x0  }
0x1f: {  	s9 =	smul.u32 $0xF7A, s1;
	s8 =	simm.s32 @!p0 $0x1BF5;
	p2 =	por !p2, p0  }
0x20: {  	[sflag:s8] =	ssyncset.s32 @!p0 $0xFFFFF086;
	s6 =	sadd.s32 @!p0 s3, s7;
	s7 =	simm.s32 @!p0 $0x108  }
0x21: {  	s3 =	sadd.s32 s3, s9;
	s6 =	sadd.s32 @!p0 $0x88, s6;
	s7 =	simm.s32 @p2 $0x1082  }
0x22: {  	[simem:s7], [sflag:s8] =	dma.local @!p0 [hbm:s6], $0xF7A  }
0x23: {  	s9 =	sor.u32 $0xD0000000, s2;
	s6 =	simm.s32 $0x108;
	_ =	swait.ge @!p0 [sflag:s8], $0x0  }
0x24: {  	s3 =	sadd.s32 $0x88, s3;
	s6 =	simm.s32 @!p1 $0x1082;
	[sflag:s4] =	ssyncset.s32 $0xFFFFF086  }
0x25: {  	[simem:s6], [sflag:s4] =	dma.local [hbm:s3], $0xF7A  }
0x26: {  	[smem:$0x3F99] =	sst s1;
	(tag) =	ssettag s2;
	_ =	strace s9  }
0x27: {  	s1 =	sld [smem:$0x3FA9]  }
0x28: {  	s2 =	sld [smem:$0x3FAA]  }
0x29: {  	s4 =	sld [smem:$0x3FAC]  }
0x2a: {  	p0 =	seq.s32 s5, $0x0;
	s5 =	sld [smem:$0x3FAD]  }
0x2b: {  	s6 =	sld [smem:$0x3FAE]  }
0x2c: {  	s7 =	sld [smem:$0x3FAF]  }
0x2d: {  	s3 =	simm.s32 $0x108;
	s8 =	sld [smem:$0x3FB0]  }
0x2e: {  	s3 =	simm.s32 @!p0 $0x1082;
	s9 =	sld [smem:$0x3FB1]  }
0x2f: {  	lr =	sadd.s32 s0, s3;
	s0 =	sld [smem:$0x3FA8]  }
0x30: {  	s3 =	sld [smem:$0x3FAB]  }
0x31: {  	[smem:$0x3FB4] =	sst s10  }
0x32: {  	s10 =	sld [smem:$0x3FB2];
	_ =	sdelay $0x3  }
0x33: {  	p0 =	seq.s32 s10, $0x1;
	s10 =	sld [smem:$0x3FB4];
	_ =	sdelay $0x3  }
0x34: {  	[smem:$0x3FB4] =	sst s10  }
0x35: {  	s10 =	sld [smem:$0x3FB3];
	_ =	sdelay $0x3  }
0x36: {  	p1 =	seq.s32 s10, $0x1;
	s10 =	sld [smem:$0x3FB4];
	_ =	sdelay $0x3  }
0x37: {  	[smem:$0x3FB4] =	sst s10  }
0x38: {  	s10 =	sld [smem:$0x3FB5]  }
0x39: {  	_ = 	snop;
	(pc) =	sbr.ind lr, $3  }
0x3a: {  	_ = 	snop  }
0x3b: {  	_ = 	snop  }
0x3c: {  	p2 =	seq.s32 s10, $0x1;
	s10 =	sld [smem:$0x3FB4]  }
0x3d: {  	_ =	shalt  }
0x3e: {  	_ =	shalt  }
0x3f: {  	_ =	shalt  }
0x40: {  	_ =	shalt  }
0x41: {  	_ =	shalt  }
0x42: {  	_ =	shalt  }
0x43: {  	_ =	shalt  }
0x44: {  	_ =	shalt  }
0x45: {  	_ =	shalt  }
0x46: {  	_ =	shalt  }
0x47: {  	_ =	shalt  }
0x48: {  	_ =	shalt  }
0x49: {  	_ =	shalt  }
0x4a: {  	_ =	shalt  }
0x4b: {  	_ =	shalt  }
0x4c: {  	_ =	shalt  }
0x4d: {  	_ =	shalt  }
0x4e: {  	_ =	shalt  }
0x4f: {  	_ =	shalt  }
0x50: {  	_ =	shalt  }
0x51: {  	_ =	shalt  }
0x52: {  	_ =	shalt  }
0x53: {  	_ =	shalt  }
0x54: {  	_ =	shalt  }
0x55: {  	_ =	shalt  }
0x56: {  	_ =	shalt  }
0x57: {  	_ =	shalt  }
0x58: {  	_ =	shalt  }
0x59: {  	_ =	shalt  }
0x5a: {  	_ =	shalt  }
0x5b: {  	_ =	shalt  }
0x5c: {  	_ =	shalt  }
0x5d: {  	_ =	shalt  }
0x5e: {  	_ =	shalt  }
0x5f: {  	_ =	shalt  }
0x60: {  	_ =	shalt  }
0x61: {  	_ =	shalt  }
0x62: {  	_ =	shalt  }
0x63: {  	_ =	shalt  }
0x64: {  	_ =	shalt  }
0x65: {  	_ =	shalt  }
0x66: {  	_ =	shalt  }
0x67: {  	_ =	shalt  }
0x68: {  	_ =	shalt  }
0x69: {  	_ =	shalt  }
0x6a: {  	_ =	shalt  }
0x6b: {  	_ =	shalt  }
0x6c: {  	_ =	shalt  }
0x6d: {  	_ =	shalt  }
0x6e: {  	_ =	shalt  }
0x6f: {  	_ =	shalt  }
0x70: {  	_ =	shalt  }
0x71: {  	_ =	shalt  }
0x72: {  	_ =	shalt  }
0x73: {  	_ =	shalt  }
0x74: {  	_ =	shalt  }
0x75: {  	_ =	shalt  }
0x76: {  	_ =	shalt  }
0x77: {  	_ =	shalt  }
0x78: {  	_ =	shalt  }
0x79: {  	_ =	shalt  }
0x7a: {  	_ =	shalt  }
0x7b: {  	_ =	shalt  }
0x7c: {  	_ =	shalt  }
0x7d: {  	_ =	shalt  }
0x7e: {  	_ =	shalt  }
0x7f: {  	_ =	shalt  }
0x80: {  	_ =	shalt  }
0x81: {  	_ =	shalt  }
0x82: {  	_ =	shalt  }
0x83: {  	_ =	shalt  }
0x84: {  	_ =	shalt  }
0x85: {  	_ =	shalt  }
0x86: {  	_ =	shalt  }
0x87: {  	_ =	shalt  }
.Lfunc_end0:
.L_simem_size_0:
called_computation.2_lowered:
.L_overlay_start_0:
0x88: {  	s2 =	sld [smem:$0x3FD9]  }
0x89: {  	s3 =	sld [smem:$0x3FFE];
	_ =	sdelay $0x1  }
0x8a: {  	s1 =	srdreg.scid  }
0x8b: {  	s0 =	sand.u32 $0x1, s1  }
0x8c: {  	s17 =	sshll.u32 s0, $0xA;
	s2 =	sadd.s32 s3, s2  }
0x8d: {  	s2 =	sadd.s32 s2, s17  }
0x8e: {  	[smem:$0x3FC0] =	sst s2  }
0x8f: {  	_ = 	snop  }
0x90: {  	s2 =	sld [smem:$0x3FD0];
	(tm) =	ssettm $0x1  }
0x91: {  	s18 =	sld [smem:$0x3FFB];
	_ =	sdelay $0x3  }
0x92: {  	_ =	strace s18  }
0x93: {  	s3 =	sld [smem:$0x3FFC];
	_ =	sdelay $0x3  }
0x94: {  	_ =	strace s3  }
0x95: {  	s3 =	sld [smem:$0x3FFD];
	_ =	sdelay $0x3  }
0x96: {  	_ =	strace s3  }
0x97: {  	_ =	strace $0x8FFFFFFF  }
0x98: {  	s19 =	sld [smem:$0x3FDB];
	_ =	sdelay $0x1  }
0x99: {  	s4 =	simm.s32 $_scs_section_size  }
0x9a: {  	s5 =	simm.s32 $_size__tile_overlayer_lowered;
	s6 =	simm.s32 $_tile_overlayer_lowered  }
0x9b: {  	s22 =	simm.s32 $0x1BFF;
	s21 =	sshll.u32 s6, $0x1;
	s3 =	sadd.s32 s4, s19  }
0x9c: {  	s7 =	simm.s32 $0x0;
	s20 =	sshll.u32 s5, $0x1;
	s5 =	sadd.s32 s21, s3  }
0x9d: {  	[timem:s7], [sflag:s22] =	dma.local [hbm:s5], s20  }
0x9e: {  	_ =	swait.ge [sflag:s22], s20  }
0x9f: {  	s4 =	ssub.s32 $0x0, s20;
	[sflag:s22] =	ssyncset.done $0x0  }
0xa0: {  	[sflag:s22] =	ssyncadd.s32 s4;
	_ =	sdelay $0x1  }
0xa1: {  	s23 =	simm.s32 $0x1B8B  }
0xa2: {  	_ =	swait.ge [sflag:s23], $0x1  }
0xa3: {  	[sflag:s23] =	ssyncset.done $0x0  }
0xa4: {  	s25 =	simm.s32 $0x1B8E;
	s24 =	sld [smem:$0x3FFE];
	[sflag:s23] =	ssyncadd.s32 $0xFFFFFFFF  }
0xa5: {  	s26 =	simm.s32 $execute0_lowered;
	[smem:$0x3FD2] =	sst s25  }
0xa6: {  	s5 =	sshll.u32 s26, $0x1;
	_ =	strace $0x8000004C;
	[dreg:$0x1] =	wrdreg $0xFFFFFFFF  }
0xa7: {  	s28 =	simm.s32 $_size_execute0_lowered;
	s3 =	sadd.s32 s3, s5;
	[dreg:$0x0] =	wrdreg $0x0  }
0xa8: {  	s5 =	sshll.u32 s28, $0x1;
	[dreg:$0x2] =	wrdreg s3  }
0xa9: {  	[dreg:$0x3] =	wrdreg s5  }
0xaa: {  	[dreg:$0x4] =	wrdreg $0xC0  }
0xab: {  	_ =	task [dreg:s7], $0x5FFFF  }
0xac: {  	[dreg:$0x1] =	wrdreg $0xFFFFFFFF  }
0xad: {  	[dreg:$0x0] =	wrdreg $0x60  }
0xae: {  	[dreg:$0x2] =	wrdreg s2  }
0xaf: {  	[dreg:$0x3] =	wrdreg s24  }
0xb0: {  	[dreg:$0x4] =	wrdreg $0xA8000  }
0xb1: {  	[dreg:$0x5] =	wrdreg $0x9  }
0xb2: {  	_ =	task.clear_ibuf [dreg:s7], $0x6FFFF;
	_ =	strace $0x9000004C  }
0xb3: {  	s29 =	simm.s32 $0x9;
	_ =	strace $0x8000004E  }
0xb4: {  	_ =	swait.ge [sflag:s29], $0x1  }
0xb5: {  	[sflag:s29] =	ssyncadd.s32 $0xFFFFFFFF  }
0xb6: {  	_ =	strace $0x9000004E  }
0xb7: {  	_ =	sfence  }
0xb8: {  	s30 =	sld [smem:$0x0];
	_ =	sdelay $0x2  }
0xb9: {  	s31 =	sshll.u32 s1, $0xD;
	s1 =	sshrl.u32 s1, $0x2  }
0xba: {  	s3 =	sand.u32 $0x4000, s31;
	s1 =	sadd.s32 s1, s30  }
0xbb: {  	s0 =	sor.u32 s3, s0;
	s1 =	sshll.u32 s1, $0x11  }
0xbc: {  	s0 =	sor.u32 s1, s0  }
0xbd: {  	s0 =	sadd.s32 $0x8F2B, s0  }
0xbe: {  	[sflag:s0] =	ssyncadd.remote.s32 $0x1  }
0xbf: {  	_ =	sfence.sel $0xFFFF  }
0xc0: {  	[dreg:$0x0] =	wrdreg $0xFFFFFFFF;
	(pc) =	sbr.abs _section_cstart, $3  }
0xc1: {  	[dreg:$0x1] =	wrdreg $0xFFFFFFFF  }
0xc2: {  	_ =	task.clear_ibuf [dreg:s7], $0x2FFFF;
	_ =	strace $0x9FFFFFFF  }
0xc3: {  	(tm) =	ssettm $0x7FFFFFFF  }
tec
execute0_lowered:
.L_overlay_start_1:
0x0: {  	(tag) =	ssettag $0x1  }
0x1: {  	s1 =	rddreg [dreg:$0x0]  }
0x2: {  	s6 =	rddreg [dreg:$0x1]  }
0x3: {  	s2 =	rddreg [dreg:$0x2]  }
0x4: {  	s3 =	srdreg.scid;
	s0 =	rddreg [dreg:$0x3];
	s4 =	simm.s32 $0x0  }
0x5: {  	s17 =	simm.s32 $0x3;
	s18 =	simm.s32 $0x1400;
	s19 =	simm.s32 $0x80  }
0x6: {  	s20 =	simm.s32 $0x6800;
	s21 =	simm.s32 $0x1;
	s5 =	sand.u32 $0x1, s3  }
0x7: {  	s22 =	simm.s32 $0x2;
	s3 =	stileid.u32;
	s7 =	smul.u32 $0x140000, s5  }
0x8: {  	[smem:$0x7FF] =	sst s4;
	s12 =	sadd.s32 $0xCE00, s6;
	s8 =	smul.u32 $0x14000, s3  }
0x9: {  	s13 =	sadd.s32 $0x2E00, s6;
	s29 =	smul.u32 $0x50000, s3;
	s9 =	sshll.u32 s5, $0x4  }
0xa: {  	_ =	strace $0x8000004D;
	s10 =	ssub.s32 $0x2, s5;
	s9 =	sor.u32 s3, s9  }
0xb: {  	s31 =	sshrl.u32 s10, $0x1;
	s7 =	sadd.s32 s8, s7;
	s30 =	sshrl.u32 s29, $0x2  }
0xc: {  	s9 =	smul.u32 $0x2800, s9;
	s15 =	ssub.s32 s10, s31;
	s7 =	sshrl.u32 s7, $0x3  }
0xd: {  	s5 =	sadd.s32 s30, s2;
	s15 =	smax.u32 s15, $0x1;
	s14 =	sadd.s32 s7, s6  }
0xe: {  	s6 =	sadd.s32 $0x4000, s5;
	s7 =	sadd.s32 $0x8000, s5;
	s11 =	sshrl.u32 s9, $0x3  }
0xf: {  	s8 =	sadd.s32 $0xC000, s5;
	s9 =	sadd.s32 $0x10000, s5;
	s10 =	sadd.s32 s12, s11  }
0x10: {  	s16 =	sadd.s32 $0x280, s11;
	s11 =	sadd.s32 s13, s11;
	s14 =	sadd.s32 $0x16E00, s14  }
0x11: {  	v0 =	vimm.f32 $0.0e+00;
	s12 =	sadd.s32 s12, s16;
	s13 =	sadd.s32 s13, s16;
	s16 =	simm.s32 $0x2800  }
.LBB2_1:
0x12: {  	s23 =	simm.s32 $0x0;
	s24 =	simm.s32 $0x200  }
.LBB2_2:
0x13: {  	p0 =	sne.s32 s24, $0xFE00;
	[tilespmem:s23+$0x2870] =	vst v0  }
0x14: {  	[tilespmem:s23+$0x2800] =	vst v0  }
0x15: {  	[tilespmem:s23+$0x2810] =	vst v0  }
.Ltmp0:
0x16: {  	[tilespmem:s23+$0x2820] =	vst v0;
	(pc) =	sbr.rel @p0 .LBB2_2-.Ltmp0, $4  }
0x17: {  	[tilespmem:s23+$0x2830] =	vst v0  }
0x18: {  	[tilespmem:s23+$0x2840] =	vst v0  }
0x19: {  	[tilespmem:s23+$0x2850] =	vst v0  }
0x1a: {  	[tilespmem:s23+$0x2860] =	vst v0;
	s23 =	sshra.s32 s24, $0x2;
	s24 =	sadd.s32 $0x200, s24  }
0x1b: {  	[tilespmem:s23+$0x2870] =	vst v0  }
0x1c: {  	[tilespmem:s23+$0x2800] =	vst v0  }
0x1d: {  	[tilespmem:s23+$0x2810] =	vst v0  }
0x1e: {  	[tilespmem:s23+$0x2820] =	vst v0  }
0x1f: {  	[tilespmem:s23+$0x2830] =	vst v0  }
0x20: {  	[tilespmem:s23+$0x2840] =	vst v0  }
0x21: {  	[tilespmem:s23+$0x2850] =	vst v0  }
0x22: {  	[tilespmem:s23+$0x2860] =	vst v0  }
0x23: {  	[spmem:s5] =	stream.linear.scatter [tilespmem:s16], [sflag:$0x3], $0x4000, $0x38;
	[tilespmem:$0x1E800] =	vst v63  }
0x24: {  	_ =	swait.ge [sflag:s17], $0x4000  }
0x25: {  	[sflag:s17] =	ssyncset.done $0x0  }
0x26: {  	[sflag:s17] =	ssyncadd.s32 $0xFFFFC000  }
0x27: {  	[spmem:s6] =	stream.linear.scatter [tilespmem:s16], [sflag:$0x3], $0x4000, $0x38;
	[tilespmem:$0x1E800] =	vst v63  }
0x28: {  	_ =	swait.ge [sflag:s17], $0x4000  }
0x29: {  	[sflag:s17] =	ssyncset.done $0x0  }
0x2a: {  	[sflag:s17] =	ssyncadd.s32 $0xFFFFC000  }
0x2b: {  	[spmem:s7] =	stream.linear.scatter [tilespmem:s16], [sflag:$0x3], $0x4000, $0x38;
	[tilespmem:$0x1E800] =	vst v63  }
0x2c: {  	_ =	swait.ge [sflag:s17], $0x4000  }
0x2d: {  	[sflag:s17] =	ssyncset.done $0x0  }
0x2e: {  	[sflag:s17] =	ssyncadd.s32 $0xFFFFC000  }
0x2f: {  	[spmem:s8] =	stream.linear.scatter [tilespmem:s16], [sflag:$0x3], $0x4000, $0x38;
	[tilespmem:$0x1E800] =	vst v63  }
0x30: {  	_ =	swait.ge [sflag:s17], $0x4000  }
0x31: {  	[sflag:s17] =	ssyncset.done $0x0  }
0x32: {  	[sflag:s17] =	ssyncadd.s32 $0xFFFFC000  }
0x33: {  	[spmem:s9] =	stream.linear.scatter [tilespmem:s16], [sflag:$0x3], $0x4000, $0x38;
	[tilespmem:$0x1E800] =	vst v63  }
0x34: {  	_ =	swait.ge [sflag:s17], $0x4000  }
0x35: {  	[sflag:s17] =	ssyncset.done $0x0  }
0x36: {  	[sflag:s17] =	ssyncadd.s32 $0xFFFFC000  }
0x37: {  	s26 =	simm.s32 $0x0;
	[bflag:$0x0] =	sbarrier.arrive $0xFFFF  }
0x38: {  	[tilespmem:s26], [sflag:$0x3] =	stream.linear.gather [hbm4b:s10+s26], $0x1400, $0x38;
	[tilespmem:$0x1E800] =	vst v63  }
0x39: {  	_ =	swait.ge [sflag:s17], $0x1400  }
0x3a: {  	[sflag:s17] =	ssyncset.done $0x0  }
0x3b: {  	[sflag:s17] =	ssyncadd.s32 $0xFFFFEC00  }
0x3c: {  	[tilespmem:s18], [sflag:$0x3] =	stream.linear.gather [hbm4b:s11+s26], $0x1400, $0x38;
	[tilespmem:$0x1E800] =	vst v63  }
0x3d: {  	_ =	swait.ge [sflag:s17], $0x1400  }
0x3e: {  	[sflag:s17] =	ssyncset.done $0x0  }
0x3f: {  	s28 =	simm.s32 $0x0;
	[sflag:s17] =	ssyncadd.s32 $0xFFFFEC00  }
0x40: {  	[tilespmem:s16], [sflag:$0x1] =	stream.indirect.gather [hbm4b:s1+s19], $0x80, s28, s19, $0xb8;
	[tilespmem:$0x1E800] =	vst v63  }
0x41: {  	s29 =	simm.s32 $0x80  }
0x42: {  	[tilespmem:s20], [sflag:$0x2] =	stream.indirect.gather [hbm4b:s1+s19], $0x80, s29, s19, $0xb8;
	[tilespmem:$0x1E800] =	vst v63  }
0x43: {  	_ =	swait.ge [sflag:s21], $0x4000  }
0x44: {  	[sflag:s21] =	ssyncset.done $0x0  }
0x45: {  	s30 =	simm.s32 $0x1400;
	[sflag:s21] =	ssyncadd.s32 $0xFFFFC000  }
0x46: {  	[spmem:s2] =	stream.indirect.scatter.add.f32 [tilespmem:s16], [sflag:$0x3], $0x80, s30, s19, $0xb8;
	[tilespmem:$0x1E800] =	vst v63  }
0x47: {  	_ =	swait.ge [sflag:s17], $0x4000  }
0x48: {  	[sflag:s17] =	ssyncset.done $0x0  }
0x49: {  	[sflag:s17] =	ssyncadd.s32 $0xFFFFC000  }
0x4a: {  	_ =	swait.ge [sflag:s22], $0x4000  }
0x4b: {  	[sflag:s22] =	ssyncset.done $0x0  }
0x4c: {  	s31 =	simm.s32 $0x1480;
	[sflag:s22] =	ssyncadd.s32 $0xFFFFC000  }
0x4d: {  	[spmem:s2] =	stream.indirect.scatter.add.f32 [tilespmem:s20], [sflag:$0x3], $0x80, s31, s19, $0xb8;
	[tilespmem:$0x1E800] =	vst v63  }
0x4e: {  	_ =	swait.ge [sflag:s17], $0x4000  }
0x4f: {  	s23 =	simm.s32 $0x400;
	s24 =	simm.s32 $0x800;
	[sflag:s17] =	ssyncset.done $0x0  }
.LBB2_4:
0x50: {  	s25 =	sshra.s32 s23, $0x2  }
0x51: {  	[sflag:s17] =	ssyncadd.s32 $0xFFFFC000;
	s23 =	smov.u32 s24;
	s26 =	sadd.s32 $0x400, s24  }
0x52: {  	[tilespmem:s16], [sflag:$0x1] =	stream.indirect.gather [hbm4b:s1+s19], $0x80, s25, s19, $0xb8;
	[tilespmem:$0x1E800] =	vst v63  }
0x53: {  	p0 =	sne.s32 s24, $0x4C00;
	s24 =	sadd.s32 $0x80, s25  }
0x54: {  	[tilespmem:s20], [sflag:$0x2] =	stream.indirect.gather [hbm4b:s1+s19], $0x80, s24, s19, $0xb8;
	[tilespmem:$0x1E800] =	vst v63  }
0x55: {  	_ =	swait.ge [sflag:s21], $0x4000  }
0x56: {  	[sflag:s21] =	ssyncset.done $0x0  }
0x57: {  	s24 =	sadd.s32 $0x1400, s25;
	[sflag:s21] =	ssyncadd.s32 $0xFFFFC000  }
0x58: {  	[spmem:s2] =	stream.indirect.scatter.add.f32 [tilespmem:s16], [sflag:$0x3], $0x80, s24, s19, $0xb8;
	[tilespmem:$0x1E800] =	vst v63  }
0x59: {  	_ =	swait.ge [sflag:s17], $0x4000  }
0x5a: {  	[sflag:s17] =	ssyncset.done $0x0  }
0x5b: {  	[sflag:s17] =	ssyncadd.s32 $0xFFFFC000  }
0x5c: {  	_ =	swait.ge [sflag:s22], $0x4000  }
.Ltmp1:
0x5d: {  	[sflag:s22] =	ssyncset.done $0x0;
	(pc) =	sbr.rel @p0 .LBB2_4-.Ltmp1, $4  }
0x5e: {  	s24 =	sadd.s32 $0x1480, s25;
	[sflag:s22] =	ssyncadd.s32 $0xFFFFC000  }
0x5f: {  	[spmem:s2] =	stream.indirect.scatter.add.f32 [tilespmem:s20], [sflag:$0x3], $0x80, s24, s19, $0xb8;
	[tilespmem:$0x1E800] =	vst v63  }
0x60: {  	_ =	swait.ge [sflag:s17], $0x4000  }
0x61: {  	s24 =	smov.u32 s26;
	[sflag:s17] =	ssyncset.done $0x0  }
0x62: {  	s23 =	sshra.s32 s23, $0x2;
	[sflag:s17] =	ssyncadd.s32 $0xFFFFC000  }
0x63: {  	[tilespmem:s16], [sflag:$0x1] =	stream.indirect.gather [hbm4b:s1+s19], $0x80, s23, s19, $0xb8;
	[tilespmem:$0x1E800] =	vst v63  }
0x64: {  	s24 =	sadd.s32 $0x80, s23  }
0x65: {  	[tilespmem:s20], [sflag:$0x2] =	stream.indirect.gather [hbm4b:s1+s19], $0x80, s24, s19, $0xb8;
	[tilespmem:$0x1E800] =	vst v63  }
0x66: {  	_ =	swait.ge [sflag:s21], $0x4000  }
0x67: {  	[sflag:s21] =	ssyncset.done $0x0  }
0x68: {  	s25 =	sadd.s32 $0x1400, s23;
	[sflag:s21] =	ssyncadd.s32 $0xFFFFC000  }
0x69: {  	[spmem:s2] =	stream.indirect.scatter.add.f32 [tilespmem:s16], [sflag:$0x3], $0x80, s25, s19, $0xb8;
	[tilespmem:$0x1E800] =	vst v63  }
0x6a: {  	_ =	swait.ge [sflag:s17], $0x4000  }
0x6b: {  	[sflag:s17] =	ssyncset.done $0x0  }
0x6c: {  	[sflag:s17] =	ssyncadd.s32 $0xFFFFC000  }
0x6d: {  	_ =	swait.ge [sflag:s22], $0x4000  }
0x6e: {  	[sflag:s22] =	ssyncset.done $0x0  }
0x6f: {  	s23 =	sadd.s32 $0x1480, s23;
	[sflag:s22] =	ssyncadd.s32 $0xFFFFC000  }
0x70: {  	[spmem:s2] =	stream.indirect.scatter.add.f32 [tilespmem:s20], [sflag:$0x3], $0x80, s23, s19, $0xb8;
	[tilespmem:$0x1E800] =	vst v63  }
0x71: {  	_ =	swait.ge [sflag:s17], $0x4000  }
0x72: {  	[sflag:s17] =	ssyncset.done $0x0  }
0x73: {  	s26 =	simm.s32 $0x0;
	[sflag:s17] =	ssyncadd.s32 $0xFFFFC000  }
0x74: {  	[tilespmem:s26], [sflag:$0x3] =	stream.linear.gather [hbm4b:s12+s26], $0x1400, $0x38;
	[tilespmem:$0x1E800] =	vst v63  }
0x75: {  	_ =	swait.ge [sflag:s17], $0x1400  }
0x76: {  	[sflag:s17] =	ssyncset.done $0x0  }
0x77: {  	[sflag:s17] =	ssyncadd.s32 $0xFFFFEC00  }
0x78: {  	[tilespmem:s18], [sflag:$0x3] =	stream.linear.gather [hbm4b:s13+s26], $0x1400, $0x38;
	[tilespmem:$0x1E800] =	vst v63  }
0x79: {  	_ =	swait.ge [sflag:s17], $0x1400  }
0x7a: {  	[sflag:s17] =	ssyncset.done $0x0  }
0x7b: {  	s28 =	simm.s32 $0x0;
	[sflag:s17] =	ssyncadd.s32 $0xFFFFEC00  }
0x7c: {  	[tilespmem:s16], [sflag:$0x1] =	stream.indirect.gather [hbm4b:s1+s19], $0x80, s28, s19, $0xb8;
	[tilespmem:$0x1E800] =	vst v63  }
0x7d: {  	s29 =	simm.s32 $0x80  }
0x7e: {  	[tilespmem:s20], [sflag:$0x2] =	stream.indirect.gather [hbm4b:s1+s19], $0x80, s29, s19, $0xb8;
	[tilespmem:$0x1E800] =	vst v63  }
0x7f: {  	_ =	swait.ge [sflag:s21], $0x4000  }
0x80: {  	[sflag:s21] =	ssyncset.done $0x0  }
0x81: {  	s30 =	simm.s32 $0x1400;
	[sflag:s21] =	ssyncadd.s32 $0xFFFFC000  }
0x82: {  	[spmem:s2] =	stream.indirect.scatter.add.f32 [tilespmem:s16], [sflag:$0x3], $0x80, s30, s19, $0xb8;
	[tilespmem:$0x1E800] =	vst v63  }
0x83: {  	_ =	swait.ge [sflag:s17], $0x4000  }
0x84: {  	[sflag:s17] =	ssyncset.done $0x0  }
0x85: {  	[sflag:s17] =	ssyncadd.s32 $0xFFFFC000  }
0x86: {  	_ =	swait.ge [sflag:s22], $0x4000  }
0x87: {  	[sflag:s22] =	ssyncset.done $0x0  }
0x88: {  	s31 =	simm.s32 $0x1480;
	[sflag:s22] =	ssyncadd.s32 $0xFFFFC000  }
0x89: {  	[spmem:s2] =	stream.indirect.scatter.add.f32 [tilespmem:s20], [sflag:$0x3], $0x80, s31, s19, $0xb8;
	[tilespmem:$0x1E800] =	vst v63  }
0x8a: {  	_ =	swait.ge [sflag:s17], $0x4000  }
0x8b: {  	s24 =	simm.s32 $0x800;
	s23 =	simm.s32 $0x400;
	[sflag:s17] =	ssyncset.done $0x0  }
.LBB2_6:
0x8c: {  	s25 =	sshra.s32 s23, $0x2  }
0x8d: {  	[sflag:s17] =	ssyncadd.s32 $0xFFFFC000;
	s23 =	smov.u32 s24;
	s26 =	sadd.s32 $0x400, s24  }
0x8e: {  	[tilespmem:s16], [sflag:$0x1] =	stream.indirect.gather [hbm4b:s1+s19], $0x80, s25, s19, $0xb8;
	[tilespmem:$0x1E800] =	vst v63  }
0x8f: {  	p0 =	sne.s32 s24, $0x4C00;
	s24 =	sadd.s32 $0x80, s25  }
0x90: {  	[tilespmem:s20], [sflag:$0x2] =	stream.indirect.gather [hbm4b:s1+s19], $0x80, s24, s19, $0xb8;
	[tilespmem:$0x1E800] =	vst v63  }
0x91: {  	_ =	swait.ge [sflag:s21], $0x4000  }
0x92: {  	[sflag:s21] =	ssyncset.done $0x0  }
0x93: {  	s24 =	sadd.s32 $0x1400, s25;
	[sflag:s21] =	ssyncadd.s32 $0xFFFFC000  }
0x94: {  	[spmem:s2] =	stream.indirect.scatter.add.f32 [tilespmem:s16], [sflag:$0x3], $0x80, s24, s19, $0xb8;
	[tilespmem:$0x1E800] =	vst v63  }
0x95: {  	_ =	swait.ge [sflag:s17], $0x4000  }
0x96: {  	[sflag:s17] =	ssyncset.done $0x0  }
0x97: {  	[sflag:s17] =	ssyncadd.s32 $0xFFFFC000  }
0x98: {  	_ =	swait.ge [sflag:s22], $0x4000  }
.Ltmp2:
0x99: {  	[sflag:s22] =	ssyncset.done $0x0;
	(pc) =	sbr.rel @p0 .LBB2_6-.Ltmp2, $4  }
0x9a: {  	s24 =	sadd.s32 $0x1480, s25;
	[sflag:s22] =	ssyncadd.s32 $0xFFFFC000  }
0x9b: {  	[spmem:s2] =	stream.indirect.scatter.add.f32 [tilespmem:s20], [sflag:$0x3], $0x80, s24, s19, $0xb8;
	[tilespmem:$0x1E800] =	vst v63  }
0x9c: {  	_ =	swait.ge [sflag:s17], $0x4000  }
0x9d: {  	s24 =	smov.u32 s26;
	[sflag:s17] =	ssyncset.done $0x0  }
0x9e: {  	s23 =	sshra.s32 s23, $0x2;
	[sflag:s17] =	ssyncadd.s32 $0xFFFFC000  }
0x9f: {  	[tilespmem:s16], [sflag:$0x1] =	stream.indirect.gather [hbm4b:s1+s19], $0x80, s23, s19, $0xb8;
	[tilespmem:$0x1E800] =	vst v63  }
0xa0: {  	s24 =	sadd.s32 $0x80, s23  }
0xa1: {  	[tilespmem:s20], [sflag:$0x2] =	stream.indirect.gather [hbm4b:s1+s19], $0x80, s24, s19, $0xb8;
	[tilespmem:$0x1E800] =	vst v63  }
0xa2: {  	_ =	swait.ge [sflag:s21], $0x4000  }
0xa3: {  	[sflag:s21] =	ssyncset.done $0x0  }
0xa4: {  	s29 =	sadd.s32 $0x1400, s23;
	[sflag:s21] =	ssyncadd.s32 $0xFFFFC000  }
0xa5: {  	[spmem:s2] =	stream.indirect.scatter.add.f32 [tilespmem:s16], [sflag:$0x3], $0x80, s29, s19, $0xb8;
	[tilespmem:$0x1E800] =	vst v63  }
0xa6: {  	_ =	swait.ge [sflag:s17], $0x4000  }
0xa7: {  	[sflag:s17] =	ssyncset.done $0x0  }
0xa8: {  	[sflag:s17] =	ssyncadd.s32 $0xFFFFC000  }
0xa9: {  	_ =	swait.ge [sflag:s22], $0x4000  }
0xaa: {  	[sflag:s22] =	ssyncset.done $0x0  }
0xab: {  	s23 =	sadd.s32 $0x1480, s23;
	[sflag:s22] =	ssyncadd.s32 $0xFFFFC000  }
0xac: {  	[spmem:s2] =	stream.indirect.scatter.add.f32 [tilespmem:s20], [sflag:$0x3], $0x80, s23, s19, $0xb8;
	[tilespmem:$0x1E800] =	vst v63  }
0xad: {  	_ =	swait.ge [sflag:s17], $0x4000  }
0xae: {  	s30 =	sshll.u32 s3, $0x6;
	s4 =	sadd.s32 $0x1, s4;
	[sflag:s17] =	ssyncset.done $0x0  }
0xaf: {  	s31 =	sshrl.u32 s5, $0x3;
	p0 =	sne.s32 s4, s15;
	[sflag:s17] =	ssyncadd.s32 $0xFFFFC000  }
.Ltmp3:
0xb0: {  	s23 =	sor.u32 $0x1C03, s30;
	[bflag:$0x0] =	sbarrier.arrive $0xFFFF;
	(pc) =	sbr.rel @p0 .LBB2_1-.Ltmp3, $4  }
0xb1: {  	[hbm:s14], [sflag:s23] =	dma.local [spmem:s31], $0x2800  }
0xb2: {  	_ =	swait.ge [sflag:s17], $0x2800  }
0xb3: {  	[sflag:s17] =	ssyncset.done $0x0  }
0xb4: {  	[sflag:s17] =	ssyncadd.s32 $0xFFFFD800  }
0xb5: {  	_ =	sfence.sel $0x180000  }
0xb6: {  	[bflag:$0x0] =	sbarrier.arrive $0xFFFF  }
0xb7: {  	p0 =	sne.s32 s3, $0x0;
	_ =	strace $0x9000004D  }
0xb8: {  	s0 =	sadd.s32 @!p0 $0x100000, s0;
	[bflag:$0x2] =	sbarrier.arrive $0xFFFF  }
0xb9: {  	[sflag:s0] =	ssyncadd.tile.s32 @!p0 $0x1;
	_ =	shalt  }
.Lfunc_end2:
_tile_overlayer_lowered:
.L_overlay_start_2:
0xba: {  	(tag) =	ssettag $0x2  }
0xbb: {  	s0 =	rddreg [dreg:$0x0];
	s2 =	stileid.u32  }
0xbc: {  	s1 =	rddreg [dreg:$0x1];
	p0 =	sne.s32 s2, $0x0  }
0xbd: {  	s3 =	rddreg [dreg:$0x2];
	[bflag:$0x3] =	sbarrier.arrive $0xFFFF;
	s2 =	simm.s32 @!p0 $0x1C03  }
0xbe: {  	[timem:s3], [sflag:s2] =	dma.local @!p0 [hbm:s0], s1  }
0xbf: {  	s0 =	simm.s32 @!p0 $0x3  }
0xc0: {  	_ =	swait.ge @!p0 [sflag:s0], s1  }
0xc1: {  	s1 =	ssub.s32 @!p0 $0x0, s1;
	[sflag:s0] =	ssyncset.done @!p0 $0x0  }
0xc2: {  	[sflag:s0] =	ssyncadd.s32 @!p0 s1  }
0xc3: {  	[bflag:$0x3] =	sbarrier.arrive $0xFFFF  }
0xc4: {  	_ =	shalt  }

// kernel: kernel.8.cloned.1.call-start
scs
__scs_entry_jumppad:
0x0: {  	(pc) =	sbr.rel $0x88, $3  }
0x1: {  	(tag) =	ssettag $0x0;
	lr =	simm.s32 $0x1  }
0x2: {  	[smem:$0x3F99] =	sst lr;
	_ =	strace $0xD0000000  }
0x3: {  	_ = 	snop  }
0x4: {  	_ = 	snop  }
0x5: {  	_ = 	snop  }
0x6: {  	_ = 	snop  }
0x7: {  	_ = 	snop  }
__scs_overlays_trampoline_lowered:
0x8: {  	[smem:$0x3FA8] =	sst s0  }
0x9: {  	[smem:$0x3FA9] =	sst s1  }
0xa: {  	[smem:$0x3FAA] =	sst s2  }
0xb: {  	[smem:$0x3FAB] =	sst s3  }
0xc: {  	[smem:$0x3FAC] =	sst s4  }
0xd: {  	[smem:$0x3FAD] =	sst s5  }
0xe: {  	[smem:$0x3FAE] =	sst s6  }
0xf: {  	[smem:$0x3FAF] =	sst s7  }
0x10: {  	[smem:$0x3FB0] =	sst s8  }
0x11: {  	[smem:$0x3FB1] =	sst s9;
	s0 =	simm.s32 @!p0 $0x0  }
0x12: {  	s1 =	sld [smem:$0x3F97];
	s0 =	simm.s32 @p0 $0x1  }
0x13: {  	[smem:$0x3FB2] =	sst s0;
	s0 =	simm.s32 @!p1 $0x0  }
0x14: {  	s2 =	sld [smem:$0x3F96];
	s0 =	simm.s32 @p1 $0x1  }
0x15: {  	[smem:$0x3FB3] =	sst s0;
	s0 =	simm.s32 @!p2 $0x0  }
0x16: {  	s3 =	sld [smem:$0x3FDB];
	s0 =	simm.s32 @p2 $0x1  }
0x17: {  	s4 =	simm.s32 $0x1BF5;
	[smem:$0x3FB5] =	sst s0  }
0x18: {  	s0 =	sld [smem:$0x3F98];
	_ =	swait.ge [sflag:s4], $0x0  }
0x19: {  	s7 =	sld [smem:$0x3F99]  }
0x1a: {  	s8 =	sadd.s32 $0xFFFFE003, lr  }
0x1b: {  	s9 =	sadd.s32 $0xFFFFFEF7, lr;
	s5 =	simm.s32 $0xFFFFFFFF;
	p2 =	slt.u32 s8, $0xFFFFF086  }
0x1c: {  	p1 =	slt.u32 s9, $0xF7A;
	s5 =	simm.s32 @!p2 $0x0  }
0x1d: {  	s5 =	simm.s32 @p1 $0x1;
	p0 =	seq.s32 s7, s2  }
0x1e: {  	s7 =	smul.u32 @!p0 $0xF7A, s2;
	p2 =	seq.s32 @!p0 s5, $0x0  }
0x1f: {  	s9 =	smul.u32 $0xF7A, s1;
	s8 =	simm.s32 @!p0 $0x1BF5;
	p2 =	por !p2, p0  }
0x20: {  	[sflag:s8] =	ssyncset.s32 @!p0 $0xFFFFF086;
	s6 =	sadd.s32 @!p0 s3, s7;
	s7 =	simm.s32 @!p0 $0x108  }
0x21: {  	s3 =	sadd.s32 s3, s9;
	s6 =	sadd.s32 @!p0 $0x88, s6;
	s7 =	simm.s32 @p2 $0x1082  }
0x22: {  	[simem:s7], [sflag:s8] =	dma.local @!p0 [hbm:s6], $0xF7A  }
0x23: {  	s9 =	sor.u32 $0xD0000000, s2;
	s6 =	simm.s32 $0x108;
	_ =	swait.ge @!p0 [sflag:s8], $0x0  }
0x24: {  	s3 =	sadd.s32 $0x88, s3;
	s6 =	simm.s32 @!p1 $0x1082;
	[sflag:s4] =	ssyncset.s32 $0xFFFFF086  }
0x25: {  	[simem:s6], [sflag:s4] =	dma.local [hbm:s3], $0xF7A  }
0x26: {  	[smem:$0x3F99] =	sst s1;
	(tag) =	ssettag s2;
	_ =	strace s9  }
0x27: {  	s1 =	sld [smem:$0x3FA9]  }
0x28: {  	s2 =	sld [smem:$0x3FAA]  }
0x29: {  	s4 =	sld [smem:$0x3FAC]  }
0x2a: {  	p0 =	seq.s32 s5, $0x0;
	s5 =	sld [smem:$0x3FAD]  }
0x2b: {  	s6 =	sld [smem:$0x3FAE]  }
0x2c: {  	s7 =	sld [smem:$0x3FAF]  }
0x2d: {  	s3 =	simm.s32 $0x108;
	s8 =	sld [smem:$0x3FB0]  }
0x2e: {  	s3 =	simm.s32 @!p0 $0x1082;
	s9 =	sld [smem:$0x3FB1]  }
0x2f: {  	lr =	sadd.s32 s0, s3;
	s0 =	sld [smem:$0x3FA8]  }
0x30: {  	s3 =	sld [smem:$0x3FAB]  }
0x31: {  	[smem:$0x3FB4] =	sst s10  }
0x32: {  	s10 =	sld [smem:$0x3FB2];
	_ =	sdelay $0x3  }
0x33: {  	p0 =	seq.s32 s10, $0x1;
	s10 =	sld [smem:$0x3FB4];
	_ =	sdelay $0x3  }
0x34: {  	[smem:$0x3FB4] =	sst s10  }
0x35: {  	s10 =	sld [smem:$0x3FB3];
	_ =	sdelay $0x3  }
0x36: {  	p1 =	seq.s32 s10, $0x1;
	s10 =	sld [smem:$0x3FB4];
	_ =	sdelay $0x3  }
0x37: {  	[smem:$0x3FB4] =	sst s10  }
0x38: {  	s10 =	sld [smem:$0x3FB5]  }
0x39: {  	_ = 	snop;
	(pc) =	sbr.ind lr, $3  }
0x3a: {  	_ = 	snop  }
0x3b: {  	_ = 	snop  }
0x3c: {  	p2 =	seq.s32 s10, $0x1;
	s10 =	sld [smem:$0x3FB4]  }
0x3d: {  	_ =	shalt  }
0x3e: {  	_ =	shalt  }
0x3f: {  	_ =	shalt  }
0x40: {  	_ =	shalt  }
0x41: {  	_ =	shalt  }
0x42: {  	_ =	shalt  }
0x43: {  	_ =	shalt  }
0x44: {  	_ =	shalt  }
0x45: {  	_ =	shalt  }
0x46: {  	_ =	shalt  }
0x47: {  	_ =	shalt  }
0x48: {  	_ =	shalt  }
0x49: {  	_ =	shalt  }
0x4a: {  	_ =	shalt  }
0x4b: {  	_ =	shalt  }
0x4c: {  	_ =	shalt  }
0x4d: {  	_ =	shalt  }
0x4e: {  	_ =	shalt  }
0x4f: {  	_ =	shalt  }
0x50: {  	_ =	shalt  }
0x51: {  	_ =	shalt  }
0x52: {  	_ =	shalt  }
0x53: {  	_ =	shalt  }
0x54: {  	_ =	shalt  }
0x55: {  	_ =	shalt  }
0x56: {  	_ =	shalt  }
0x57: {  	_ =	shalt  }
0x58: {  	_ =	shalt  }
0x59: {  	_ =	shalt  }
0x5a: {  	_ =	shalt  }
0x5b: {  	_ =	shalt  }
0x5c: {  	_ =	shalt  }
0x5d: {  	_ =	shalt  }
0x5e: {  	_ =	shalt  }
0x5f: {  	_ =	shalt  }
0x60: {  	_ =	shalt  }
0x61: {  	_ =	shalt  }
0x62: {  	_ =	shalt  }
0x63: {  	_ =	shalt  }
0x64: {  	_ =	shalt  }
0x65: {  	_ =	shalt  }
0x66: {  	_ =	shalt  }
0x67: {  	_ =	shalt  }
0x68: {  	_ =	shalt  }
0x69: {  	_ =	shalt  }
0x6a: {  	_ =	shalt  }
0x6b: {  	_ =	shalt  }
0x6c: {  	_ =	shalt  }
0x6d: {  	_ =	shalt  }
0x6e: {  	_ =	shalt  }
0x6f: {  	_ =	shalt  }
0x70: {  	_ =	shalt  }
0x71: {  	_ =	shalt  }
0x72: {  	_ =	shalt  }
0x73: {  	_ =	shalt  }
0x74: {  	_ =	shalt  }
0x75: {  	_ =	shalt  }
0x76: {  	_ =	shalt  }
0x77: {  	_ =	shalt  }
0x78: {  	_ =	shalt  }
0x79: {  	_ =	shalt  }
0x7a: {  	_ =	shalt  }
0x7b: {  	_ =	shalt  }
0x7c: {  	_ =	shalt  }
0x7d: {  	_ =	shalt  }
0x7e: {  	_ =	shalt  }
0x7f: {  	_ =	shalt  }
0x80: {  	_ =	shalt  }
0x81: {  	_ =	shalt  }
0x82: {  	_ =	shalt  }
0x83: {  	_ =	shalt  }
0x84: {  	_ =	shalt  }
0x85: {  	_ =	shalt  }
0x86: {  	_ =	shalt  }
0x87: {  	_ =	shalt  }
.Lfunc_end0:
.L_simem_size_0:
called_computation_lowered:
.L_overlay_start_0:
0x88: {  	s2 =	sld [smem:$0x3FD9]  }
0x89: {  	s3 =	sld [smem:$0x3FFE];
	_ =	sdelay $0x1  }
0x8a: {  	s1 =	srdreg.scid  }
0x8b: {  	s0 =	sand.u32 $0x1, s1  }
0x8c: {  	s17 =	sshll.u32 s0, $0xA;
	s2 =	sadd.s32 s3, s2  }
0x8d: {  	s2 =	sadd.s32 s2, s17  }
0x8e: {  	[smem:$0x3FC0] =	sst s2  }
0x8f: {  	_ = 	snop  }
0x90: {  	s2 =	sld [smem:$0x3FD0];
	(tm) =	ssettm $0x1  }
0x91: {  	s18 =	sld [smem:$0x3FFB];
	_ =	sdelay $0x3  }
0x92: {  	_ =	strace s18  }
0x93: {  	s3 =	sld [smem:$0x3FFC];
	_ =	sdelay $0x3  }
0x94: {  	_ =	strace s3  }
0x95: {  	s3 =	sld [smem:$0x3FFD];
	_ =	sdelay $0x3  }
0x96: {  	_ =	strace s3  }
0x97: {  	_ =	strace $0x8FFFFFFF  }
0x98: {  	s19 =	sld [smem:$0x3FDB];
	_ =	sdelay $0x1  }
0x99: {  	s4 =	simm.s32 $_scs_section_size  }
0x9a: {  	s5 =	simm.s32 $_size__tile_overlayer_lowered;
	s6 =	simm.s32 $_tile_overlayer_lowered  }
0x9b: {  	s22 =	simm.s32 $0x1BFF;
	s21 =	sshll.u32 s6, $0x1;
	s3 =	sadd.s32 s4, s19  }
0x9c: {  	s7 =	simm.s32 $0x0;
	s20 =	sshll.u32 s5, $0x1;
	s5 =	sadd.s32 s21, s3  }
0x9d: {  	[timem:s7], [sflag:s22] =	dma.local [hbm:s5], s20  }
0x9e: {  	_ =	swait.ge [sflag:s22], s20  }
0x9f: {  	s4 =	ssub.s32 $0x0, s20;
	[sflag:s22] =	ssyncset.done $0x0  }
0xa0: {  	[sflag:s22] =	ssyncadd.s32 s4;
	_ =	sdelay $0x1  }
0xa1: {  	s23 =	simm.s32 $0x1B8B  }
0xa2: {  	_ =	swait.ge [sflag:s23], $0x1  }
0xa3: {  	[sflag:s23] =	ssyncset.done $0x0  }
0xa4: {  	s25 =	simm.s32 $0x1B8E;
	s24 =	sld [smem:$0x3FFE];
	[sflag:s23] =	ssyncadd.s32 $0xFFFFFFFF  }
0xa5: {  	s26 =	simm.s32 $execute0_lowered;
	[smem:$0x3FD2] =	sst s25  }
0xa6: {  	s5 =	sshll.u32 s26, $0x1;
	_ =	strace $0x80000046;
	[dreg:$0x1] =	wrdreg $0xFFFFFFFF  }
0xa7: {  	s28 =	simm.s32 $_size_execute0_lowered;
	s3 =	sadd.s32 s3, s5;
	[dreg:$0x0] =	wrdreg $0x0  }
0xa8: {  	s5 =	sshll.u32 s28, $0x1;
	[dreg:$0x2] =	wrdreg s3  }
0xa9: {  	[dreg:$0x3] =	wrdreg s5  }
0xaa: {  	[dreg:$0x4] =	wrdreg $0xC0  }
0xab: {  	_ =	task [dreg:s7], $0x5FFFF  }
0xac: {  	[dreg:$0x1] =	wrdreg $0xFFFFFFFF  }
0xad: {  	[dreg:$0x0] =	wrdreg $0x60  }
0xae: {  	[dreg:$0x2] =	wrdreg s24  }
0xaf: {  	[dreg:$0x3] =	wrdreg s2  }
0xb0: {  	[dreg:$0x4] =	wrdreg $0x15000  }
0xb1: {  	[dreg:$0x5] =	wrdreg $0x9  }
0xb2: {  	_ =	task.clear_ibuf [dreg:s7], $0x6FFFF;
	_ =	strace $0x90000046  }
0xb3: {  	s29 =	simm.s32 $0x9;
	_ =	strace $0x80000048  }
0xb4: {  	_ =	swait.ge [sflag:s29], $0x1  }
0xb5: {  	[sflag:s29] =	ssyncadd.s32 $0xFFFFFFFF  }
0xb6: {  	_ =	strace $0x90000048  }
0xb7: {  	_ =	sfence  }
0xb8: {  	s30 =	sld [smem:$0x0];
	_ =	sdelay $0x2  }
0xb9: {  	s31 =	sshll.u32 s1, $0xD;
	s1 =	sshrl.u32 s1, $0x2  }
0xba: {  	s3 =	sand.u32 $0x4000, s31;
	s1 =	sadd.s32 s1, s30  }
0xbb: {  	s0 =	sor.u32 s3, s0;
	s1 =	sshll.u32 s1, $0x11  }
0xbc: {  	s0 =	sor.u32 s1, s0  }
0xbd: {  	s0 =	sadd.s32 $0x8F2B, s0  }
0xbe: {  	[sflag:s0] =	ssyncadd.remote.s32 $0x1  }
0xbf: {  	_ =	sfence.sel $0xFFFF  }
0xc0: {  	[dreg:$0x0] =	wrdreg $0xFFFFFFFF;
	(pc) =	sbr.abs _section_cstart, $3  }
0xc1: {  	[dreg:$0x1] =	wrdreg $0xFFFFFFFF  }
0xc2: {  	_ =	task.clear_ibuf [dreg:s7], $0x2FFFF;
	_ =	strace $0x9FFFFFFF  }
0xc3: {  	(tm) =	ssettm $0x7FFFFFFF  }
tec
execute0_lowered:
.L_overlay_start_1:
0x0: {  	(tag) =	ssettag $0x1  }
0x1: {  	s4 =	rddreg [dreg:$0x0]  }
0x2: {  	s11 =	rddreg [dreg:$0x1]  }
0x3: {  	s0 =	srdreg.scid;
	s2 =	rddreg [dreg:$0x2]  }
0x4: {  	s3 =	simm.s32 $0x0;
	s14 =	simm.s32 $0x1;
	s15 =	simm.s32 $0x80  }
0x5: {  	s16 =	simm.s32 $0x1400;
	s19 =	simm.s32 $0x20;
	s20 =	simm.s32 $0x10  }
0x6: {  	s21 =	simm.s32 $0x0;
	s7 =	sand.u32 $0x1, s0;
	s0 =	stileid.u32  }
0x7: {  	[smem:$0x7FF] =	sst s3;
	s1 =	sshll.u32 s7, $0x4;
	s6 =	smul.u32 $0xA00, s0  }
0x8: {  	s8 =	ssub.s32 $0x2, s7;
	s9 =	smul.u32 $0x500, s0;
	s13 =	sshll.u32 s7, $0x7  }
0x9: {  	s17 =	sshll.u32 s0, $0x6;
	s5 =	sor.u32 s0, s1;
	s1 =	rddreg [dreg:$0x3]  }
0xa: {  	_ =	strace $0x80000047;
	s30 =	sshrl.u32 s8, $0x1;
	s5 =	smul.u32 $0x2800, s5  }
0xb: {  	s17 =	sor.u32 $0x1C01, s17;
	s31 =	sshrl.u32 s6, $0x2;
	s13 =	sor.u32 s13, s9  }
0xc: {  	s12 =	ssub.s32 s8, s30;
	s13 =	sshrl.u32 s13, $0x3;
	s5 =	sshrl.u32 s5, $0x3  }
0xd: {  	s12 =	smax.u32 s12, $0x1;
	s10 =	sadd.s32 s5, s4;
	s4 =	sadd.s32 s31, s2  }
0xe: {  	s11 =	sadd.s32 s11, s13;
	s13 =	simm.s32 $0x1480;
	s5 =	sadd.s32 $0x80, s4  }
0xf: {  	s6 =	sadd.s32 $0x100, s4;
	s7 =	sadd.s32 $0x180, s4;
	s8 =	sadd.s32 $0x200, s4  }
0x10: {  	v0 =	vimm.f32 $1.000000000e+00;
	v1 =	vimm.f32 $0.0e+00;
	s9 =	sadd.s32 $0x2E00, s10;
	s10 =	sadd.s32 $0x3080, s10;
	s18 =	sshrl.u32 s4, $0x3  }
.LBB2_1:
0x11: {  	[tilespmem:$0x1400] =	vst v0  }
0x12: {  	[tilespmem:$0x1480] =	vst v1  }
0x13: {  	[tilespmem:$0x1410] =	vst v0  }
0x14: {  	[tilespmem:$0x1490] =	vst v1  }
0x15: {  	[tilespmem:$0x1420] =	vst v0  }
0x16: {  	[tilespmem:$0x14A0] =	vst v1  }
0x17: {  	[tilespmem:$0x1430] =	vst v0  }
0x18: {  	[tilespmem:$0x14B0] =	vst v1  }
0x19: {  	[tilespmem:$0x1440] =	vst v0  }
0x1a: {  	[tilespmem:$0x14C0] =	vst v1  }
0x1b: {  	[tilespmem:$0x1450] =	vst v0  }
0x1c: {  	[tilespmem:$0x14D0] =	vst v1  }
0x1d: {  	[tilespmem:$0x1460] =	vst v0  }
0x1e: {  	[tilespmem:$0x14E0] =	vst v1  }
0x1f: {  	[tilespmem:$0x1470] =	vst v0  }
0x20: {  	[tilespmem:$0x14F0] =	vst v1  }
0x21: {  	[spmem:s4] =	stream.linear.scatter [tilespmem:s13], [sflag:$0x1], $0x80, $0x38;
	[tilespmem:$0x1780] =	vst v63  }
0x22: {  	_ =	swait.ge [sflag:s14], $0x80  }
0x23: {  	[sflag:s14] =	ssyncset.done $0x0  }
0x24: {  	[sflag:s14] =	ssyncadd.s32 $0xFFFFFF80  }
0x25: {  	[spmem:s5] =	stream.linear.scatter [tilespmem:s13], [sflag:$0x1], $0x80, $0x38;
	[tilespmem:$0x1780] =	vst v63  }
0x26: {  	_ =	swait.ge [sflag:s14], $0x80  }
0x27: {  	[sflag:s14] =	ssyncset.done $0x0  }
0x28: {  	[sflag:s14] =	ssyncadd.s32 $0xFFFFFF80  }
0x29: {  	[spmem:s6] =	stream.linear.scatter [tilespmem:s13], [sflag:$0x1], $0x80, $0x38;
	[tilespmem:$0x1780] =	vst v63  }
0x2a: {  	_ =	swait.ge [sflag:s14], $0x80  }
0x2b: {  	[sflag:s14] =	ssyncset.done $0x0  }
0x2c: {  	[sflag:s14] =	ssyncadd.s32 $0xFFFFFF80  }
0x2d: {  	[spmem:s7] =	stream.linear.scatter [tilespmem:s13], [sflag:$0x1], $0x80, $0x38;
	[tilespmem:$0x1780] =	vst v63  }
0x2e: {  	_ =	swait.ge [sflag:s14], $0x80  }
0x2f: {  	[sflag:s14] =	ssyncset.done $0x0  }
0x30: {  	[sflag:s14] =	ssyncadd.s32 $0xFFFFFF80  }
0x31: {  	[spmem:s8] =	stream.linear.scatter [tilespmem:s13], [sflag:$0x1], $0x80, $0x38;
	[tilespmem:$0x1780] =	vst v63  }
0x32: {  	_ =	swait.ge [sflag:s14], $0x80  }
0x33: {  	[sflag:s14] =	ssyncset.done $0x0  }
0x34: {  	[sflag:s14] =	ssyncadd.s32 $0xFFFFFF80  }
0x35: {  	[bflag:$0x0] =	sbarrier.arrive $0xFFFF  }
0x36: {  	[tilespmem:s3], [sflag:$0x1] =	stream.linear.gather [hbm4b:s9+s3], $0x1400, $0x38;
	[tilespmem:$0x1780] =	vst v63  }
0x37: {  	_ =	swait.ge [sflag:s14], $0x1400  }
0x38: {  	[sflag:s14] =	ssyncset.done $0x0  }
0x39: {  	s22 =	simm.s32 $0x0;
	[sflag:s14] =	ssyncadd.s32 $0xFFFFEC00  }
0x3a: {  	[spmem:s2] =	stream.indirect.scatter.add.f32 [tilespmem:s16], [sflag:$0x1], $0x1, s22, s15, $0xb8;
	[tilespmem:$0x1780] =	vst v63  }
0x3b: {  	_ =	swait.ge [sflag:s14], $0x80  }
0x3c: {  	s22 =	simm.s32 $0x200;
	[sflag:s14] =	ssyncset.done $0x0  }
.LBB2_2:
0x3d: {  	s23 =	sshra.s32 s22, $0x2;
	[sflag:s14] =	ssyncadd.s32 $0xFFFFFF80;
	p0 =	sne.s32 s22, $0x4E00  }
0x3e: {  	[spmem:s2] =	stream.indirect.scatter.add.f32 [tilespmem:s16], [sflag:$0x1], $0x1, s23, s15, $0xb8;
	[tilespmem:$0x1780] =	vst v63  }
.Ltmp0:
0x3f: {  	_ = 	snop;
	(pc) =	sbr.rel @p0 .LBB2_2-.Ltmp0, $4  }
0x40: {  	_ = 	snop  }
0x41: {  	s22 =	sadd.s32 $0x200, s22  }
0x42: {  	_ =	swait.ge [sflag:s14], $0x80  }
0x43: {  	[sflag:s14] =	ssyncset.done $0x0  }
0x44: {  	[sflag:s14] =	ssyncadd.s32 $0xFFFFFF80;
	s22 =	simm.s32 $0x0  }
0x45: {  	[tilespmem:s22], [sflag:$0x1] =	stream.linear.gather [hbm4b:s10+s22], $0x1400, $0x38;
	[tilespmem:$0x1780] =	vst v63  }
0x46: {  	_ =	swait.ge [sflag:s14], $0x1400  }
0x47: {  	[sflag:s14] =	ssyncset.done $0x0  }
0x48: {  	s31 =	simm.s32 $0x0;
	[sflag:s14] =	ssyncadd.s32 $0xFFFFEC00  }
0x49: {  	[spmem:s2] =	stream.indirect.scatter.add.f32 [tilespmem:s16], [sflag:$0x1], $0x1, s31, s15, $0xb8;
	[tilespmem:$0x1780] =	vst v63  }
0x4a: {  	_ =	swait.ge [sflag:s14], $0x80  }
0x4b: {  	s22 =	simm.s32 $0x200;
	[sflag:s14] =	ssyncset.done $0x0  }
.LBB2_4:
0x4c: {  	s23 =	sshra.s32 s22, $0x2;
	[sflag:s14] =	ssyncadd.s32 $0xFFFFFF80;
	p0 =	sne.s32 s22, $0x4E00  }
0x4d: {  	[spmem:s2] =	stream.indirect.scatter.add.f32 [tilespmem:s16], [sflag:$0x1], $0x1, s23, s15, $0xb8;
	[tilespmem:$0x1780] =	vst v63  }
.Ltmp1:
0x4e: {  	_ = 	snop;
	(pc) =	sbr.rel @p0 .LBB2_4-.Ltmp1, $4  }
0x4f: {  	_ = 	snop  }
0x50: {  	s22 =	sadd.s32 $0x200, s22  }
0x51: {  	_ =	swait.ge [sflag:s14], $0x80  }
0x52: {  	[sflag:s14] =	ssyncset.done $0x0  }
0x53: {  	s21 =	sadd.s32 $0x1, s21  }
0x54: {  	[sflag:s14] =	ssyncadd.s32 $0xFFFFFF80;
	p0 =	sne.s32 s21, s12  }
.Ltmp2:
0x55: {  	[bflag:$0x0] =	sbarrier.arrive $0xFFFF;
	(pc) =	sbr.rel @p0 .LBB2_1-.Ltmp2, $4  }
0x56: {  	[hbm:s11@s19], [sflag:s17] =	dma.strided [spmem:s18@s20], $0x50, s14, $0x10   }
0x57: {  	_ =	swait.ge [sflag:s14], $0x50  }
0x58: {  	[sflag:s14] =	ssyncset.done $0x0  }
0x59: {  	[sflag:s14] =	ssyncadd.s32 $0xFFFFFFB0  }
0x5a: {  	_ =	sfence.sel $0x180000  }
0x5b: {  	[bflag:$0x0] =	sbarrier.arrive $0xFFFF  }
0x5c: {  	p0 =	sne.s32 s0, $0x0;
	_ =	strace $0x90000047  }
0x5d: {  	s0 =	sadd.s32 @!p0 $0x100000, s1;
	[bflag:$0x2] =	sbarrier.arrive $0xFFFF  }
0x5e: {  	[sflag:s0] =	ssyncadd.tile.s32 @!p0 $0x1;
	_ =	shalt  }
.Lfunc_end2:
_tile_overlayer_lowered:
.L_overlay_start_2:
0x5f: {  	(tag) =	ssettag $0x2  }
0x60: {  	s0 =	rddreg [dreg:$0x0];
	s2 =	stileid.u32  }
0x61: {  	s1 =	rddreg [dreg:$0x1];
	p0 =	sne.s32 s2, $0x0  }
0x62: {  	s3 =	rddreg [dreg:$0x2];
	[bflag:$0x3] =	sbarrier.arrive $0xFFFF;
	s2 =	simm.s32 @!p0 $0x1C01  }
0x63: {  	[timem:s3], [sflag:s2] =	dma.local @!p0 [hbm:s0], s1  }
0x64: {  	s0 =	simm.s32 @!p0 $0x1  }
0x65: {  	_ =	swait.ge @!p0 [sflag:s0], s1  }
0x66: {  	s1 =	ssub.s32 @!p0 $0x0, s1;
	[sflag:s0] =	ssyncset.done @!p0 $0x0  }
0x67: {  	[sflag:s0] =	ssyncadd.s32 @!p0 s1  }
0x68: {  	[bflag:$0x3] =	sbarrier.arrive $0xFFFF  }
0x69: {  	_ =	shalt  }

</sc_bundles>
